<compile_context>
chip_gen: v7x
topology: tpu7x:2x2x1
jax: 0.10.2.dev20260603
libtpu: 0.0.44.dev20260713+nightly
codegen_flags: <defaults>
</compile_context>

<pallas_src>
import functools

import jax
import jax.numpy as jnp
from jax import lax
from jax.experimental import pallas as pl
from jax.experimental.pallas import tpu as pltpu
from jax.experimental.pallas import tpu_sc as plsc

N = 10000
E = 320000
F = 128
G = 64
EPS = 1e-10
SCALAR = 20

NC = 2
NS = 16
NW = NC * NS
CHUNK = 128
NCHT = E // CHUNK
NCH = NCHT // NW
NEXTRA = NCHT - NCH * NW
CAP = (NCH + 1) * CHUNK
ZR = 632
NP = NS * ZR

_mesh = plsc.VectorSubcoreMesh(core_axis_name="c", subcore_axis_name="s")


@functools.partial(
    pl.kernel,
    out_type=jax.ShapeDtypeStruct((NC, NP, F), jnp.float32),
    mesh=_mesh,
    scratch_types=[
        pltpu.VMEM((CAP,), jnp.int32),
        pltpu.VMEM((CHUNK,), jnp.int32),
        pltpu.VMEM((CHUNK,), jnp.int32),
        pltpu.VMEM((CHUNK,), jnp.int32),
        pltpu.VMEM((CHUNK,), jnp.int32),
        pltpu.VMEM((CHUNK, F), jnp.float32),
        pltpu.VMEM((CHUNK, F), jnp.float32),
        pltpu.VMEM_SHARED((NP, F), jnp.float32),
        pltpu.SemaphoreType.DMA,
        pltpu.SemaphoreType.DMA,
        pltpu.SemaphoreType.DMA,
        pltpu.SemaphoreType.DMA,
    ],
)
def _seg_sum(h_hbm, packed_hbm, zeros_hbm, out_hbm,
             packed_v, src0_v, src1_v, dst0_v, dst1_v, rows0_v, rows1_v,
             agg_sh, sem_g0, sem_g1, sem_s0, sem_s1):
    c = lax.axis_index("c")
    s = lax.axis_index("s")
    wid = c * NS + s
    base_w = wid * (NCH * CHUNK) + jnp.minimum(wid, NEXTRA) * CHUNK
    has_extra = wid < NEXTRA

    bufs = (rows0_v, rows1_v)
    srcs = (src0_v, src1_v)
    dsts = (dst0_v, dst1_v)
    gsems = (sem_g0, sem_g1)
    ssems = (sem_s0, sem_s1)

    def unpack(i, b):
        for k in range(CHUNK // 16):
            v = packed_v[pl.ds(i * CHUNK + k * 16, 16)]
            srcs[b][pl.ds(k * 16, 16)] = jnp.bitwise_and(v, 0x3FFF)
            dsts[b][pl.ds(k * 16, 16)] = jnp.right_shift(v, 14)

    def g_start(i, b):
        pltpu.async_copy(h_hbm.at[srcs[b]], bufs[b], gsems[b])

    def g_wait(b):
        pltpu.make_async_copy(h_hbm.at[pl.ds(0, CHUNK)], bufs[b],
                              gsems[b]).wait()

    def s_start(i, b):
        pltpu.async_copy(bufs[b], agg_sh.at[dsts[b]], ssems[b], add=True)

    def s_wait(b):
        pltpu.make_async_copy(bufs[b], agg_sh.at[pl.ds(0, CHUNK)],
                              ssems[b]).wait()

    pltpu.sync_copy(packed_hbm.at[pl.ds(base_w, CAP)], packed_v)
    unpack(0, 0)
    g_start(0, 0)
    unpack(1, 1)
    g_start(1, 1)
    pltpu.sync_copy(zeros_hbm, agg_sh.at[pl.ds(s * ZR, ZR)])
    plsc.subcore_barrier()

    def body(j, carry):
        i0 = 2 * j
        g_wait(0)
        s_start(i0, 0)
        s_wait(0)

        @pl.when(jnp.logical_or(i0 + 2 < NCH, has_extra))
        def _():
            unpack(i0 + 2, 0)
            g_start(i0 + 2, 0)

        g_wait(1)
        s_start(i0 + 1, 1)
        s_wait(1)

        @pl.when(i0 + 3 < NCH)
        def _():
            unpack(i0 + 3, 1)
            g_start(i0 + 3, 1)

        return carry

    lax.fori_loop(0, NCH // 2, body, 0)

    @pl.when(has_extra)
    def _():
        g_wait(0)
        s_start(NCH, 0)
        s_wait(0)

    plsc.subcore_barrier()
    pltpu.sync_copy(agg_sh.at[pl.ds(s * ZR, ZR)],
                    out_hbm.at[c, pl.ds(s * ZR, ZR)])



def _prescale_body(x_ref, batch_ref, nimp_ref, h0_ref):
    b = batch_ref[...]
    nimp = nimp_ref[...]
    gids = lax.broadcasted_iota(jnp.int32, (N, G), 1)
    mask = b == gids
    neg = jnp.float32(-1e30)
    segmax = jnp.max(jnp.where(mask, nimp, neg), axis=0, keepdims=True)
    pmax = jnp.max(jnp.where(mask, segmax, neg), axis=1, keepdims=True)
    ni = nimp / (pmax + EPS)
    ni = (2.0 * ni - 1.0) / (2.0 * SCALAR) + 1.0
    h0_ref[pl.ds(0, N), :] = x_ref[...] * ni
    h0_ref[pl.ds(N, NP - N), :] = jnp.zeros((NP - N, F), jnp.float32)


def _prescale(x, batch2d, nimp2d):
    return pl.pallas_call(
        _prescale_body,
        out_shape=jax.ShapeDtypeStruct((NP, F), jnp.float32),
    )(x, batch2d, nimp2d)


_RB = 632


def _layer_body(p_ref, h_ref, W1_ref, b1_ref, W2_ref, b2_ref, o_ref):
    z = p_ref[0] + p_ref[1] + h_ref[...]
    a = jnp.dot(z, W1_ref[...], preferred_element_type=jnp.float32)
    a = jnp.maximum(a + b1_ref[...], 0.0)
    o = jnp.dot(a, W2_ref[...], preferred_element_type=jnp.float32)
    o_ref[...] = jnp.maximum(o + b2_ref[...], 0.0)


def _gin_layer(p, h, W1, b1, W2, b2):
    nblk = NP // _RB
    return pl.pallas_call(
        _layer_body,
        grid=(nblk,),
        in_specs=[
            pl.BlockSpec((NC, _RB, F), lambda i: (0, i, 0)),
            pl.BlockSpec((_RB, F), lambda i: (i, 0)),
            pl.BlockSpec((F, F), lambda i: (0, 0)),
            pl.BlockSpec((1, F), lambda i: (0, 0)),
            pl.BlockSpec((F, F), lambda i: (0, 0)),
            pl.BlockSpec((1, F), lambda i: (0, 0)),
        ],
        out_specs=pl.BlockSpec((_RB, F), lambda i: (i, 0)),
        out_shape=jax.ShapeDtypeStruct((NP, F), jnp.float32),
    )(p, h, W1, b1, W2, b2)


def _pool_body(x1_ref, x2_ref, x3_ref, batch_ref, o_ref):
    b = batch_ref[...]
    gids = lax.broadcasted_iota(jnp.int32, (NP, G), 1)
    mask = (b == gids).astype(jnp.float32)
    counts = jnp.maximum(jnp.sum(mask, axis=0, keepdims=True), 1.0)
    dn = (((0,), (0,)), ((), ()))
    for k, xr in enumerate((x1_ref, x2_ref, x3_ref)):
        p = lax.dot_general(mask, xr[...], dn,
                            preferred_element_type=jnp.float32)
        o_ref[:, k * F:(k + 1) * F] = p / counts.T


def _pool(x1, x2, x3, batch2d):
    return pl.pallas_call(
        _pool_body,
        out_shape=jax.ShapeDtypeStruct((G, 3 * F), jnp.float32),
    )(x1, x2, x3, batch2d)



def kernel(x, edge_index, batch, node_imp,
           W1_0, b1_0, W2_0, b2_0,
           W1_1, b1_1, W2_1, b2_1,
           W1_2, b1_2, W2_2, b2_2):
    src = edge_index[0].astype(jnp.int32)
    dst = edge_index[1].astype(jnp.int32)
    packed = jnp.concatenate(
        [src | (dst << 14), jnp.zeros((CHUNK,), jnp.int32)])
    batch2d = batch.astype(jnp.int32).reshape(N, 1)
    batch2d_p = jnp.concatenate(
        [batch2d, jnp.full((NP - N, 1), -1, jnp.int32)], axis=0)
    nimp2d = node_imp.reshape(N, 1)
    zeros = jnp.zeros((ZR, F), jnp.float32)

    h = _prescale(x, batch2d, nimp2d)

    params = [(W1_0, b1_0, W2_0, b2_0),
              (W1_1, b1_1, W2_1, b2_1),
              (W1_2, b1_2, W2_2, b2_2)]
    xs = []
    for (W1, b1, W2, b2) in params:
        p = _seg_sum(h, packed, zeros)
        h = _gin_layer(p, h, W1, b1.reshape(1, F), W2, b2.reshape(1, F))
        xs.append(h)

    graph_emb = _pool(xs[0], xs[1], xs[2], batch2d_p)
    node_emb = jnp.concatenate([xx[:N] for xx in xs], axis=1)
    return graph_emb, node_emb

# --- scband reference (transcript-rebuilt; emitter-appended) ---
"""Pipeline reference for scband-msib-gin-57724360458775 (READ-ONLY COPY).

The authoritative reference and input builder live on the scoring server;
editing this copy changes nothing except your own understanding.
"""

import jax, jax.numpy as jnp
import numpy as np

N = 10000
E = 320000
F_IN = 128
DIM = 128
G = 64
LAYERS = 3
EPS = 1e-10
SCALAR = 20


def setup_inputs(seed: int = 0) -> dict:
    key = jax.random.key(seed)
    ks = jax.random.split(key, 20)
    x = jax.random.normal(ks[0], (N, F_IN), dtype=jnp.float32)
    edge_index = jax.random.randint(ks[1], (2, E), 0, N)
    batch = jnp.sort(jax.random.randint(ks[2], (N,), 0, G))
    node_imp = jax.random.uniform(ks[3], (N,), dtype=jnp.float32)
    inp = {"x": x, "edge_index": edge_index, "batch": batch, "node_imp": node_imp}
    k = 4
    for i in range(LAYERS):
        din = F_IN if i == 0 else DIM
        inp[f"W1_{i}"] = jax.random.normal(ks[k], (din, DIM), dtype=jnp.float32) * (1.0 / np.sqrt(din)); k += 1
        inp[f"b1_{i}"] = jnp.zeros((DIM,), dtype=jnp.float32)
        inp[f"W2_{i}"] = jax.random.normal(ks[k], (DIM, DIM), dtype=jnp.float32) * (1.0 / np.sqrt(DIM)); k += 1
        inp[f"b2_{i}"] = jnp.zeros((DIM,), dtype=jnp.float32)
    return inp


def _mlp(h, W1, b1, W2, b2):
    return jnp.maximum(h @ W1 + b1, 0.0) @ W2 + b2


def reference(x, edge_index, batch, node_imp,
              W1_0, b1_0, W2_0, b2_0,
              W1_1, b1_1, W2_1, b2_1,
              W1_2, b1_2, W2_2, b2_2):
    # node importance rescaling (scatter_max over graphs)
    ni_det = jax.lax.stop_gradient(node_imp)
    out = jax.ops.segment_max(ni_det, batch, num_segments=G)
    out = out[batch]
    ni = node_imp / (out + EPS)
    ni = (2.0 * ni - 1.0) / (2.0 * SCALAR) + 1.0
    h = x * ni[:, None]

    src = edge_index[0]
    dst = edge_index[1]
    params = [(W1_0, b1_0, W2_0, b2_0), (W1_1, b1_1, W2_1, b2_1), (W1_2, b1_2, W2_2, b2_2)]
    xs = []
    for (W1, b1, W2, b2) in params:
        agg = jax.ops.segment_sum(h[src], dst, num_segments=N)
        h = jnp.maximum(_mlp(agg + h, W1, b1, W2, b2), 0.0)
        xs.append(h)

    counts = jax.ops.segment_sum(jnp.ones((N,), dtype=jnp.float32), batch, num_segments=G)
    counts = jnp.maximum(counts, 1.0)
    pooled = [jax.ops.segment_sum(xx, batch, num_segments=G) / counts[:, None] for xx in xs]
    graph_emb = jnp.concatenate(pooled, axis=1)
    node_emb = jnp.concatenate(xs, axis=1)
    return graph_emb, node_emb

if __name__ == "__main__":
    import jax
    _d = setup_inputs()
    print(jax.jit(kernel)(*tuple(_d.values())))

</pallas_src>

<mosaic_0001>
#map = affine_map<(d0, d1) -> (0, 0)>
#map1 = affine_map<(d0, d1) -> (0)>
#map2 = affine_map<(d0, d1) -> (0, 0, 0)>
module attributes {stable_mosaic.version = 14 : i64} {
  func.func @_seg_sum(%arg0: i32, %arg1: i32, %arg2: memref<10112x128xf32, #tpu.memory_space<hbm>>, %arg3: memref<320128xi32, #tpu.memory_space<hbm>>, %arg4: memref<632x128xf32, #tpu.memory_space<hbm>>, %arg5: memref<2x10112x128xf32, #tpu.memory_space<hbm>>, %arg6: memref<10112xi32, #tpu.memory_space<vmem>>, %arg7: memref<128xi32, #tpu.memory_space<vmem>>, %arg8: memref<128xi32, #tpu.memory_space<vmem>>, %arg9: memref<128xi32, #tpu.memory_space<vmem>>, %arg10: memref<128xi32, #tpu.memory_space<vmem>>, %arg11: memref<128x128xf32, #tpu.memory_space<vmem>>, %arg12: memref<128x128xf32, #tpu.memory_space<vmem>>, %arg13: memref<10112x128xf32, #tpu.memory_space<vmem_shared>>, %arg14: memref<!tpu.dma_semaphore, #tpu.memory_space<semaphore_mem>>, %arg15: memref<!tpu.dma_semaphore, #tpu.memory_space<semaphore_mem>>, %arg16: memref<!tpu.dma_semaphore, #tpu.memory_space<semaphore_mem>>, %arg17: memref<!tpu.dma_semaphore, #tpu.memory_space<semaphore_mem>>) attributes {dimension_semantics = [#tpu.dimension_semantics<core_parallel>, #tpu.dimension_semantics<subcore_parallel>], iteration_bounds = array<i64: 2, 16>, scalar_prefetch = 0 : i64, scratch_operands = 12 : i64, tpu.core_type = #tpu.core_type<sc_vector_subcore>, window_params = [{transform_indices = #map}, {transform_indices = #map1}, {transform_indices = #map}, {transform_indices = #map2}]} {
    %mul3A = arith.constant 16 : i32
    %mul3A_0 = arith.muli %arg0, %mul3A : i32
    %add3A = arith.addi %mul3A_0, %arg1 : i32
    %mul3A_1 = arith.constant 9984 : i32
    %mul3A_2 = arith.muli %add3A, %mul3A_1 : i32
    %min3A = arith.constant 4 : i32
    %min3A_3 = arith.minsi %add3A, %min3A : i32
    %mul3A_4 = arith.constant 128 : i32
    %mul3A_5 = arith.muli %min3A_3, %mul3A_4 : i32
    %add3A_6 = arith.addi %mul3A_2, %mul3A_5 : i32
    %lt3A = arith.constant 4 : i32
    %lt3A_7 = arith.cmpi slt, %add3A, %lt3A : i32
    "tpu.region"() ({
      %run_scoped3A = tpu.sem_alloc : memref<!tpu.dma_semaphore, #tpu.memory_space<semaphore_mem>>
      %dma_start3A_294 = tpu.memref_slice %arg3[%add3A_6] : memref<320128xi32, #tpu.memory_space<hbm>> -> memref<10112xi32, #tpu.memory_space<hbm>>
      %dma_start3A_295 = tpu.memref_slice %arg3[%add3A_6] : memref<320128xi32, #tpu.memory_space<hbm>> -> memref<10112xi32, #tpu.memory_space<hbm>>
      tpu.enqueue_dma source(%dma_start3A_295 : memref<10112xi32, #tpu.memory_space<hbm>>) target(%arg6 : memref<10112xi32, #tpu.memory_space<vmem>>) target_semaphore(%run_scoped3A : memref<!tpu.dma_semaphore, #tpu.memory_space<semaphore_mem>>)
      %dma_wait3A = tpu.memref_slice %arg3[%add3A_6] : memref<320128xi32, #tpu.memory_space<hbm>> -> memref<10112xi32, #tpu.memory_space<hbm>>
      %dma_wait3A_296 = tpu.memref_slice %arg3[%add3A_6] : memref<320128xi32, #tpu.memory_space<hbm>> -> memref<10112xi32, #tpu.memory_space<hbm>>
      tpu.wait_dma2 semaphore(%run_scoped3A : memref<!tpu.dma_semaphore, #tpu.memory_space<semaphore_mem>>) src(%dma_wait3A_296 : memref<10112xi32, #tpu.memory_space<hbm>>) dst(%arg6 : memref<10112xi32, #tpu.memory_space<vmem>>)
      tpu.yield
    }) : () -> ()
    %get3A = arith.constant 0 : index
    %get3A_8 = tpu.vector_load %arg6[%get3A] {strides = array<i32>} : memref<10112xi32, #tpu.memory_space<vmem>>, vector<16xi32>,
    %get3A_9 = vector.shape_cast %get3A_8 : vector<16xi32> to vector<16xi32>
    %and3A = arith.constant 16383 : i32
    %and3A_10 = vector.broadcast %and3A : i32 to vector<16xi32>
    %and3A_11 = arith.andi %get3A_9, %and3A_10 : vector<16xi32>
    %swap3A = arith.constant 0 : index
    %swap3A_12 = tpu.vector_load %arg7[%swap3A] {strides = array<i32>} : memref<128xi32, #tpu.memory_space<vmem>>, vector<16xi32>,
    %swap3A_13 = vector.shape_cast %swap3A_12 : vector<16xi32> to vector<16xi32>
    %swap3A_14 = vector.shape_cast %and3A_11 : vector<16xi32> to vector<16xi32>
    tpu.vector_store %arg7[%swap3A], %swap3A_14 {strides = array<i32>} : memref<128xi32, #tpu.memory_space<vmem>>, vector<16xi32>,
    %shift_right_arithmetic3A = arith.constant 14 : i32
    %shift_right_arithmetic3A_15 = vector.broadcast %shift_right_arithmetic3A : i32 to vector<16xi32>
    %shift_right_arithmetic3A_16 = arith.shrsi %get3A_9, %shift_right_arithmetic3A_15 : vector<16xi32>
    %swap3A_17 = arith.constant 0 : index
    %swap3A_18 = tpu.vector_load %arg9[%swap3A_17] {strides = array<i32>} : memref<128xi32, #tpu.memory_space<vmem>>, vector<16xi32>,
    %swap3A_19 = vector.shape_cast %swap3A_18 : vector<16xi32> to vector<16xi32>
    %swap3A_20 = vector.shape_cast %shift_right_arithmetic3A_16 : vector<16xi32> to vector<16xi32>
    tpu.vector_store %arg9[%swap3A_17], %swap3A_20 {strides = array<i32>} : memref<128xi32, #tpu.memory_space<vmem>>, vector<16xi32>,
    %get3A_21 = arith.constant 16 : index
    %get3A_22 = tpu.vector_load %arg6[%get3A_21] {strides = array<i32>} : memref<10112xi32, #tpu.memory_space<vmem>>, vector<16xi32>,
    %get3A_23 = vector.shape_cast %get3A_22 : vector<16xi32> to vector<16xi32>
    %and3A_24 = arith.constant 16383 : i32
    %and3A_25 = vector.broadcast %and3A_24 : i32 to vector<16xi32>
    %and3A_26 = arith.andi %get3A_23, %and3A_25 : vector<16xi32>
    %swap3A_27 = arith.constant 16 : index
    %swap3A_28 = tpu.vector_load %arg7[%swap3A_27] {strides = array<i32>} : memref<128xi32, #tpu.memory_space<vmem>>, vector<16xi32>,
    %swap3A_29 = vector.shape_cast %swap3A_28 : vector<16xi32> to vector<16xi32>
    %swap3A_30 = vector.shape_cast %and3A_26 : vector<16xi32> to vector<16xi32>
    tpu.vector_store %arg7[%swap3A_27], %swap3A_30 {strides = array<i32>} : memref<128xi32, #tpu.memory_space<vmem>>, vector<16xi32>,
    %shift_right_arithmetic3A_31 = arith.constant 14 : i32
    %shift_right_arithmetic3A_32 = vector.broadcast %shift_right_arithmetic3A_31 : i32 to vector<16xi32>
    %shift_right_arithmetic3A_33 = arith.shrsi %get3A_23, %shift_right_arithmetic3A_32 : vector<16xi32>
    %swap3A_34 = arith.constant 16 : index
    %swap3A_35 = tpu.vector_load %arg9[%swap3A_34] {strides = array<i32>} : memref<128xi32, #tpu.memory_space<vmem>>, vector<16xi32>,
    %swap3A_36 = vector.shape_cast %swap3A_35 : vector<16xi32> to vector<16xi32>
    %swap3A_37 = vector.shape_cast %shift_right_arithmetic3A_33 : vector<16xi32> to vector<16xi32>
    tpu.vector_store %arg9[%swap3A_34], %swap3A_37 {strides = array<i32>} : memref<128xi32, #tpu.memory_space<vmem>>, vector<16xi32>,
    %get3A_38 = arith.constant 32 : index
    %get3A_39 = tpu.vector_load %arg6[%get3A_38] {strides = array<i32>} : memref<10112xi32, #tpu.memory_space<vmem>>, vector<16xi32>,
    %get3A_40 = vector.shape_cast %get3A_39 : vector<16xi32> to vector<16xi32>
    %and3A_41 = arith.constant 16383 : i32
    %and3A_42 = vector.broadcast %and3A_41 : i32 to vector<16xi32>
    %and3A_43 = arith.andi %get3A_40, %and3A_42 : vector<16xi32>
    %swap3A_44 = arith.constant 32 : index
    %swap3A_45 = tpu.vector_load %arg7[%swap3A_44] {strides = array<i32>} : memref<128xi32, #tpu.memory_space<vmem>>, vector<16xi32>,
    %swap3A_46 = vector.shape_cast %swap3A_45 : vector<16xi32> to vector<16xi32>
    %swap3A_47 = vector.shape_cast %and3A_43 : vector<16xi32> to vector<16xi32>
    tpu.vector_store %arg7[%swap3A_44], %swap3A_47 {strides = array<i32>} : memref<128xi32, #tpu.memory_space<vmem>>, vector<16xi32>,
    %shift_right_arithmetic3A_48 = arith.constant 14 : i32
    %shift_right_arithmetic3A_49 = vector.broadcast %shift_right_arithmetic3A_48 : i32 to vector<16xi32>
    %shift_right_arithmetic3A_50 = arith.shrsi %get3A_40, %shift_right_arithmetic3A_49 : vector<16xi32>
    %swap3A_51 = arith.constant 32 : index
    %swap3A_52 = tpu.vector_load %arg9[%swap3A_51] {strides = array<i32>} : memref<128xi32, #tpu.memory_space<vmem>>, vector<16xi32>,
    %swap3A_53 = vector.shape_cast %swap3A_52 : vector<16xi32> to vector<16xi32>
    %swap3A_54 = vector.shape_cast %shift_right_arithmetic3A_50 : vector<16xi32> to vector<16xi32>
    tpu.vector_store %arg9[%swap3A_51], %swap3A_54 {strides = array<i32>} : memref<128xi32, #tpu.memory_space<vmem>>, vector<16xi32>,
    %get3A_55 = arith.constant 48 : index
    %get3A_56 = tpu.vector_load %arg6[%get3A_55] {strides = array<i32>} : memref<10112xi32, #tpu.memory_space<vmem>>, vector<16xi32>,
    %get3A_57 = vector.shape_cast %get3A_56 : vector<16xi32> to vector<16xi32>
    %and3A_58 = arith.constant 16383 : i32
    %and3A_59 = vector.broadcast %and3A_58 : i32 to vector<16xi32>
    %and3A_60 = arith.andi %get3A_57, %and3A_59 : vector<16xi32>
    %swap3A_61 = arith.constant 48 : index
    %swap3A_62 = tpu.vector_load %arg7[%swap3A_61] {strides = array<i32>} : memref<128xi32, #tpu.memory_space<vmem>>, vector<16xi32>,
    %swap3A_63 = vector.shape_cast %swap3A_62 : vector<16xi32> to vector<16xi32>
    %swap3A_64 = vector.shape_cast %and3A_60 : vector<16xi32> to vector<16xi32>
    tpu.vector_store %arg7[%swap3A_61], %swap3A_64 {strides = array<i32>} : memref<128xi32, #tpu.memory_space<vmem>>, vector<16xi32>,
    %shift_right_arithmetic3A_65 = arith.constant 14 : i32
    %shift_right_arithmetic3A_66 = vector.broadcast %shift_right_arithmetic3A_65 : i32 to vector<16xi32>
    %shift_right_arithmetic3A_67 = arith.shrsi %get3A_57, %shift_right_arithmetic3A_66 : vector<16xi32>
    %swap3A_68 = arith.constant 48 : index
    %swap3A_69 = tpu.vector_load %arg9[%swap3A_68] {strides = array<i32>} : memref<128xi32, #tpu.memory_space<vmem>>, vector<16xi32>,
    %swap3A_70 = vector.shape_cast %swap3A_69 : vector<16xi32> to vector<16xi32>
    %swap3A_71 = vector.shape_cast %shift_right_arithmetic3A_67 : vector<16xi32> to vector<16xi32>
    tpu.vector_store %arg9[%swap3A_68], %swap3A_71 {strides = array<i32>} : memref<128xi32, #tpu.memory_space<vmem>>, vector<16xi32>,
    %get3A_72 = arith.constant 64 : index
    %get3A_73 = tpu.vector_load %arg6[%get3A_72] {strides = array<i32>} : memref<10112xi32, #tpu.memory_space<vmem>>, vector<16xi32>,
    %get3A_74 = vector.shape_cast %get3A_73 : vector<16xi32> to vector<16xi32>
    %and3A_75 = arith.constant 16383 : i32
    %and3A_76 = vector.broadcast %and3A_75 : i32 to vector<16xi32>
    %and3A_77 = arith.andi %get3A_74, %and3A_76 : vector<16xi32>
    %swap3A_78 = arith.constant 64 : index
    %swap3A_79 = tpu.vector_load %arg7[%swap3A_78] {strides = array<i32>} : memref<128xi32, #tpu.memory_space<vmem>>, vector<16xi32>,
    %swap3A_80 = vector.shape_cast %swap3A_79 : vector<16xi32> to vector<16xi32>
    %swap3A_81 = vector.shape_cast %and3A_77 : vector<16xi32> to vector<16xi32>
    tpu.vector_store %arg7[%swap3A_78], %swap3A_81 {strides = array<i32>} : memref<128xi32, #tpu.memory_space<vmem>>, vector<16xi32>,
    %shift_right_arithmetic3A_82 = arith.constant 14 : i32
    %shift_right_arithmetic3A_83 = vector.broadcast %shift_right_arithmetic3A_82 : i32 to vector<16xi32>
    %shift_right_arithmetic3A_84 = arith.shrsi %get3A_74, %shift_right_arithmetic3A_83 : vector<16xi32>
    %swap3A_85 = arith.constant 64 : index
    %swap3A_86 = tpu.vector_load %arg9[%swap3A_85] {strides = array<i32>} : memref<128xi32, #tpu.memory_space<vmem>>, vector<16xi32>,
    %swap3A_87 = vector.shape_cast %swap3A_86 : vector<16xi32> to vector<16xi32>
    %swap3A_88 = vector.shape_cast %shift_right_arithmetic3A_84 : vector<16xi32> to vector<16xi32>
    tpu.vector_store %arg9[%swap3A_85], %swap3A_88 {strides = array<i32>} : memref<128xi32, #tpu.memory_space<vmem>>, vector<16xi32>,
    %get3A_89 = arith.constant 80 : index
    %get3A_90 = tpu.vector_load %arg6[%get3A_89] {strides = array<i32>} : memref<10112xi32, #tpu.memory_space<vmem>>, vector<16xi32>,
    %get3A_91 = vector.shape_cast %get3A_90 : vector<16xi32> to vector<16xi32>
    %and3A_92 = arith.constant 16383 : i32
    %and3A_93 = vector.broadcast %and3A_92 : i32 to vector<16xi32>
    %and3A_94 = arith.andi %get3A_91, %and3A_93 : vector<16xi32>
    %swap3A_95 = arith.constant 80 : index
    %swap3A_96 = tpu.vector_load %arg7[%swap3A_95] {strides = array<i32>} : memref<128xi32, #tpu.memory_space<vmem>>, vector<16xi32>,
    %swap3A_97 = vector.shape_cast %swap3A_96 : vector<16xi32> to vector<16xi32>
    %swap3A_98 = vector.shape_cast %and3A_94 : vector<16xi32> to vector<16xi32>
    tpu.vector_store %arg7[%swap3A_95], %swap3A_98 {strides = array<i32>} : memref<128xi32, #tpu.memory_space<vmem>>, vector<16xi32>,
    %shift_right_arithmetic3A_99 = arith.constant 14 : i32
    %shift_right_arithmetic3A_100 = vector.broadcast %shift_right_arithmetic3A_99 : i32 to vector<16xi32>
    %shift_right_arithmetic3A_101 = arith.shrsi %get3A_91, %shift_right_arithmetic3A_100 : vector<16xi32>
    %swap3A_102 = arith.constant 80 : index
    %swap3A_103 = tpu.vector_load %arg9[%swap3A_102] {strides = array<i32>} : memref<128xi32, #tpu.memory_space<vmem>>, vector<16xi32>,
    %swap3A_104 = vector.shape_cast %swap3A_103 : vector<16xi32> to vector<16xi32>
    %swap3A_105 = vector.shape_cast %shift_right_arithmetic3A_101 : vector<16xi32> to vector<16xi32>
    tpu.vector_store %arg9[%swap3A_102], %swap3A_105 {strides = array<i32>} : memref<128xi32, #tpu.memory_space<vmem>>, vector<16xi32>,
    %get3A_106 = arith.constant 96 : index
    %get3A_107 = tpu.vector_load %arg6[%get3A_106] {strides = array<i32>} : memref<10112xi32, #tpu.memory_space<vmem>>, vector<16xi32>,
    %get3A_108 = vector.shape_cast %get3A_107 : vector<16xi32> to vector<16xi32>
    %and3A_109 = arith.constant 16383 : i32
    %and3A_110 = vector.broadcast %and3A_109 : i32 to vector<16xi32>
    %and3A_111 = arith.andi %get3A_108, %and3A_110 : vector<16xi32>
    %swap3A_112 = arith.constant 96 : index
    %swap3A_113 = tpu.vector_load %arg7[%swap3A_112] {strides = array<i32>} : memref<128xi32, #tpu.memory_space<vmem>>, vector<16xi32>,
    %swap3A_114 = vector.shape_cast %swap3A_113 : vector<16xi32> to vector<16xi32>
    %swap3A_115 = vector.shape_cast %and3A_111 : vector<16xi32> to vector<16xi32>
    tpu.vector_store %arg7[%swap3A_112], %swap3A_115 {strides = array<i32>} : memref<128xi32, #tpu.memory_space<vmem>>, vector<16xi32>,
    %shift_right_arithmetic3A_116 = arith.constant 14 : i32
    %shift_right_arithmetic3A_117 = vector.broadcast %shift_right_arithmetic3A_116 : i32 to vector<16xi32>
    %shift_right_arithmetic3A_118 = arith.shrsi %get3A_108, %shift_right_arithmetic3A_117 : vector<16xi32>
    %swap3A_119 = arith.constant 96 : index
    %swap3A_120 = tpu.vector_load %arg9[%swap3A_119] {strides = array<i32>} : memref<128xi32, #tpu.memory_space<vmem>>, vector<16xi32>,
    %swap3A_121 = vector.shape_cast %swap3A_120 : vector<16xi32> to vector<16xi32>
    %swap3A_122 = vector.shape_cast %shift_right_arithmetic3A_118 : vector<16xi32> to vector<16xi32>
    tpu.vector_store %arg9[%swap3A_119], %swap3A_122 {strides = array<i32>} : memref<128xi32, #tpu.memory_space<vmem>>, vector<16xi32>,
    %get3A_123 = arith.constant 112 : index
    %get3A_124 = tpu.vector_load %arg6[%get3A_123] {strides = array<i32>} : memref<10112xi32, #tpu.memory_space<vmem>>, vector<16xi32>,
    %get3A_125 = vector.shape_cast %get3A_124 : vector<16xi32> to vector<16xi32>
    %and3A_126 = arith.constant 16383 : i32
    %and3A_127 = vector.broadcast %and3A_126 : i32 to vector<16xi32>
    %and3A_128 = arith.andi %get3A_125, %and3A_127 : vector<16xi32>
    %swap3A_129 = arith.constant 112 : index
    %swap3A_130 = tpu.vector_load %arg7[%swap3A_129] {strides = array<i32>} : memref<128xi32, #tpu.memory_space<vmem>>, vector<16xi32>,
    %swap3A_131 = vector.shape_cast %swap3A_130 : vector<16xi32> to vector<16xi32>
    %swap3A_132 = vector.shape_cast %and3A_128 : vector<16xi32> to vector<16xi32>
    tpu.vector_store %arg7[%swap3A_129], %swap3A_132 {strides = array<i32>} : memref<128xi32, #tpu.memory_space<vmem>>, vector<16xi32>,
    %shift_right_arithmetic3A_133 = arith.constant 14 : i32
    %shift_right_arithmetic3A_134 = vector.broadcast %shift_right_arithmetic3A_133 : i32 to vector<16xi32>
    %shift_right_arithmetic3A_135 = arith.shrsi %get3A_125, %shift_right_arithmetic3A_134 : vector<16xi32>
    %swap3A_136 = arith.constant 112 : index
    %swap3A_137 = tpu.vector_load %arg9[%swap3A_136] {strides = array<i32>} : memref<128xi32, #tpu.memory_space<vmem>>, vector<16xi32>,
    %swap3A_138 = vector.shape_cast %swap3A_137 : vector<16xi32> to vector<16xi32>
    %swap3A_139 = vector.shape_cast %shift_right_arithmetic3A_135 : vector<16xi32> to vector<16xi32>
    tpu.vector_store %arg9[%swap3A_136], %swap3A_139 {strides = array<i32>} : memref<128xi32, #tpu.memory_space<vmem>>, vector<16xi32>,
    %dma_start3A = arith.constant 0 : i32
    %dma_start3A_140 = arith.constant 0 : i32
    %dma_start3A_141 = tpu.memref_slice %arg2[%dma_start3A, %dma_start3A_140] : memref<10112x128xf32, #tpu.memory_space<hbm>> -> memref<10112x128xf32, #tpu.memory_space<hbm>>
    tpu.enqueue_indirect_dma source(%dma_start3A_141 : memref<10112x128xf32, #tpu.memory_space<hbm>>) target(%arg11 : memref<128x128xf32, #tpu.memory_space<vmem>>) offsets(%arg7 : memref<128xi32, #tpu.memory_space<vmem>>) semaphore(%arg14 : memref<!tpu.dma_semaphore, #tpu.memory_space<semaphore_mem>>)
    %get3A_142 = arith.constant 128 : index
    %get3A_143 = tpu.vector_load %arg6[%get3A_142] {strides = array<i32>} : memref<10112xi32, #tpu.memory_space<vmem>>, vector<16xi32>,
    %get3A_144 = vector.shape_cast %get3A_143 : vector<16xi32> to vector<16xi32>
    %and3A_145 = arith.constant 16383 : i32
    %and3A_146 = vector.broadcast %and3A_145 : i32 to vector<16xi32>
    %and3A_147 = arith.andi %get3A_144, %and3A_146 : vector<16xi32>
    %swap3A_148 = arith.constant 0 : index
    %swap3A_149 = tpu.vector_load %arg8[%swap3A_148] {strides = array<i32>} : memref<128xi32, #tpu.memory_space<vmem>>, vector<16xi32>,
    %swap3A_150 = vector.shape_cast %swap3A_149 : vector<16xi32> to vector<16xi32>
    %swap3A_151 = vector.shape_cast %and3A_147 : vector<16xi32> to vector<16xi32>
    tpu.vector_store %arg8[%swap3A_148], %swap3A_151 {strides = array<i32>} : memref<128xi32, #tpu.memory_space<vmem>>, vector<16xi32>,
    %shift_right_arithmetic3A_152 = arith.constant 14 : i32
    %shift_right_arithmetic3A_153 = vector.broadcast %shift_right_arithmetic3A_152 : i32 to vector<16xi32>
    %shift_right_arithmetic3A_154 = arith.shrsi %get3A_144, %shift_right_arithmetic3A_153 : vector<16xi32>
    %swap3A_155 = arith.constant 0 : index
    %swap3A_156 = tpu.vector_load %arg10[%swap3A_155] {strides = array<i32>} : memref<128xi32, #tpu.memory_space<vmem>>, vector<16xi32>,
    %swap3A_157 = vector.shape_cast %swap3A_156 : vector<16xi32> to vector<16xi32>
    %swap3A_158 = vector.shape_cast %shift_right_arithmetic3A_154 : vector<16xi32> to vector<16xi32>
    tpu.vector_store %arg10[%swap3A_155], %swap3A_158 {strides = array<i32>} : memref<128xi32, #tpu.memory_space<vmem>>, vector<16xi32>,
    %get3A_159 = arith.constant 144 : index
    %get3A_160 = tpu.vector_load %arg6[%get3A_159] {strides = array<i32>} : memref<10112xi32, #tpu.memory_space<vmem>>, vector<16xi32>,
    %get3A_161 = vector.shape_cast %get3A_160 : vector<16xi32> to vector<16xi32>
    %and3A_162 = arith.constant 16383 : i32
    %and3A_163 = vector.broadcast %and3A_162 : i32 to vector<16xi32>
    %and3A_164 = arith.andi %get3A_161, %and3A_163 : vector<16xi32>
    %swap3A_165 = arith.constant 16 : index
    %swap3A_166 = tpu.vector_load %arg8[%swap3A_165] {strides = array<i32>} : memref<128xi32, #tpu.memory_space<vmem>>, vector<16xi32>,
    %swap3A_167 = vector.shape_cast %swap3A_166 : vector<16xi32> to vector<16xi32>
    %swap3A_168 = vector.shape_cast %and3A_164 : vector<16xi32> to vector<16xi32>
    tpu.vector_store %arg8[%swap3A_165], %swap3A_168 {strides = array<i32>} : memref<128xi32, #tpu.memory_space<vmem>>, vector<16xi32>,
    %shift_right_arithmetic3A_169 = arith.constant 14 : i32
    %shift_right_arithmetic3A_170 = vector.broadcast %shift_right_arithmetic3A_169 : i32 to vector<16xi32>
    %shift_right_arithmetic3A_171 = arith.shrsi %get3A_161, %shift_right_arithmetic3A_170 : vector<16xi32>
    %swap3A_172 = arith.constant 16 : index
    %swap3A_173 = tpu.vector_load %arg10[%swap3A_172] {strides = array<i32>} : memref<128xi32, #tpu.memory_space<vmem>>, vector<16xi32>,
    %swap3A_174 = vector.shape_cast %swap3A_173 : vector<16xi32> to vector<16xi32>
    %swap3A_175 = vector.shape_cast %shift_right_arithmetic3A_171 : vector<16xi32> to vector<16xi32>
    tpu.vector_store %arg10[%swap3A_172], %swap3A_175 {strides = array<i32>} : memref<128xi32, #tpu.memory_space<vmem>>, vector<16xi32>,
    %get3A_176 = arith.constant 160 : index
    %get3A_177 = tpu.vector_load %arg6[%get3A_176] {strides = array<i32>} : memref<10112xi32, #tpu.memory_space<vmem>>, vector<16xi32>,
    %get3A_178 = vector.shape_cast %get3A_177 : vector<16xi32> to vector<16xi32>
    %and3A_179 = arith.constant 16383 : i32
    %and3A_180 = vector.broadcast %and3A_179 : i32 to vector<16xi32>
    %and3A_181 = arith.andi %get3A_178, %and3A_180 : vector<16xi32>
    %swap3A_182 = arith.constant 32 : index
    %swap3A_183 = tpu.vector_load %arg8[%swap3A_182] {strides = array<i32>} : memref<128xi32, #tpu.memory_space<vmem>>, vector<16xi32>,
    %swap3A_184 = vector.shape_cast %swap3A_183 : vector<16xi32> to vector<16xi32>
    %swap3A_185 = vector.shape_cast %and3A_181 : vector<16xi32> to vector<16xi32>
    tpu.vector_store %arg8[%swap3A_182], %swap3A_185 {strides = array<i32>} : memref<128xi32, #tpu.memory_space<vmem>>, vector<16xi32>,
    %shift_right_arithmetic3A_186 = arith.constant 14 : i32
    %shift_right_arithmetic3A_187 = vector.broadcast %shift_right_arithmetic3A_186 : i32 to vector<16xi32>
    %shift_right_arithmetic3A_188 = arith.shrsi %get3A_178, %shift_right_arithmetic3A_187 : vector<16xi32>
    %swap3A_189 = arith.constant 32 : index
    %swap3A_190 = tpu.vector_load %arg10[%swap3A_189] {strides = array<i32>} : memref<128xi32, #tpu.memory_space<vmem>>, vector<16xi32>,
    %swap3A_191 = vector.shape_cast %swap3A_190 : vector<16xi32> to vector<16xi32>
    %swap3A_192 = vector.shape_cast %shift_right_arithmetic3A_188 : vector<16xi32> to vector<16xi32>
    tpu.vector_store %arg10[%swap3A_189], %swap3A_192 {strides = array<i32>} : memref<128xi32, #tpu.memory_space<vmem>>, vector<16xi32>,
    %get3A_193 = arith.constant 176 : index
    %get3A_194 = tpu.vector_load %arg6[%get3A_193] {strides = array<i32>} : memref<10112xi32, #tpu.memory_space<vmem>>, vector<16xi32>,
    %get3A_195 = vector.shape_cast %get3A_194 : vector<16xi32> to vector<16xi32>
    %and3A_196 = arith.constant 16383 : i32
    %and3A_197 = vector.broadcast %and3A_196 : i32 to vector<16xi32>
    %and3A_198 = arith.andi %get3A_195, %and3A_197 : vector<16xi32>
    %swap3A_199 = arith.constant 48 : index
    %swap3A_200 = tpu.vector_load %arg8[%swap3A_199] {strides = array<i32>} : memref<128xi32, #tpu.memory_space<vmem>>, vector<16xi32>,
    %swap3A_201 = vector.shape_cast %swap3A_200 : vector<16xi32> to vector<16xi32>
    %swap3A_202 = vector.shape_cast %and3A_198 : vector<16xi32> to vector<16xi32>
    tpu.vector_store %arg8[%swap3A_199], %swap3A_202 {strides = array<i32>} : memref<128xi32, #tpu.memory_space<vmem>>, vector<16xi32>,
    %shift_right_arithmetic3A_203 = arith.constant 14 : i32
    %shift_right_arithmetic3A_204 = vector.broadcast %shift_right_arithmetic3A_203 : i32 to vector<16xi32>
    %shift_right_arithmetic3A_205 = arith.shrsi %get3A_195, %shift_right_arithmetic3A_204 : vector<16xi32>
    %swap3A_206 = arith.constant 48 : index
    %swap3A_207 = tpu.vector_load %arg10[%swap3A_206] {strides = array<i32>} : memref<128xi32, #tpu.memory_space<vmem>>, vector<16xi32>,
    %swap3A_208 = vector.shape_cast %swap3A_207 : vector<16xi32> to vector<16xi32>
    %swap3A_209 = vector.shape_cast %shift_right_arithmetic3A_205 : vector<16xi32> to vector<16xi32>
    tpu.vector_store %arg10[%swap3A_206], %swap3A_209 {strides = array<i32>} : memref<128xi32, #tpu.memory_space<vmem>>, vector<16xi32>,
    %get3A_210 = arith.constant 192 : index
    %get3A_211 = tpu.vector_load %arg6[%get3A_210] {strides = array<i32>} : memref<10112xi32, #tpu.memory_space<vmem>>, vector<16xi32>,
    %get3A_212 = vector.shape_cast %get3A_211 : vector<16xi32> to vector<16xi32>
    %and3A_213 = arith.constant 16383 : i32
    %and3A_214 = vector.broadcast %and3A_213 : i32 to vector<16xi32>
    %and3A_215 = arith.andi %get3A_212, %and3A_214 : vector<16xi32>
    %swap3A_216 = arith.constant 64 : index
    %swap3A_217 = tpu.vector_load %arg8[%swap3A_216] {strides = array<i32>} : memref<128xi32, #tpu.memory_space<vmem>>, vector<16xi32>,
    %swap3A_218 = vector.shape_cast %swap3A_217 : vector<16xi32> to vector<16xi32>
    %swap3A_219 = vector.shape_cast %and3A_215 : vector<16xi32> to vector<16xi32>
    tpu.vector_store %arg8[%swap3A_216], %swap3A_219 {strides = array<i32>} : memref<128xi32, #tpu.memory_space<vmem>>, vector<16xi32>,
    %shift_right_arithmetic3A_220 = arith.constant 14 : i32
    %shift_right_arithmetic3A_221 = vector.broadcast %shift_right_arithmetic3A_220 : i32 to vector<16xi32>
    %shift_right_arithmetic3A_222 = arith.shrsi %get3A_212, %shift_right_arithmetic3A_221 : vector<16xi32>
    %swap3A_223 = arith.constant 64 : index
    %swap3A_224 = tpu.vector_load %arg10[%swap3A_223] {strides = array<i32>} : memref<128xi32, #tpu.memory_space<vmem>>, vector<16xi32>,
    %swap3A_225 = vector.shape_cast %swap3A_224 : vector<16xi32> to vector<16xi32>
    %swap3A_226 = vector.shape_cast %shift_right_arithmetic3A_222 : vector<16xi32> to vector<16xi32>
    tpu.vector_store %arg10[%swap3A_223], %swap3A_226 {strides = array<i32>} : memref<128xi32, #tpu.memory_space<vmem>>, vector<16xi32>,
    %get3A_227 = arith.constant 208 : index
    %get3A_228 = tpu.vector_load %arg6[%get3A_227] {strides = array<i32>} : memref<10112xi32, #tpu.memory_space<vmem>>, vector<16xi32>,
    %get3A_229 = vector.shape_cast %get3A_228 : vector<16xi32> to vector<16xi32>
    %and3A_230 = arith.constant 16383 : i32
    %and3A_231 = vector.broadcast %and3A_230 : i32 to vector<16xi32>
    %and3A_232 = arith.andi %get3A_229, %and3A_231 : vector<16xi32>
    %swap3A_233 = arith.constant 80 : index
    %swap3A_234 = tpu.vector_load %arg8[%swap3A_233] {strides = array<i32>} : memref<128xi32, #tpu.memory_space<vmem>>, vector<16xi32>,
    %swap3A_235 = vector.shape_cast %swap3A_234 : vector<16xi32> to vector<16xi32>
    %swap3A_236 = vector.shape_cast %and3A_232 : vector<16xi32> to vector<16xi32>
    tpu.vector_store %arg8[%swap3A_233], %swap3A_236 {strides = array<i32>} : memref<128xi32, #tpu.memory_space<vmem>>, vector<16xi32>,
    %shift_right_arithmetic3A_237 = arith.constant 14 : i32
    %shift_right_arithmetic3A_238 = vector.broadcast %shift_right_arithmetic3A_237 : i32 to vector<16xi32>
    %shift_right_arithmetic3A_239 = arith.shrsi %get3A_229, %shift_right_arithmetic3A_238 : vector<16xi32>
    %swap3A_240 = arith.constant 80 : index
    %swap3A_241 = tpu.vector_load %arg10[%swap3A_240] {strides = array<i32>} : memref<128xi32, #tpu.memory_space<vmem>>, vector<16xi32>,
    %swap3A_242 = vector.shape_cast %swap3A_241 : vector<16xi32> to vector<16xi32>
    %swap3A_243 = vector.shape_cast %shift_right_arithmetic3A_239 : vector<16xi32> to vector<16xi32>
    tpu.vector_store %arg10[%swap3A_240], %swap3A_243 {strides = array<i32>} : memref<128xi32, #tpu.memory_space<vmem>>, vector<16xi32>,
    %get3A_244 = arith.constant 224 : index
    %get3A_245 = tpu.vector_load %arg6[%get3A_244] {strides = array<i32>} : memref<10112xi32, #tpu.memory_space<vmem>>, vector<16xi32>,
    %get3A_246 = vector.shape_cast %get3A_245 : vector<16xi32> to vector<16xi32>
    %and3A_247 = arith.constant 16383 : i32
    %and3A_248 = vector.broadcast %and3A_247 : i32 to vector<16xi32>
    %and3A_249 = arith.andi %get3A_246, %and3A_248 : vector<16xi32>
    %swap3A_250 = arith.constant 96 : index
    %swap3A_251 = tpu.vector_load %arg8[%swap3A_250] {strides = array<i32>} : memref<128xi32, #tpu.memory_space<vmem>>, vector<16xi32>,
    %swap3A_252 = vector.shape_cast %swap3A_251 : vector<16xi32> to vector<16xi32>
    %swap3A_253 = vector.shape_cast %and3A_249 : vector<16xi32> to vector<16xi32>
    tpu.vector_store %arg8[%swap3A_250], %swap3A_253 {strides = array<i32>} : memref<128xi32, #tpu.memory_space<vmem>>, vector<16xi32>,
    %shift_right_arithmetic3A_254 = arith.constant 14 : i32
    %shift_right_arithmetic3A_255 = vector.broadcast %shift_right_arithmetic3A_254 : i32 to vector<16xi32>
    %shift_right_arithmetic3A_256 = arith.shrsi %get3A_246, %shift_right_arithmetic3A_255 : vector<16xi32>
    %swap3A_257 = arith.constant 96 : index
    %swap3A_258 = tpu.vector_load %arg10[%swap3A_257] {strides = array<i32>} : memref<128xi32, #tpu.memory_space<vmem>>, vector<16xi32>,
    %swap3A_259 = vector.shape_cast %swap3A_258 : vector<16xi32> to vector<16xi32>
    %swap3A_260 = vector.shape_cast %shift_right_arithmetic3A_256 : vector<16xi32> to vector<16xi32>
    tpu.vector_store %arg10[%swap3A_257], %swap3A_260 {strides = array<i32>} : memref<128xi32, #tpu.memory_space<vmem>>, vector<16xi32>,
    %get3A_261 = arith.constant 240 : index
    %get3A_262 = tpu.vector_load %arg6[%get3A_261] {strides = array<i32>} : memref<10112xi32, #tpu.memory_space<vmem>>, vector<16xi32>,
    %get3A_263 = vector.shape_cast %get3A_262 : vector<16xi32> to vector<16xi32>
    %and3A_264 = arith.constant 16383 : i32
    %and3A_265 = vector.broadcast %and3A_264 : i32 to vector<16xi32>
    %and3A_266 = arith.andi %get3A_263, %and3A_265 : vector<16xi32>
    %swap3A_267 = arith.constant 112 : index
    %swap3A_268 = tpu.vector_load %arg8[%swap3A_267] {strides = array<i32>} : memref<128xi32, #tpu.memory_space<vmem>>, vector<16xi32>,
    %swap3A_269 = vector.shape_cast %swap3A_268 : vector<16xi32> to vector<16xi32>
    %swap3A_270 = vector.shape_cast %and3A_266 : vector<16xi32> to vector<16xi32>
    tpu.vector_store %arg8[%swap3A_267], %swap3A_270 {strides = array<i32>} : memref<128xi32, #tpu.memory_space<vmem>>, vector<16xi32>,
    %shift_right_arithmetic3A_271 = arith.constant 14 : i32
    %shift_right_arithmetic3A_272 = vector.broadcast %shift_right_arithmetic3A_271 : i32 to vector<16xi32>
    %shift_right_arithmetic3A_273 = arith.shrsi %get3A_263, %shift_right_arithmetic3A_272 : vector<16xi32>
    %swap3A_274 = arith.constant 112 : index
    %swap3A_275 = tpu.vector_load %arg10[%swap3A_274] {strides = array<i32>} : memref<128xi32, #tpu.memory_space<vmem>>, vector<16xi32>,
    %swap3A_276 = vector.shape_cast %swap3A_275 : vector<16xi32> to vector<16xi32>
    %swap3A_277 = vector.shape_cast %shift_right_arithmetic3A_273 : vector<16xi32> to vector<16xi32>
    tpu.vector_store %arg10[%swap3A_274], %swap3A_277 {strides = array<i32>} : memref<128xi32, #tpu.memory_space<vmem>>, vector<16xi32>,
    %dma_start3A_278 = arith.constant 0 : i32
    %dma_start3A_279 = arith.constant 0 : i32
    %dma_start3A_280 = tpu.memref_slice %arg2[%dma_start3A_278, %dma_start3A_279] : memref<10112x128xf32, #tpu.memory_space<hbm>> -> memref<10112x128xf32, #tpu.memory_space<hbm>>
    tpu.enqueue_indirect_dma source(%dma_start3A_280 : memref<10112x128xf32, #tpu.memory_space<hbm>>) target(%arg12 : memref<128x128xf32, #tpu.memory_space<vmem>>) offsets(%arg8 : memref<128xi32, #tpu.memory_space<vmem>>) semaphore(%arg15 : memref<!tpu.dma_semaphore, #tpu.memory_space<semaphore_mem>>)
    %mul3A_281 = arith.constant 632 : i32
    %mul3A_282 = arith.muli %arg1, %mul3A_281 : i32
    "tpu.region"() ({
      %run_scoped3A = tpu.sem_alloc : memref<!tpu.dma_semaphore, #tpu.memory_space<semaphore_mem>>
      %dma_start3A_294 = arith.constant 0 : i32
      %dma_start3A_295 = tpu.memref_slice %arg13[%mul3A_282, %dma_start3A_294] : memref<10112x128xf32, #tpu.memory_space<vmem_shared>> -> memref<632x128xf32, #tpu.memory_space<vmem_shared>>
      tpu.enqueue_dma source(%arg4 : memref<632x128xf32, #tpu.memory_space<hbm>>) target(%dma_start3A_295 : memref<632x128xf32, #tpu.memory_space<vmem_shared>>) target_semaphore(%run_scoped3A : memref<!tpu.dma_semaphore, #tpu.memory_space<semaphore_mem>>)
      %dma_wait3A = arith.constant 0 : i32
      %dma_wait3A_296 = tpu.memref_slice %arg13[%mul3A_282, %dma_wait3A] : memref<10112x128xf32, #tpu.memory_space<vmem_shared>> -> memref<632x128xf32, #tpu.memory_space<vmem_shared>>
      tpu.wait_dma2 semaphore(%run_scoped3A : memref<!tpu.dma_semaphore, #tpu.memory_space<semaphore_mem>>) src(%arg4 : memref<632x128xf32, #tpu.memory_space<hbm>>) dst(%dma_wait3A_296 : memref<632x128xf32, #tpu.memory_space<vmem_shared>>)
      tpu.yield
    }) : () -> ()
    %barrier3A = arith.constant 0 : index
    tpu.barrier barrier_id(%barrier3A)
    %scan3A = arith.constant 0 : i32
    %scan3A_283 = arith.constant 0 : i32
    %scan3A_284 = arith.constant 39 : i32
    %scan3A_285 = arith.addi %scan3A_283, %scan3A_284 : i32
    %scan3A_286 = arith.constant 1 : i32
    scf.for %scan3A_294 = %scan3A_283 to %scan3A_285 step %scan3A_286  : i32 {
      %mul3A_295 = arith.constant 2 : i32
      %mul3A_296 = arith.muli %mul3A_295, %scan3A_294 : i32
      %dma_wait3A = arith.constant 0 : i32
      %dma_wait3A_297 = arith.constant 0 : i32
      %dma_wait3A_298 = tpu.memref_slice %arg2[%dma_wait3A, %dma_wait3A_297] : memref<10112x128xf32, #tpu.memory_space<hbm>> -> memref<128x128xf32, #tpu.memory_space<hbm>>
      %dma_wait3A_299 = arith.constant 0 : i32
      %dma_wait3A_300 = arith.constant 0 : i32
      %dma_wait3A_301 = tpu.memref_slice %arg2[%dma_wait3A_299, %dma_wait3A_300] : memref<10112x128xf32, #tpu.memory_space<hbm>> -> memref<128x128xf32, #tpu.memory_space<hbm>>
      tpu.wait_dma2 semaphore(%arg14 : memref<!tpu.dma_semaphore, #tpu.memory_space<semaphore_mem>>) src(%dma_wait3A_301 : memref<128x128xf32, #tpu.memory_space<hbm>>) dst(%arg11 : memref<128x128xf32, #tpu.memory_space<vmem>>)
      %dma_start3A_302 = arith.constant 0 : i32
      %dma_start3A_303 = arith.constant 0 : i32
      %dma_start3A_304 = tpu.memref_slice %arg13[%dma_start3A_302, %dma_start3A_303] : memref<10112x128xf32, #tpu.memory_space<vmem_shared>> -> memref<10112x128xf32, #tpu.memory_space<vmem_shared>>
      tpu.enqueue_indirect_dma source(%arg11 : memref<128x128xf32, #tpu.memory_space<vmem>>) target(%dma_start3A_304 : memref<10112x128xf32, #tpu.memory_space<vmem_shared>>) offsets(%arg9 : memref<128xi32, #tpu.memory_space<vmem>>) semaphore(%arg16 : memref<!tpu.dma_semaphore, #tpu.memory_space<semaphore_mem>>) {add = true}
      %dma_wait3A_305 = arith.constant 0 : i32
      %dma_wait3A_306 = arith.constant 0 : i32
      %dma_wait3A_307 = tpu.memref_slice %arg13[%dma_wait3A_305, %dma_wait3A_306] : memref<10112x128xf32, #tpu.memory_space<vmem_shared>> -> memref<128x128xf32, #tpu.memory_space<vmem_shared>>
      %dma_wait3A_308 = arith.constant 0 : i32
      %dma_wait3A_309 = arith.constant 0 : i32
      %dma_wait3A_310 = tpu.memref_slice %arg13[%dma_wait3A_308, %dma_wait3A_309] : memref<10112x128xf32, #tpu.memory_space<vmem_shared>> -> memref<128x128xf32, #tpu.memory_space<vmem_shared>>
      tpu.wait_dma2 semaphore(%arg16 : memref<!tpu.dma_semaphore, #tpu.memory_space<semaphore_mem>>) src(%arg11 : memref<128x128xf32, #tpu.memory_space<vmem>>) dst(%dma_wait3A_310 : memref<128x128xf32, #tpu.memory_space<vmem_shared>>)
      %add3A_311 = arith.constant 2 : i32
      %add3A_312 = arith.addi %mul3A_296, %add3A_311 : i32
      %lt3A_313 = arith.constant 78 : i32
      %lt3A_314 = arith.cmpi slt, %add3A_312, %lt3A_313 : i32
      %or3A = arith.ori %lt3A_314, %lt3A_7 : i1
      %convert_element_type3A_315 = arith.extui %or3A : i1 to i32
      %cond3A_316 = arith.constant 0 : i32
      %cond3A_317 = arith.cmpi ne, %convert_element_type3A_315, %cond3A_316 : i32
      scf.if %cond3A_317 {
        %add3A_342 = arith.constant 2 : i32
        %add3A_343 = arith.addi %mul3A_296, %add3A_342 : i32
        %mul3A_344 = arith.constant 128 : i32
        %mul3A_345 = arith.muli %add3A_343, %mul3A_344 : i32
        %add3A_346 = arith.constant 0 : i32
        %add3A_347 = arith.addi %mul3A_345, %add3A_346 : i32
        %get3A_348 = arith.index_cast %add3A_347 : i32 to index
        %get3A_349 = tpu.vector_load %arg6[%get3A_348] {strides = array<i32>} : memref<10112xi32, #tpu.memory_space<vmem>>, vector<16xi32>,
        %get3A_350 = vector.shape_cast %get3A_349 : vector<16xi32> to vector<16xi32>
        %and3A_351 = arith.constant 16383 : i32
        %and3A_352 = vector.broadcast %and3A_351 : i32 to vector<16xi32>
        %and3A_353 = arith.andi %get3A_350, %and3A_352 : vector<16xi32>
        %swap3A_354 = arith.constant 0 : index
        %swap3A_355 = tpu.vector_load %arg7[%swap3A_354] {strides = array<i32>} : memref<128xi32, #tpu.memory_space<vmem>>, vector<16xi32>,
        %swap3A_356 = vector.shape_cast %swap3A_355 : vector<16xi32> to vector<16xi32>
        %swap3A_357 = vector.shape_cast %and3A_353 : vector<16xi32> to vector<16xi32>
        tpu.vector_store %arg7[%swap3A_354], %swap3A_357 {strides = array<i32>} : memref<128xi32, #tpu.memory_space<vmem>>, vector<16xi32>,
        %shift_right_arithmetic3A_358 = arith.constant 14 : i32
        %shift_right_arithmetic3A_359 = vector.broadcast %shift_right_arithmetic3A_358 : i32 to vector<16xi32>
        %shift_right_arithmetic3A_360 = arith.shrsi %get3A_350, %shift_right_arithmetic3A_359 : vector<16xi32>
        %swap3A_361 = arith.constant 0 : index
        %swap3A_362 = tpu.vector_load %arg9[%swap3A_361] {strides = array<i32>} : memref<128xi32, #tpu.memory_space<vmem>>, vector<16xi32>,
        %swap3A_363 = vector.shape_cast %swap3A_362 : vector<16xi32> to vector<16xi32>
        %swap3A_364 = vector.shape_cast %shift_right_arithmetic3A_360 : vector<16xi32> to vector<16xi32>
        tpu.vector_store %arg9[%swap3A_361], %swap3A_364 {strides = array<i32>} : memref<128xi32, #tpu.memory_space<vmem>>, vector<16xi32>,
        %mul3A_365 = arith.constant 128 : i32
        %mul3A_366 = arith.muli %add3A_343, %mul3A_365 : i32
        %add3A_367 = arith.constant 16 : i32
        %add3A_368 = arith.addi %mul3A_366, %add3A_367 : i32
        %get3A_369 = arith.index_cast %add3A_368 : i32 to index
        %get3A_370 = tpu.vector_load %arg6[%get3A_369] {strides = array<i32>} : memref<10112xi32, #tpu.memory_space<vmem>>, vector<16xi32>,
        %get3A_371 = vector.shape_cast %get3A_370 : vector<16xi32> to vector<16xi32>
        %and3A_372 = arith.constant 16383 : i32
        %and3A_373 = vector.broadcast %and3A_372 : i32 to vector<16xi32>
        %and3A_374 = arith.andi %get3A_371, %and3A_373 : vector<16xi32>
        %swap3A_375 = arith.constant 16 : index
        %swap3A_376 = tpu.vector_load %arg7[%swap3A_375] {strides = array<i32>} : memref<128xi32, #tpu.memory_space<vmem>>, vector<16xi32>,
        %swap3A_377 = vector.shape_cast %swap3A_376 : vector<16xi32> to vector<16xi32>
        %swap3A_378 = vector.shape_cast %and3A_374 : vector<16xi32> to vector<16xi32>
        tpu.vector_store %arg7[%swap3A_375], %swap3A_378 {strides = array<i32>} : memref<128xi32, #tpu.memory_space<vmem>>, vector<16xi32>,
        %shift_right_arithmetic3A_379 = arith.constant 14 : i32
        %shift_right_arithmetic3A_380 = vector.broadcast %shift_right_arithmetic3A_379 : i32 to vector<16xi32>
        %shift_right_arithmetic3A_381 = arith.shrsi %get3A_371, %shift_right_arithmetic3A_380 : vector<16xi32>
        %swap3A_382 = arith.constant 16 : index
        %swap3A_383 = tpu.vector_load %arg9[%swap3A_382] {strides = array<i32>} : memref<128xi32, #tpu.memory_space<vmem>>, vector<16xi32>,
        %swap3A_384 = vector.shape_cast %swap3A_383 : vector<16xi32> to vector<16xi32>
        %swap3A_385 = vector.shape_cast %shift_right_arithmetic3A_381 : vector<16xi32> to vector<16xi32>
        tpu.vector_store %arg9[%swap3A_382], %swap3A_385 {strides = array<i32>} : memref<128xi32, #tpu.memory_space<vmem>>, vector<16xi32>,
        %mul3A_386 = arith.constant 128 : i32
        %mul3A_387 = arith.muli %add3A_343, %mul3A_386 : i32
        %add3A_388 = arith.constant 32 : i32
        %add3A_389 = arith.addi %mul3A_387, %add3A_388 : i32
        %get3A_390 = arith.index_cast %add3A_389 : i32 to index
        %get3A_391 = tpu.vector_load %arg6[%get3A_390] {strides = array<i32>} : memref<10112xi32, #tpu.memory_space<vmem>>, vector<16xi32>,
        %get3A_392 = vector.shape_cast %get3A_391 : vector<16xi32> to vector<16xi32>
        %and3A_393 = arith.constant 16383 : i32
        %and3A_394 = vector.broadcast %and3A_393 : i32 to vector<16xi32>
        %and3A_395 = arith.andi %get3A_392, %and3A_394 : vector<16xi32>
        %swap3A_396 = arith.constant 32 : index
        %swap3A_397 = tpu.vector_load %arg7[%swap3A_396] {strides = array<i32>} : memref<128xi32, #tpu.memory_space<vmem>>, vector<16xi32>,
        %swap3A_398 = vector.shape_cast %swap3A_397 : vector<16xi32> to vector<16xi32>
        %swap3A_399 = vector.shape_cast %and3A_395 : vector<16xi32> to vector<16xi32>
        tpu.vector_store %arg7[%swap3A_396], %swap3A_399 {strides = array<i32>} : memref<128xi32, #tpu.memory_space<vmem>>, vector<16xi32>,
        %shift_right_arithmetic3A_400 = arith.constant 14 : i32
        %shift_right_arithmetic3A_401 = vector.broadcast %shift_right_arithmetic3A_400 : i32 to vector<16xi32>
        %shift_right_arithmetic3A_402 = arith.shrsi %get3A_392, %shift_right_arithmetic3A_401 : vector<16xi32>
        %swap3A_403 = arith.constant 32 : index
        %swap3A_404 = tpu.vector_load %arg9[%swap3A_403] {strides = array<i32>} : memref<128xi32, #tpu.memory_space<vmem>>, vector<16xi32>,
        %swap3A_405 = vector.shape_cast %swap3A_404 : vector<16xi32> to vector<16xi32>
        %swap3A_406 = vector.shape_cast %shift_right_arithmetic3A_402 : vector<16xi32> to vector<16xi32>
        tpu.vector_store %arg9[%swap3A_403], %swap3A_406 {strides = array<i32>} : memref<128xi32, #tpu.memory_space<vmem>>, vector<16xi32>,
        %mul3A_407 = arith.constant 128 : i32
        %mul3A_408 = arith.muli %add3A_343, %mul3A_407 : i32
        %add3A_409 = arith.constant 48 : i32
        %add3A_410 = arith.addi %mul3A_408, %add3A_409 : i32
        %get3A_411 = arith.index_cast %add3A_410 : i32 to index
        %get3A_412 = tpu.vector_load %arg6[%get3A_411] {strides = array<i32>} : memref<10112xi32, #tpu.memory_space<vmem>>, vector<16xi32>,
        %get3A_413 = vector.shape_cast %get3A_412 : vector<16xi32> to vector<16xi32>
        %and3A_414 = arith.constant 16383 : i32
        %and3A_415 = vector.broadcast %and3A_414 : i32 to vector<16xi32>
        %and3A_416 = arith.andi %get3A_413, %and3A_415 : vector<16xi32>
        %swap3A_417 = arith.constant 48 : index
        %swap3A_418 = tpu.vector_load %arg7[%swap3A_417] {strides = array<i32>} : memref<128xi32, #tpu.memory_space<vmem>>, vector<16xi32>,
        %swap3A_419 = vector.shape_cast %swap3A_418 : vector<16xi32> to vector<16xi32>
        %swap3A_420 = vector.shape_cast %and3A_416 : vector<16xi32> to vector<16xi32>
        tpu.vector_store %arg7[%swap3A_417], %swap3A_420 {strides = array<i32>} : memref<128xi32, #tpu.memory_space<vmem>>, vector<16xi32>,
        %shift_right_arithmetic3A_421 = arith.constant 14 : i32
        %shift_right_arithmetic3A_422 = vector.broadcast %shift_right_arithmetic3A_421 : i32 to vector<16xi32>
        %shift_right_arithmetic3A_423 = arith.shrsi %get3A_413, %shift_right_arithmetic3A_422 : vector<16xi32>
        %swap3A_424 = arith.constant 48 : index
        %swap3A_425 = tpu.vector_load %arg9[%swap3A_424] {strides = array<i32>} : memref<128xi32, #tpu.memory_space<vmem>>, vector<16xi32>,
        %swap3A_426 = vector.shape_cast %swap3A_425 : vector<16xi32> to vector<16xi32>
        %swap3A_427 = vector.shape_cast %shift_right_arithmetic3A_423 : vector<16xi32> to vector<16xi32>
        tpu.vector_store %arg9[%swap3A_424], %swap3A_427 {strides = array<i32>} : memref<128xi32, #tpu.memory_space<vmem>>, vector<16xi32>,
        %mul3A_428 = arith.constant 128 : i32
        %mul3A_429 = arith.muli %add3A_343, %mul3A_428 : i32
        %add3A_430 = arith.constant 64 : i32
        %add3A_431 = arith.addi %mul3A_429, %add3A_430 : i32
        %get3A_432 = arith.index_cast %add3A_431 : i32 to index
        %get3A_433 = tpu.vector_load %arg6[%get3A_432] {strides = array<i32>} : memref<10112xi32, #tpu.memory_space<vmem>>, vector<16xi32>,
        %get3A_434 = vector.shape_cast %get3A_433 : vector<16xi32> to vector<16xi32>
        %and3A_435 = arith.constant 16383 : i32
        %and3A_436 = vector.broadcast %and3A_435 : i32 to vector<16xi32>
        %and3A_437 = arith.andi %get3A_434, %and3A_436 : vector<16xi32>
        %swap3A_438 = arith.constant 64 : index
        %swap3A_439 = tpu.vector_load %arg7[%swap3A_438] {strides = array<i32>} : memref<128xi32, #tpu.memory_space<vmem>>, vector<16xi32>,
        %swap3A_440 = vector.shape_cast %swap3A_439 : vector<16xi32> to vector<16xi32>
        %swap3A_441 = vector.shape_cast %and3A_437 : vector<16xi32> to vector<16xi32>
        tpu.vector_store %arg7[%swap3A_438], %swap3A_441 {strides = array<i32>} : memref<128xi32, #tpu.memory_space<vmem>>, vector<16xi32>,
        %shift_right_arithmetic3A_442 = arith.constant 14 : i32
        %shift_right_arithmetic3A_443 = vector.broadcast %shift_right_arithmetic3A_442 : i32 to vector<16xi32>
        %shift_right_arithmetic3A_444 = arith.shrsi %get3A_434, %shift_right_arithmetic3A_443 : vector<16xi32>
        %swap3A_445 = arith.constant 64 : index
        %swap3A_446 = tpu.vector_load %arg9[%swap3A_445] {strides = array<i32>} : memref<128xi32, #tpu.memory_space<vmem>>, vector<16xi32>,
        %swap3A_447 = vector.shape_cast %swap3A_446 : vector<16xi32> to vector<16xi32>
        %swap3A_448 = vector.shape_cast %shift_right_arithmetic3A_444 : vector<16xi32> to vector<16xi32>
        tpu.vector_store %arg9[%swap3A_445], %swap3A_448 {strides = array<i32>} : memref<128xi32, #tpu.memory_space<vmem>>, vector<16xi32>,
        %mul3A_449 = arith.constant 128 : i32
        %mul3A_450 = arith.muli %add3A_343, %mul3A_449 : i32
        %add3A_451 = arith.constant 80 : i32
        %add3A_452 = arith.addi %mul3A_450, %add3A_451 : i32
        %get3A_453 = arith.index_cast %add3A_452 : i32 to index
        %get3A_454 = tpu.vector_load %arg6[%get3A_453] {strides = array<i32>} : memref<10112xi32, #tpu.memory_space<vmem>>, vector<16xi32>,
        %get3A_455 = vector.shape_cast %get3A_454 : vector<16xi32> to vector<16xi32>
        %and3A_456 = arith.constant 16383 : i32
        %and3A_457 = vector.broadcast %and3A_456 : i32 to vector<16xi32>
        %and3A_458 = arith.andi %get3A_455, %and3A_457 : vector<16xi32>
        %swap3A_459 = arith.constant 80 : index
        %swap3A_460 = tpu.vector_load %arg7[%swap3A_459] {strides = array<i32>} : memref<128xi32, #tpu.memory_space<vmem>>, vector<16xi32>,
        %swap3A_461 = vector.shape_cast %swap3A_460 : vector<16xi32> to vector<16xi32>
        %swap3A_462 = vector.shape_cast %and3A_458 : vector<16xi32> to vector<16xi32>
        tpu.vector_store %arg7[%swap3A_459], %swap3A_462 {strides = array<i32>} : memref<128xi32, #tpu.memory_space<vmem>>, vector<16xi32>,
        %shift_right_arithmetic3A_463 = arith.constant 14 : i32
        %shift_right_arithmetic3A_464 = vector.broadcast %shift_right_arithmetic3A_463 : i32 to vector<16xi32>
        %shift_right_arithmetic3A_465 = arith.shrsi %get3A_455, %shift_right_arithmetic3A_464 : vector<16xi32>
        %swap3A_466 = arith.constant 80 : index
        %swap3A_467 = tpu.vector_load %arg9[%swap3A_466] {strides = array<i32>} : memref<128xi32, #tpu.memory_space<vmem>>, vector<16xi32>,
        %swap3A_468 = vector.shape_cast %swap3A_467 : vector<16xi32> to vector<16xi32>
        %swap3A_469 = vector.shape_cast %shift_right_arithmetic3A_465 : vector<16xi32> to vector<16xi32>
        tpu.vector_store %arg9[%swap3A_466], %swap3A_469 {strides = array<i32>} : memref<128xi32, #tpu.memory_space<vmem>>, vector<16xi32>,
        %mul3A_470 = arith.constant 128 : i32
        %mul3A_471 = arith.muli %add3A_343, %mul3A_470 : i32
        %add3A_472 = arith.constant 96 : i32
        %add3A_473 = arith.addi %mul3A_471, %add3A_472 : i32
        %get3A_474 = arith.index_cast %add3A_473 : i32 to index
        %get3A_475 = tpu.vector_load %arg6[%get3A_474] {strides = array<i32>} : memref<10112xi32, #tpu.memory_space<vmem>>, vector<16xi32>,
        %get3A_476 = vector.shape_cast %get3A_475 : vector<16xi32> to vector<16xi32>
        %and3A_477 = arith.constant 16383 : i32
        %and3A_478 = vector.broadcast %and3A_477 : i32 to vector<16xi32>
        %and3A_479 = arith.andi %get3A_476, %and3A_478 : vector<16xi32>
        %swap3A_480 = arith.constant 96 : index
        %swap3A_481 = tpu.vector_load %arg7[%swap3A_480] {strides = array<i32>} : memref<128xi32, #tpu.memory_space<vmem>>, vector<16xi32>,
        %swap3A_482 = vector.shape_cast %swap3A_481 : vector<16xi32> to vector<16xi32>
        %swap3A_483 = vector.shape_cast %and3A_479 : vector<16xi32> to vector<16xi32>
        tpu.vector_store %arg7[%swap3A_480], %swap3A_483 {strides = array<i32>} : memref<128xi32, #tpu.memory_space<vmem>>, vector<16xi32>,
        %shift_right_arithmetic3A_484 = arith.constant 14 : i32
        %shift_right_arithmetic3A_485 = vector.broadcast %shift_right_arithmetic3A_484 : i32 to vector<16xi32>
        %shift_right_arithmetic3A_486 = arith.shrsi %get3A_476, %shift_right_arithmetic3A_485 : vector<16xi32>
        %swap3A_487 = arith.constant 96 : index
        %swap3A_488 = tpu.vector_load %arg9[%swap3A_487] {strides = array<i32>} : memref<128xi32, #tpu.memory_space<vmem>>, vector<16xi32>,
        %swap3A_489 = vector.shape_cast %swap3A_488 : vector<16xi32> to vector<16xi32>
        %swap3A_490 = vector.shape_cast %shift_right_arithmetic3A_486 : vector<16xi32> to vector<16xi32>
        tpu.vector_store %arg9[%swap3A_487], %swap3A_490 {strides = array<i32>} : memref<128xi32, #tpu.memory_space<vmem>>, vector<16xi32>,
        %mul3A_491 = arith.constant 128 : i32
        %mul3A_492 = arith.muli %add3A_343, %mul3A_491 : i32
        %add3A_493 = arith.constant 112 : i32
        %add3A_494 = arith.addi %mul3A_492, %add3A_493 : i32
        %get3A_495 = arith.index_cast %add3A_494 : i32 to index
        %get3A_496 = tpu.vector_load %arg6[%get3A_495] {strides = array<i32>} : memref<10112xi32, #tpu.memory_space<vmem>>, vector<16xi32>,
        %get3A_497 = vector.shape_cast %get3A_496 : vector<16xi32> to vector<16xi32>
        %and3A_498 = arith.constant 16383 : i32
        %and3A_499 = vector.broadcast %and3A_498 : i32 to vector<16xi32>
        %and3A_500 = arith.andi %get3A_497, %and3A_499 : vector<16xi32>
        %swap3A_501 = arith.constant 112 : index
        %swap3A_502 = tpu.vector_load %arg7[%swap3A_501] {strides = array<i32>} : memref<128xi32, #tpu.memory_space<vmem>>, vector<16xi32>,
        %swap3A_503 = vector.shape_cast %swap3A_502 : vector<16xi32> to vector<16xi32>
        %swap3A_504 = vector.shape_cast %and3A_500 : vector<16xi32> to vector<16xi32>
        tpu.vector_store %arg7[%swap3A_501], %swap3A_504 {strides = array<i32>} : memref<128xi32, #tpu.memory_space<vmem>>, vector<16xi32>,
        %shift_right_arithmetic3A_505 = arith.constant 14 : i32
        %shift_right_arithmetic3A_506 = vector.broadcast %shift_right_arithmetic3A_505 : i32 to vector<16xi32>
        %shift_right_arithmetic3A_507 = arith.shrsi %get3A_497, %shift_right_arithmetic3A_506 : vector<16xi32>
        %swap3A_508 = arith.constant 112 : index
        %swap3A_509 = tpu.vector_load %arg9[%swap3A_508] {strides = array<i32>} : memref<128xi32, #tpu.memory_space<vmem>>, vector<16xi32>,
        %swap3A_510 = vector.shape_cast %swap3A_509 : vector<16xi32> to vector<16xi32>
        %swap3A_511 = vector.shape_cast %shift_right_arithmetic3A_507 : vector<16xi32> to vector<16xi32>
        tpu.vector_store %arg9[%swap3A_508], %swap3A_511 {strides = array<i32>} : memref<128xi32, #tpu.memory_space<vmem>>, vector<16xi32>,
        %add3A_512 = arith.constant 2 : i32
        %add3A_513 = arith.addi %mul3A_296, %add3A_512 : i32
        %dma_start3A_514 = arith.constant 0 : i32
        %dma_start3A_515 = arith.constant 0 : i32
        %dma_start3A_516 = tpu.memref_slice %arg2[%dma_start3A_514, %dma_start3A_515] : memref<10112x128xf32, #tpu.memory_space<hbm>> -> memref<10112x128xf32, #tpu.memory_space<hbm>>
        tpu.enqueue_indirect_dma source(%dma_start3A_516 : memref<10112x128xf32, #tpu.memory_space<hbm>>) target(%arg11 : memref<128x128xf32, #tpu.memory_space<vmem>>) offsets(%arg7 : memref<128xi32, #tpu.memory_space<vmem>>) semaphore(%arg14 : memref<!tpu.dma_semaphore, #tpu.memory_space<semaphore_mem>>)
      } else {
      }
      %dma_wait3A_318 = arith.constant 0 : i32
      %dma_wait3A_319 = arith.constant 0 : i32
      %dma_wait3A_320 = tpu.memref_slice %arg2[%dma_wait3A_318, %dma_wait3A_319] : memref<10112x128xf32, #tpu.memory_space<hbm>> -> memref<128x128xf32, #tpu.memory_space<hbm>>
      %dma_wait3A_321 = arith.constant 0 : i32
      %dma_wait3A_322 = arith.constant 0 : i32
      %dma_wait3A_323 = tpu.memref_slice %arg2[%dma_wait3A_321, %dma_wait3A_322] : memref<10112x128xf32, #tpu.memory_space<hbm>> -> memref<128x128xf32, #tpu.memory_space<hbm>>
      tpu.wait_dma2 semaphore(%arg15 : memref<!tpu.dma_semaphore, #tpu.memory_space<semaphore_mem>>) src(%dma_wait3A_323 : memref<128x128xf32, #tpu.memory_space<hbm>>) dst(%arg12 : memref<128x128xf32, #tpu.memory_space<vmem>>)
      %add3A_324 = arith.constant 1 : i32
      %add3A_325 = arith.addi %mul3A_296, %add3A_324 : i32
      %dma_start3A_326 = arith.constant 0 : i32
      %dma_start3A_327 = arith.constant 0 : i32
      %dma_start3A_328 = tpu.memref_slice %arg13[%dma_start3A_326, %dma_start3A_327] : memref<10112x128xf32, #tpu.memory_space<vmem_shared>> -> memref<10112x128xf32, #tpu.memory_space<vmem_shared>>
      tpu.enqueue_indirect_dma source(%arg12 : memref<128x128xf32, #tpu.memory_space<vmem>>) target(%dma_start3A_328 : memref<10112x128xf32, #tpu.memory_space<vmem_shared>>) offsets(%arg10 : memref<128xi32, #tpu.memory_space<vmem>>) semaphore(%arg17 : memref<!tpu.dma_semaphore, #tpu.memory_space<semaphore_mem>>) {add = true}
      %dma_wait3A_329 = arith.constant 0 : i32
      %dma_wait3A_330 = arith.constant 0 : i32
      %dma_wait3A_331 = tpu.memref_slice %arg13[%dma_wait3A_329, %dma_wait3A_330] : memref<10112x128xf32, #tpu.memory_space<vmem_shared>> -> memref<128x128xf32, #tpu.memory_space<vmem_shared>>
      %dma_wait3A_332 = arith.constant 0 : i32
      %dma_wait3A_333 = arith.constant 0 : i32
      %dma_wait3A_334 = tpu.memref_slice %arg13[%dma_wait3A_332, %dma_wait3A_333] : memref<10112x128xf32, #tpu.memory_space<vmem_shared>> -> memref<128x128xf32, #tpu.memory_space<vmem_shared>>
      tpu.wait_dma2 semaphore(%arg17 : memref<!tpu.dma_semaphore, #tpu.memory_space<semaphore_mem>>) src(%arg12 : memref<128x128xf32, #tpu.memory_space<vmem>>) dst(%dma_wait3A_334 : memref<128x128xf32, #tpu.memory_space<vmem_shared>>)
      %add3A_335 = arith.constant 3 : i32
      %add3A_336 = arith.addi %mul3A_296, %add3A_335 : i32
      %lt3A_337 = arith.constant 78 : i32
      %lt3A_338 = arith.cmpi slt, %add3A_336, %lt3A_337 : i32
      %convert_element_type3A_339 = arith.extui %lt3A_338 : i1 to i32
      %cond3A_340 = arith.constant 0 : i32
      %cond3A_341 = arith.cmpi ne, %convert_element_type3A_339, %cond3A_340 : i32
      scf.if %cond3A_341 {
        %add3A_342 = arith.constant 3 : i32
        %add3A_343 = arith.addi %mul3A_296, %add3A_342 : i32
        %mul3A_344 = arith.constant 128 : i32
        %mul3A_345 = arith.muli %add3A_343, %mul3A_344 : i32
        %add3A_346 = arith.constant 0 : i32
        %add3A_347 = arith.addi %mul3A_345, %add3A_346 : i32
        %get3A_348 = arith.index_cast %add3A_347 : i32 to index
        %get3A_349 = tpu.vector_load %arg6[%get3A_348] {strides = array<i32>} : memref<10112xi32, #tpu.memory_space<vmem>>, vector<16xi32>,
        %get3A_350 = vector.shape_cast %get3A_349 : vector<16xi32> to vector<16xi32>
        %and3A_351 = arith.constant 16383 : i32
        %and3A_352 = vector.broadcast %and3A_351 : i32 to vector<16xi32>
        %and3A_353 = arith.andi %get3A_350, %and3A_352 : vector<16xi32>
        %swap3A_354 = arith.constant 0 : index
        %swap3A_355 = tpu.vector_load %arg8[%swap3A_354] {strides = array<i32>} : memref<128xi32, #tpu.memory_space<vmem>>, vector<16xi32>,
        %swap3A_356 = vector.shape_cast %swap3A_355 : vector<16xi32> to vector<16xi32>
        %swap3A_357 = vector.shape_cast %and3A_353 : vector<16xi32> to vector<16xi32>
        tpu.vector_store %arg8[%swap3A_354], %swap3A_357 {strides = array<i32>} : memref<128xi32, #tpu.memory_space<vmem>>, vector<16xi32>,
        %shift_right_arithmetic3A_358 = arith.constant 14 : i32
        %shift_right_arithmetic3A_359 = vector.broadcast %shift_right_arithmetic3A_358 : i32 to vector<16xi32>
        %shift_right_arithmetic3A_360 = arith.shrsi %get3A_350, %shift_right_arithmetic3A_359 : vector<16xi32>
        %swap3A_361 = arith.constant 0 : index
        %swap3A_362 = tpu.vector_load %arg10[%swap3A_361] {strides = array<i32>} : memref<128xi32, #tpu.memory_space<vmem>>, vector<16xi32>,
        %swap3A_363 = vector.shape_cast %swap3A_362 : vector<16xi32> to vector<16xi32>
        %swap3A_364 = vector.shape_cast %shift_right_arithmetic3A_360 : vector<16xi32> to vector<16xi32>
        tpu.vector_store %arg10[%swap3A_361], %swap3A_364 {strides = array<i32>} : memref<128xi32, #tpu.memory_space<vmem>>, vector<16xi32>,
        %mul3A_365 = arith.constant 128 : i32
        %mul3A_366 = arith.muli %add3A_343, %mul3A_365 : i32
        %add3A_367 = arith.constant 16 : i32
        %add3A_368 = arith.addi %mul3A_366, %add3A_367 : i32
        %get3A_369 = arith.index_cast %add3A_368 : i32 to index
        %get3A_370 = tpu.vector_load %arg6[%get3A_369] {strides = array<i32>} : memref<10112xi32, #tpu.memory_space<vmem>>, vector<16xi32>,
        %get3A_371 = vector.shape_cast %get3A_370 : vector<16xi32> to vector<16xi32>
        %and3A_372 = arith.constant 16383 : i32
        %and3A_373 = vector.broadcast %and3A_372 : i32 to vector<16xi32>
        %and3A_374 = arith.andi %get3A_371, %and3A_373 : vector<16xi32>
        %swap3A_375 = arith.constant 16 : index
        %swap3A_376 = tpu.vector_load %arg8[%swap3A_375] {strides = array<i32>} : memref<128xi32, #tpu.memory_space<vmem>>, vector<16xi32>,
        %swap3A_377 = vector.shape_cast %swap3A_376 : vector<16xi32> to vector<16xi32>
        %swap3A_378 = vector.shape_cast %and3A_374 : vector<16xi32> to vector<16xi32>
        tpu.vector_store %arg8[%swap3A_375], %swap3A_378 {strides = array<i32>} : memref<128xi32, #tpu.memory_space<vmem>>, vector<16xi32>,
        %shift_right_arithmetic3A_379 = arith.constant 14 : i32
        %shift_right_arithmetic3A_380 = vector.broadcast %shift_right_arithmetic3A_379 : i32 to vector<16xi32>
        %shift_right_arithmetic3A_381 = arith.shrsi %get3A_371, %shift_right_arithmetic3A_380 : vector<16xi32>
        %swap3A_382 = arith.constant 16 : index
        %swap3A_383 = tpu.vector_load %arg10[%swap3A_382] {strides = array<i32>} : memref<128xi32, #tpu.memory_space<vmem>>, vector<16xi32>,
        %swap3A_384 = vector.shape_cast %swap3A_383 : vector<16xi32> to vector<16xi32>
        %swap3A_385 = vector.shape_cast %shift_right_arithmetic3A_381 : vector<16xi32> to vector<16xi32>
        tpu.vector_store %arg10[%swap3A_382], %swap3A_385 {strides = array<i32>} : memref<128xi32, #tpu.memory_space<vmem>>, vector<16xi32>,
        %mul3A_386 = arith.constant 128 : i32
        %mul3A_387 = arith.muli %add3A_343, %mul3A_386 : i32
        %add3A_388 = arith.constant 32 : i32
        %add3A_389 = arith.addi %mul3A_387, %add3A_388 : i32
        %get3A_390 = arith.index_cast %add3A_389 : i32 to index
        %get3A_391 = tpu.vector_load %arg6[%get3A_390] {strides = array<i32>} : memref<10112xi32, #tpu.memory_space<vmem>>, vector<16xi32>,
        %get3A_392 = vector.shape_cast %get3A_391 : vector<16xi32> to vector<16xi32>
        %and3A_393 = arith.constant 16383 : i32
        %and3A_394 = vector.broadcast %and3A_393 : i32 to vector<16xi32>
        %and3A_395 = arith.andi %get3A_392, %and3A_394 : vector<16xi32>
        %swap3A_396 = arith.constant 32 : index
        %swap3A_397 = tpu.vector_load %arg8[%swap3A_396] {strides = array<i32>} : memref<128xi32, #tpu.memory_space<vmem>>, vector<16xi32>,
        %swap3A_398 = vector.shape_cast %swap3A_397 : vector<16xi32> to vector<16xi32>
        %swap3A_399 = vector.shape_cast %and3A_395 : vector<16xi32> to vector<16xi32>
        tpu.vector_store %arg8[%swap3A_396], %swap3A_399 {strides = array<i32>} : memref<128xi32, #tpu.memory_space<vmem>>, vector<16xi32>,
        %shift_right_arithmetic3A_400 = arith.constant 14 : i32
        %shift_right_arithmetic3A_401 = vector.broadcast %shift_right_arithmetic3A_400 : i32 to vector<16xi32>
        %shift_right_arithmetic3A_402 = arith.shrsi %get3A_392, %shift_right_arithmetic3A_401 : vector<16xi32>
        %swap3A_403 = arith.constant 32 : index
        %swap3A_404 = tpu.vector_load %arg10[%swap3A_403] {strides = array<i32>} : memref<128xi32, #tpu.memory_space<vmem>>, vector<16xi32>,
        %swap3A_405 = vector.shape_cast %swap3A_404 : vector<16xi32> to vector<16xi32>
        %swap3A_406 = vector.shape_cast %shift_right_arithmetic3A_402 : vector<16xi32> to vector<16xi32>
        tpu.vector_store %arg10[%swap3A_403], %swap3A_406 {strides = array<i32>} : memref<128xi32, #tpu.memory_space<vmem>>, vector<16xi32>,
        %mul3A_407 = arith.constant 128 : i32
        %mul3A_408 = arith.muli %add3A_343, %mul3A_407 : i32
        %add3A_409 = arith.constant 48 : i32
        %add3A_410 = arith.addi %mul3A_408, %add3A_409 : i32
        %get3A_411 = arith.index_cast %add3A_410 : i32 to index
        %get3A_412 = tpu.vector_load %arg6[%get3A_411] {strides = array<i32>} : memref<10112xi32, #tpu.memory_space<vmem>>, vector<16xi32>,
        %get3A_413 = vector.shape_cast %get3A_412 : vector<16xi32> to vector<16xi32>
        %and3A_414 = arith.constant 16383 : i32
        %and3A_415 = vector.broadcast %and3A_414 : i32 to vector<16xi32>
        %and3A_416 = arith.andi %get3A_413, %and3A_415 : vector<16xi32>
        %swap3A_417 = arith.constant 48 : index
        %swap3A_418 = tpu.vector_load %arg8[%swap3A_417] {strides = array<i32>} : memref<128xi32, #tpu.memory_space<vmem>>, vector<16xi32>,
        %swap3A_419 = vector.shape_cast %swap3A_418 : vector<16xi32> to vector<16xi32>
        %swap3A_420 = vector.shape_cast %and3A_416 : vector<16xi32> to vector<16xi32>
        tpu.vector_store %arg8[%swap3A_417], %swap3A_420 {strides = array<i32>} : memref<128xi32, #tpu.memory_space<vmem>>, vector<16xi32>,
        %shift_right_arithmetic3A_421 = arith.constant 14 : i32
        %shift_right_arithmetic3A_422 = vector.broadcast %shift_right_arithmetic3A_421 : i32 to vector<16xi32>
        %shift_right_arithmetic3A_423 = arith.shrsi %get3A_413, %shift_right_arithmetic3A_422 : vector<16xi32>
        %swap3A_424 = arith.constant 48 : index
        %swap3A_425 = tpu.vector_load %arg10[%swap3A_424] {strides = array<i32>} : memref<128xi32, #tpu.memory_space<vmem>>, vector<16xi32>,
        %swap3A_426 = vector.shape_cast %swap3A_425 : vector<16xi32> to vector<16xi32>
        %swap3A_427 = vector.shape_cast %shift_right_arithmetic3A_423 : vector<16xi32> to vector<16xi32>
        tpu.vector_store %arg10[%swap3A_424], %swap3A_427 {strides = array<i32>} : memref<128xi32, #tpu.memory_space<vmem>>, vector<16xi32>,
        %mul3A_428 = arith.constant 128 : i32
        %mul3A_429 = arith.muli %add3A_343, %mul3A_428 : i32
        %add3A_430 = arith.constant 64 : i32
        %add3A_431 = arith.addi %mul3A_429, %add3A_430 : i32
        %get3A_432 = arith.index_cast %add3A_431 : i32 to index
        %get3A_433 = tpu.vector_load %arg6[%get3A_432] {strides = array<i32>} : memref<10112xi32, #tpu.memory_space<vmem>>, vector<16xi32>,
        %get3A_434 = vector.shape_cast %get3A_433 : vector<16xi32> to vector<16xi32>
        %and3A_435 = arith.constant 16383 : i32
        %and3A_436 = vector.broadcast %and3A_435 : i32 to vector<16xi32>
        %and3A_437 = arith.andi %get3A_434, %and3A_436 : vector<16xi32>
        %swap3A_438 = arith.constant 64 : index
        %swap3A_439 = tpu.vector_load %arg8[%swap3A_438] {strides = array<i32>} : memref<128xi32, #tpu.memory_space<vmem>>, vector<16xi32>,
        %swap3A_440 = vector.shape_cast %swap3A_439 : vector<16xi32> to vector<16xi32>
        %swap3A_441 = vector.shape_cast %and3A_437 : vector<16xi32> to vector<16xi32>
        tpu.vector_store %arg8[%swap3A_438], %swap3A_441 {strides = array<i32>} : memref<128xi32, #tpu.memory_space<vmem>>, vector<16xi32>,
        %shift_right_arithmetic3A_442 = arith.constant 14 : i32
        %shift_right_arithmetic3A_443 = vector.broadcast %shift_right_arithmetic3A_442 : i32 to vector<16xi32>
        %shift_right_arithmetic3A_444 = arith.shrsi %get3A_434, %shift_right_arithmetic3A_443 : vector<16xi32>
        %swap3A_445 = arith.constant 64 : index
        %swap3A_446 = tpu.vector_load %arg10[%swap3A_445] {strides = array<i32>} : memref<128xi32, #tpu.memory_space<vmem>>, vector<16xi32>,
        %swap3A_447 = vector.shape_cast %swap3A_446 : vector<16xi32> to vector<16xi32>
        %swap3A_448 = vector.shape_cast %shift_right_arithmetic3A_444 : vector<16xi32> to vector<16xi32>
        tpu.vector_store %arg10[%swap3A_445], %swap3A_448 {strides = array<i32>} : memref<128xi32, #tpu.memory_space<vmem>>, vector<16xi32>,
        %mul3A_449 = arith.constant 128 : i32
        %mul3A_450 = arith.muli %add3A_343, %mul3A_449 : i32
        %add3A_451 = arith.constant 80 : i32
        %add3A_452 = arith.addi %mul3A_450, %add3A_451 : i32
        %get3A_453 = arith.index_cast %add3A_452 : i32 to index
        %get3A_454 = tpu.vector_load %arg6[%get3A_453] {strides = array<i32>} : memref<10112xi32, #tpu.memory_space<vmem>>, vector<16xi32>,
        %get3A_455 = vector.shape_cast %get3A_454 : vector<16xi32> to vector<16xi32>
        %and3A_456 = arith.constant 16383 : i32
        %and3A_457 = vector.broadcast %and3A_456 : i32 to vector<16xi32>
        %and3A_458 = arith.andi %get3A_455, %and3A_457 : vector<16xi32>
        %swap3A_459 = arith.constant 80 : index
        %swap3A_460 = tpu.vector_load %arg8[%swap3A_459] {strides = array<i32>} : memref<128xi32, #tpu.memory_space<vmem>>, vector<16xi32>,
        %swap3A_461 = vector.shape_cast %swap3A_460 : vector<16xi32> to vector<16xi32>
        %swap3A_462 = vector.shape_cast %and3A_458 : vector<16xi32> to vector<16xi32>
        tpu.vector_store %arg8[%swap3A_459], %swap3A_462 {strides = array<i32>} : memref<128xi32, #tpu.memory_space<vmem>>, vector<16xi32>,
        %shift_right_arithmetic3A_463 = arith.constant 14 : i32
        %shift_right_arithmetic3A_464 = vector.broadcast %shift_right_arithmetic3A_463 : i32 to vector<16xi32>
        %shift_right_arithmetic3A_465 = arith.shrsi %get3A_455, %shift_right_arithmetic3A_464 : vector<16xi32>
        %swap3A_466 = arith.constant 80 : index
        %swap3A_467 = tpu.vector_load %arg10[%swap3A_466] {strides = array<i32>} : memref<128xi32, #tpu.memory_space<vmem>>, vector<16xi32>,
        %swap3A_468 = vector.shape_cast %swap3A_467 : vector<16xi32> to vector<16xi32>
        %swap3A_469 = vector.shape_cast %shift_right_arithmetic3A_465 : vector<16xi32> to vector<16xi32>
        tpu.vector_store %arg10[%swap3A_466], %swap3A_469 {strides = array<i32>} : memref<128xi32, #tpu.memory_space<vmem>>, vector<16xi32>,
        %mul3A_470 = arith.constant 128 : i32
        %mul3A_471 = arith.muli %add3A_343, %mul3A_470 : i32
        %add3A_472 = arith.constant 96 : i32
        %add3A_473 = arith.addi %mul3A_471, %add3A_472 : i32
        %get3A_474 = arith.index_cast %add3A_473 : i32 to index
        %get3A_475 = tpu.vector_load %arg6[%get3A_474] {strides = array<i32>} : memref<10112xi32, #tpu.memory_space<vmem>>, vector<16xi32>,
        %get3A_476 = vector.shape_cast %get3A_475 : vector<16xi32> to vector<16xi32>
        %and3A_477 = arith.constant 16383 : i32
        %and3A_478 = vector.broadcast %and3A_477 : i32 to vector<16xi32>
        %and3A_479 = arith.andi %get3A_476, %and3A_478 : vector<16xi32>
        %swap3A_480 = arith.constant 96 : index
        %swap3A_481 = tpu.vector_load %arg8[%swap3A_480] {strides = array<i32>} : memref<128xi32, #tpu.memory_space<vmem>>, vector<16xi32>,
        %swap3A_482 = vector.shape_cast %swap3A_481 : vector<16xi32> to vector<16xi32>
        %swap3A_483 = vector.shape_cast %and3A_479 : vector<16xi32> to vector<16xi32>
        tpu.vector_store %arg8[%swap3A_480], %swap3A_483 {strides = array<i32>} : memref<128xi32, #tpu.memory_space<vmem>>, vector<16xi32>,
        %shift_right_arithmetic3A_484 = arith.constant 14 : i32
        %shift_right_arithmetic3A_485 = vector.broadcast %shift_right_arithmetic3A_484 : i32 to vector<16xi32>
        %shift_right_arithmetic3A_486 = arith.shrsi %get3A_476, %shift_right_arithmetic3A_485 : vector<16xi32>
        %swap3A_487 = arith.constant 96 : index
        %swap3A_488 = tpu.vector_load %arg10[%swap3A_487] {strides = array<i32>} : memref<128xi32, #tpu.memory_space<vmem>>, vector<16xi32>,
        %swap3A_489 = vector.shape_cast %swap3A_488 : vector<16xi32> to vector<16xi32>
        %swap3A_490 = vector.shape_cast %shift_right_arithmetic3A_486 : vector<16xi32> to vector<16xi32>
        tpu.vector_store %arg10[%swap3A_487], %swap3A_490 {strides = array<i32>} : memref<128xi32, #tpu.memory_space<vmem>>, vector<16xi32>,
        %mul3A_491 = arith.constant 128 : i32
        %mul3A_492 = arith.muli %add3A_343, %mul3A_491 : i32
        %add3A_493 = arith.constant 112 : i32
        %add3A_494 = arith.addi %mul3A_492, %add3A_493 : i32
        %get3A_495 = arith.index_cast %add3A_494 : i32 to index
        %get3A_496 = tpu.vector_load %arg6[%get3A_495] {strides = array<i32>} : memref<10112xi32, #tpu.memory_space<vmem>>, vector<16xi32>,
        %get3A_497 = vector.shape_cast %get3A_496 : vector<16xi32> to vector<16xi32>
        %and3A_498 = arith.constant 16383 : i32
        %and3A_499 = vector.broadcast %and3A_498 : i32 to vector<16xi32>
        %and3A_500 = arith.andi %get3A_497, %and3A_499 : vector<16xi32>
        %swap3A_501 = arith.constant 112 : index
        %swap3A_502 = tpu.vector_load %arg8[%swap3A_501] {strides = array<i32>} : memref<128xi32, #tpu.memory_space<vmem>>, vector<16xi32>,
        %swap3A_503 = vector.shape_cast %swap3A_502 : vector<16xi32> to vector<16xi32>
        %swap3A_504 = vector.shape_cast %and3A_500 : vector<16xi32> to vector<16xi32>
        tpu.vector_store %arg8[%swap3A_501], %swap3A_504 {strides = array<i32>} : memref<128xi32, #tpu.memory_space<vmem>>, vector<16xi32>,
        %shift_right_arithmetic3A_505 = arith.constant 14 : i32
        %shift_right_arithmetic3A_506 = vector.broadcast %shift_right_arithmetic3A_505 : i32 to vector<16xi32>
        %shift_right_arithmetic3A_507 = arith.shrsi %get3A_497, %shift_right_arithmetic3A_506 : vector<16xi32>
        %swap3A_508 = arith.constant 112 : index
        %swap3A_509 = tpu.vector_load %arg10[%swap3A_508] {strides = array<i32>} : memref<128xi32, #tpu.memory_space<vmem>>, vector<16xi32>,
        %swap3A_510 = vector.shape_cast %swap3A_509 : vector<16xi32> to vector<16xi32>
        %swap3A_511 = vector.shape_cast %shift_right_arithmetic3A_507 : vector<16xi32> to vector<16xi32>
        tpu.vector_store %arg10[%swap3A_508], %swap3A_511 {strides = array<i32>} : memref<128xi32, #tpu.memory_space<vmem>>, vector<16xi32>,
        %add3A_512 = arith.constant 3 : i32
        %add3A_513 = arith.addi %mul3A_296, %add3A_512 : i32
        %dma_start3A_514 = arith.constant 0 : i32
        %dma_start3A_515 = arith.constant 0 : i32
        %dma_start3A_516 = tpu.memref_slice %arg2[%dma_start3A_514, %dma_start3A_515] : memref<10112x128xf32, #tpu.memory_space<hbm>> -> memref<10112x128xf32, #tpu.memory_space<hbm>>
        tpu.enqueue_indirect_dma source(%dma_start3A_516 : memref<10112x128xf32, #tpu.memory_space<hbm>>) target(%arg12 : memref<128x128xf32, #tpu.memory_space<vmem>>) offsets(%arg8 : memref<128xi32, #tpu.memory_space<vmem>>) semaphore(%arg15 : memref<!tpu.dma_semaphore, #tpu.memory_space<semaphore_mem>>)
      } else {
      }
    }
    %scan3A_287 = arith.constant 39 : i32
    %convert_element_type3A = arith.extui %lt3A_7 : i1 to i32
    %cond3A = arith.constant 0 : i32
    %cond3A_288 = arith.cmpi ne, %convert_element_type3A, %cond3A : i32
    scf.if %cond3A_288 {
      %dma_wait3A = arith.constant 0 : i32
      %dma_wait3A_294 = arith.constant 0 : i32
      %dma_wait3A_295 = tpu.memref_slice %arg2[%dma_wait3A, %dma_wait3A_294] : memref<10112x128xf32, #tpu.memory_space<hbm>> -> memref<128x128xf32, #tpu.memory_space<hbm>>
      %dma_wait3A_296 = arith.constant 0 : i32
      %dma_wait3A_297 = arith.constant 0 : i32
      %dma_wait3A_298 = tpu.memref_slice %arg2[%dma_wait3A_296, %dma_wait3A_297] : memref<10112x128xf32, #tpu.memory_space<hbm>> -> memref<128x128xf32, #tpu.memory_space<hbm>>
      tpu.wait_dma2 semaphore(%arg14 : memref<!tpu.dma_semaphore, #tpu.memory_space<semaphore_mem>>) src(%dma_wait3A_298 : memref<128x128xf32, #tpu.memory_space<hbm>>) dst(%arg11 : memref<128x128xf32, #tpu.memory_space<vmem>>)
      %dma_start3A_299 = arith.constant 0 : i32
      %dma_start3A_300 = arith.constant 0 : i32
      %dma_start3A_301 = tpu.memref_slice %arg13[%dma_start3A_299, %dma_start3A_300] : memref<10112x128xf32, #tpu.memory_space<vmem_shared>> -> memref<10112x128xf32, #tpu.memory_space<vmem_shared>>
      tpu.enqueue_indirect_dma source(%arg11 : memref<128x128xf32, #tpu.memory_space<vmem>>) target(%dma_start3A_301 : memref<10112x128xf32, #tpu.memory_space<vmem_shared>>) offsets(%arg9 : memref<128xi32, #tpu.memory_space<vmem>>) semaphore(%arg16 : memref<!tpu.dma_semaphore, #tpu.memory_space<semaphore_mem>>) {add = true}
      %dma_wait3A_302 = arith.constant 0 : i32
      %dma_wait3A_303 = arith.constant 0 : i32
      %dma_wait3A_304 = tpu.memref_slice %arg13[%dma_wait3A_302, %dma_wait3A_303] : memref<10112x128xf32, #tpu.memory_space<vmem_shared>> -> memref<128x128xf32, #tpu.memory_space<vmem_shared>>
      %dma_wait3A_305 = arith.constant 0 : i32
      %dma_wait3A_306 = arith.constant 0 : i32
      %dma_wait3A_307 = tpu.memref_slice %arg13[%dma_wait3A_305, %dma_wait3A_306] : memref<10112x128xf32, #tpu.memory_space<vmem_shared>> -> memref<128x128xf32, #tpu.memory_space<vmem_shared>>
      tpu.wait_dma2 semaphore(%arg16 : memref<!tpu.dma_semaphore, #tpu.memory_space<semaphore_mem>>) src(%arg11 : memref<128x128xf32, #tpu.memory_space<vmem>>) dst(%dma_wait3A_307 : memref<128x128xf32, #tpu.memory_space<vmem_shared>>)
    } else {
    }
    %barrier3A_289 = arith.constant 0 : index
    tpu.barrier barrier_id(%barrier3A_289)
    %mul3A_290 = arith.constant 632 : i32
    %mul3A_291 = arith.muli %arg1, %mul3A_290 : i32
    %mul3A_292 = arith.constant 632 : i32
    %mul3A_293 = arith.muli %arg1, %mul3A_292 : i32
    "tpu.region"() ({
      %run_scoped3A = tpu.sem_alloc : memref<!tpu.dma_semaphore, #tpu.memory_space<semaphore_mem>>
      %dma_start3A_294 = arith.constant 0 : i32
      %dma_start3A_295 = tpu.memref_slice %arg5[%arg0, %mul3A_293, %dma_start3A_294] : memref<2x10112x128xf32, #tpu.memory_space<hbm>> -> memref<1x632x128xf32, #tpu.memory_space<hbm>>
      %dma_start3A_296 = tpu.memref_squeeze %dma_start3A_295 : memref<1x632x128xf32, #tpu.memory_space<hbm>> -> memref<632x128xf32, #tpu.memory_space<hbm>>
      %dma_start3A_297 = arith.constant 0 : i32
      %dma_start3A_298 = tpu.memref_slice %arg13[%mul3A_291, %dma_start3A_297] : memref<10112x128xf32, #tpu.memory_space<vmem_shared>> -> memref<632x128xf32, #tpu.memory_space<vmem_shared>>
      tpu.enqueue_dma source(%dma_start3A_298 : memref<632x128xf32, #tpu.memory_space<vmem_shared>>) target(%dma_start3A_296 : memref<632x128xf32, #tpu.memory_space<hbm>>) target_semaphore(%run_scoped3A : memref<!tpu.dma_semaphore, #tpu.memory_space<semaphore_mem>>)
      %dma_wait3A = arith.constant 0 : i32
      %dma_wait3A_299 = tpu.memref_slice %arg5[%arg0, %mul3A_293, %dma_wait3A] : memref<2x10112x128xf32, #tpu.memory_space<hbm>> -> memref<1x632x128xf32, #tpu.memory_space<hbm>>
      %dma_wait3A_300 = tpu.memref_squeeze %dma_wait3A_299 : memref<1x632x128xf32, #tpu.memory_space<hbm>> -> memref<632x128xf32, #tpu.memory_space<hbm>>
      %dma_wait3A_301 = arith.constant 0 : i32
      %dma_wait3A_302 = tpu.memref_slice %arg13[%mul3A_291, %dma_wait3A_301] : memref<10112x128xf32, #tpu.memory_space<vmem_shared>> -> memref<632x128xf32, #tpu.memory_space<vmem_shared>>
      tpu.wait_dma2 semaphore(%run_scoped3A : memref<!tpu.dma_semaphore, #tpu.memory_space<semaphore_mem>>) src(%dma_wait3A_302 : memref<632x128xf32, #tpu.memory_space<vmem_shared>>) dst(%dma_wait3A_300 : memref<632x128xf32, #tpu.memory_space<hbm>>)
      tpu.yield
    }) : () -> ()
    return
  }
}

#map = affine_map<(d0, d1) -> (0, 0)>
#map1 = affine_map<(d0, d1) -> (0)>
#map2 = affine_map<(d0, d1) -> (0, 0, 0)>
module attributes {stable_mosaic.version = 14 : i64} {
  func.func @_seg_sum(%arg0: i32, %arg1: i32, %arg2: memref<10112x128xf32, #tpu.memory_space<hbm>>, %arg3: memref<320128xi32, #tpu.memory_space<hbm>>, %arg4: memref<632x128xf32, #tpu.memory_space<hbm>>, %arg5: memref<2x10112x128xf32, #tpu.memory_space<hbm>>, %arg6: memref<10112xi32, #tpu.memory_space<vmem>>, %arg7: memref<128xi32, #tpu.memory_space<vmem>>, %arg8: memref<128xi32, #tpu.memory_space<vmem>>, %arg9: memref<128xi32, #tpu.memory_space<vmem>>, %arg10: memref<128xi32, #tpu.memory_space<vmem>>, %arg11: memref<128x128xf32, #tpu.memory_space<vmem>>, %arg12: memref<128x128xf32, #tpu.memory_space<vmem>>, %arg13: memref<10112x128xf32, #tpu.memory_space<vmem_shared>>, %arg14: memref<!tpu.dma_semaphore, #tpu.memory_space<semaphore_mem>>, %arg15: memref<!tpu.dma_semaphore, #tpu.memory_space<semaphore_mem>>, %arg16: memref<!tpu.dma_semaphore, #tpu.memory_space<semaphore_mem>>, %arg17: memref<!tpu.dma_semaphore, #tpu.memory_space<semaphore_mem>>) attributes {dimension_semantics = [#tpu.dimension_semantics<core_parallel>, #tpu.dimension_semantics<subcore_parallel>], iteration_bounds = array<i64: 2, 16>, scalar_prefetch = 0 : i64, scratch_operands = 12 : i64, tpu.core_type = #tpu.core_type<sc_vector_subcore>, window_params = [{transform_indices = #map}, {transform_indices = #map1}, {transform_indices = #map}, {transform_indices = #map2}]} {
    %mul3A = arith.constant 16 : i32
    %mul3A_0 = arith.muli %arg0, %mul3A : i32
    %add3A = arith.addi %mul3A_0, %arg1 : i32
    %mul3A_1 = arith.constant 9984 : i32
    %mul3A_2 = arith.muli %add3A, %mul3A_1 : i32
    %min3A = arith.constant 4 : i32
    %min3A_3 = arith.minsi %add3A, %min3A : i32
    %mul3A_4 = arith.constant 128 : i32
    %mul3A_5 = arith.muli %min3A_3, %mul3A_4 : i32
    %add3A_6 = arith.addi %mul3A_2, %mul3A_5 : i32
    %lt3A = arith.constant 4 : i32
    %lt3A_7 = arith.cmpi slt, %add3A, %lt3A : i32
    "tpu.region"() ({
      %run_scoped3A = tpu.sem_alloc : memref<!tpu.dma_semaphore, #tpu.memory_space<semaphore_mem>>
      %dma_start3A_294 = tpu.memref_slice %arg3[%add3A_6] : memref<320128xi32, #tpu.memory_space<hbm>> -> memref<10112xi32, #tpu.memory_space<hbm>>
      %dma_start3A_295 = tpu.memref_slice %arg3[%add3A_6] : memref<320128xi32, #tpu.memory_space<hbm>> -> memref<10112xi32, #tpu.memory_space<hbm>>
      tpu.enqueue_dma source(%dma_start3A_295 : memref<10112xi32, #tpu.memory_space<hbm>>) target(%arg6 : memref<10112xi32, #tpu.memory_space<vmem>>) target_semaphore(%run_scoped3A : memref<!tpu.dma_semaphore, #tpu.memory_space<semaphore_mem>>)
      %dma_wait3A = tpu.memref_slice %arg3[%add3A_6] : memref<320128xi32, #tpu.memory_space<hbm>> -> memref<10112xi32, #tpu.memory_space<hbm>>
      %dma_wait3A_296 = tpu.memref_slice %arg3[%add3A_6] : memref<320128xi32, #tpu.memory_space<hbm>> -> memref<10112xi32, #tpu.memory_space<hbm>>
      tpu.wait_dma2 semaphore(%run_scoped3A : memref<!tpu.dma_semaphore, #tpu.memory_space<semaphore_mem>>) src(%dma_wait3A_296 : memref<10112xi32, #tpu.memory_space<hbm>>) dst(%arg6 : memref<10112xi32, #tpu.memory_space<vmem>>)
      tpu.yield
    }) : () -> ()
    %get3A = arith.constant 0 : index
    %get3A_8 = tpu.vector_load %arg6[%get3A] {strides = array<i32>} : memref<10112xi32, #tpu.memory_space<vmem>>, vector<16xi32>,
    %get3A_9 = vector.shape_cast %get3A_8 : vector<16xi32> to vector<16xi32>
    %and3A = arith.constant 16383 : i32
    %and3A_10 = vector.broadcast %and3A : i32 to vector<16xi32>
    %and3A_11 = arith.andi %get3A_9, %and3A_10 : vector<16xi32>
    %swap3A = arith.constant 0 : index
    %swap3A_12 = tpu.vector_load %arg7[%swap3A] {strides = array<i32>} : memref<128xi32, #tpu.memory_space<vmem>>, vector<16xi32>,
    %swap3A_13 = vector.shape_cast %swap3A_12 : vector<16xi32> to vector<16xi32>
    %swap3A_14 = vector.shape_cast %and3A_11 : vector<16xi32> to vector<16xi32>
    tpu.vector_store %arg7[%swap3A], %swap3A_14 {strides = array<i32>} : memref<128xi32, #tpu.memory_space<vmem>>, vector<16xi32>,
    %shift_right_arithmetic3A = arith.constant 14 : i32
    %shift_right_arithmetic3A_15 = vector.broadcast %shift_right_arithmetic3A : i32 to vector<16xi32>
    %shift_right_arithmetic3A_16 = arith.shrsi %get3A_9, %shift_right_arithmetic3A_15 : vector<16xi32>
    %swap3A_17 = arith.constant 0 : index
    %swap3A_18 = tpu.vector_load %arg9[%swap3A_17] {strides = array<i32>} : memref<128xi32, #tpu.memory_space<vmem>>, vector<16xi32>,
    %swap3A_19 = vector.shape_cast %swap3A_18 : vector<16xi32> to vector<16xi32>
    %swap3A_20 = vector.shape_cast %shift_right_arithmetic3A_16 : vector<16xi32> to vector<16xi32>
    tpu.vector_store %arg9[%swap3A_17], %swap3A_20 {strides = array<i32>} : memref<128xi32, #tpu.memory_space<vmem>>, vector<16xi32>,
    %get3A_21 = arith.constant 16 : index
    %get3A_22 = tpu.vector_load %arg6[%get3A_21] {strides = array<i32>} : memref<10112xi32, #tpu.memory_space<vmem>>, vector<16xi32>,
    %get3A_23 = vector.shape_cast %get3A_22 : vector<16xi32> to vector<16xi32>
    %and3A_24 = arith.constant 16383 : i32
    %and3A_25 = vector.broadcast %and3A_24 : i32 to vector<16xi32>
    %and3A_26 = arith.andi %get3A_23, %and3A_25 : vector<16xi32>
    %swap3A_27 = arith.constant 16 : index
    %swap3A_28 = tpu.vector_load %arg7[%swap3A_27] {strides = array<i32>} : memref<128xi32, #tpu.memory_space<vmem>>, vector<16xi32>,
    %swap3A_29 = vector.shape_cast %swap3A_28 : vector<16xi32> to vector<16xi32>
    %swap3A_30 = vector.shape_cast %and3A_26 : vector<16xi32> to vector<16xi32>
    tpu.vector_store %arg7[%swap3A_27], %swap3A_30 {strides = array<i32>} : memref<128xi32, #tpu.memory_space<vmem>>, vector<16xi32>,
    %shift_right_arithmetic3A_31 = arith.constant 14 : i32
    %shift_right_arithmetic3A_32 = vector.broadcast %shift_right_arithmetic3A_31 : i32 to vector<16xi32>
    %shift_right_arithmetic3A_33 = arith.shrsi %get3A_23, %shift_right_arithmetic3A_32 : vector<16xi32>
    %swap3A_34 = arith.constant 16 : index
    %swap3A_35 = tpu.vector_load %arg9[%swap3A_34] {strides = array<i32>} : memref<128xi32, #tpu.memory_space<vmem>>, vector<16xi32>,
    %swap3A_36 = vector.shape_cast %swap3A_35 : vector<16xi32> to vector<16xi32>
    %swap3A_37 = vector.shape_cast %shift_right_arithmetic3A_33 : vector<16xi32> to vector<16xi32>
    tpu.vector_store %arg9[%swap3A_34], %swap3A_37 {strides = array<i32>} : memref<128xi32, #tpu.memory_space<vmem>>, vector<16xi32>,
    %get3A_38 = arith.constant 32 : index
    %get3A_39 = tpu.vector_load %arg6[%get3A_38] {strides = array<i32>} : memref<10112xi32, #tpu.memory_space<vmem>>, vector<16xi32>,
    %get3A_40 = vector.shape_cast %get3A_39 : vector<16xi32> to vector<16xi32>
    %and3A_41 = arith.constant 16383 : i32
    %and3A_42 = vector.broadcast %and3A_41 : i32 to vector<16xi32>
    %and3A_43 = arith.andi %get3A_40, %and3A_42 : vector<16xi32>
    %swap3A_44 = arith.constant 32 : index
    %swap3A_45 = tpu.vector_load %arg7[%swap3A_44] {strides = array<i32>} : memref<128xi32, #tpu.memory_space<vmem>>, vector<16xi32>,
    %swap3A_46 = vector.shape_cast %swap3A_45 : vector<16xi32> to vector<16xi32>
    %swap3A_47 = vector.shape_cast %and3A_43 : vector<16xi32> to vector<16xi32>
    tpu.vector_store %arg7[%swap3A_44], %swap3A_47 {strides = array<i32>} : memref<128xi32, #tpu.memory_space<vmem>>, vector<16xi32>,
    %shift_right_arithmetic3A_48 = arith.constant 14 : i32
    %shift_right_arithmetic3A_49 = vector.broadcast %shift_right_arithmetic3A_48 : i32 to vector<16xi32>
    %shift_right_arithmetic3A_50 = arith.shrsi %get3A_40, %shift_right_arithmetic3A_49 : vector<16xi32>
    %swap3A_51 = arith.constant 32 : index
    %swap3A_52 = tpu.vector_load %arg9[%swap3A_51] {strides = array<i32>} : memref<128xi32, #tpu.memory_space<vmem>>, vector<16xi32>,
    %swap3A_53 = vector.shape_cast %swap3A_52 : vector<16xi32> to vector<16xi32>
    %swap3A_54 = vector.shape_cast %shift_right_arithmetic3A_50 : vector<16xi32> to vector<16xi32>
    tpu.vector_store %arg9[%swap3A_51], %swap3A_54 {strides = array<i32>} : memref<128xi32, #tpu.memory_space<vmem>>, vector<16xi32>,
    %get3A_55 = arith.constant 48 : index
    %get3A_56 = tpu.vector_load %arg6[%get3A_55] {strides = array<i32>} : memref<10112xi32, #tpu.memory_space<vmem>>, vector<16xi32>,
    %get3A_57 = vector.shape_cast %get3A_56 : vector<16xi32> to vector<16xi32>
    %and3A_58 = arith.constant 16383 : i32
    %and3A_59 = vector.broadcast %and3A_58 : i32 to vector<16xi32>
    %and3A_60 = arith.andi %get3A_57, %and3A_59 : vector<16xi32>
    %swap3A_61 = arith.constant 48 : index
    %swap3A_62 = tpu.vector_load %arg7[%swap3A_61] {strides = array<i32>} : memref<128xi32, #tpu.memory_space<vmem>>, vector<16xi32>,
    %swap3A_63 = vector.shape_cast %swap3A_62 : vector<16xi32> to vector<16xi32>
    %swap3A_64 = vector.shape_cast %and3A_60 : vector<16xi32> to vector<16xi32>
    tpu.vector_store %arg7[%swap3A_61], %swap3A_64 {strides = array<i32>} : memref<128xi32, #tpu.memory_space<vmem>>, vector<16xi32>,
    %shift_right_arithmetic3A_65 = arith.constant 14 : i32
    %shift_right_arithmetic3A_66 = vector.broadcast %shift_right_arithmetic3A_65 : i32 to vector<16xi32>
    %shift_right_arithmetic3A_67 = arith.shrsi %get3A_57, %shift_right_arithmetic3A_66 : vector<16xi32>
    %swap3A_68 = arith.constant 48 : index
    %swap3A_69 = tpu.vector_load %arg9[%swap3A_68] {strides = array<i32>} : memref<128xi32, #tpu.memory_space<vmem>>, vector<16xi32>,
    %swap3A_70 = vector.shape_cast %swap3A_69 : vector<16xi32> to vector<16xi32>
    %swap3A_71 = vector.shape_cast %shift_right_arithmetic3A_67 : vector<16xi32> to vector<16xi32>
    tpu.vector_store %arg9[%swap3A_68], %swap3A_71 {strides = array<i32>} : memref<128xi32, #tpu.memory_space<vmem>>, vector<16xi32>,
    %get3A_72 = arith.constant 64 : index
    %get3A_73 = tpu.vector_load %arg6[%get3A_72] {strides = array<i32>} : memref<10112xi32, #tpu.memory_space<vmem>>, vector<16xi32>,
    %get3A_74 = vector.shape_cast %get3A_73 : vector<16xi32> to vector<16xi32>
    %and3A_75 = arith.constant 16383 : i32
    %and3A_76 = vector.broadcast %and3A_75 : i32 to vector<16xi32>
    %and3A_77 = arith.andi %get3A_74, %and3A_76 : vector<16xi32>
    %swap3A_78 = arith.constant 64 : index
    %swap3A_79 = tpu.vector_load %arg7[%swap3A_78] {strides = array<i32>} : memref<128xi32, #tpu.memory_space<vmem>>, vector<16xi32>,
    %swap3A_80 = vector.shape_cast %swap3A_79 : vector<16xi32> to vector<16xi32>
    %swap3A_81 = vector.shape_cast %and3A_77 : vector<16xi32> to vector<16xi32>
    tpu.vector_store %arg7[%swap3A_78], %swap3A_81 {strides = array<i32>} : memref<128xi32, #tpu.memory_space<vmem>>, vector<16xi32>,
    %shift_right_arithmetic3A_82 = arith.constant 14 : i32
    %shift_right_arithmetic3A_83 = vector.broadcast %shift_right_arithmetic3A_82 : i32 to vector<16xi32>
    %shift_right_arithmetic3A_84 = arith.shrsi %get3A_74, %shift_right_arithmetic3A_83 : vector<16xi32>
    %swap3A_85 = arith.constant 64 : index
    %swap3A_86 = tpu.vector_load %arg9[%swap3A_85] {strides = array<i32>} : memref<128xi32, #tpu.memory_space<vmem>>, vector<16xi32>,
    %swap3A_87 = vector.shape_cast %swap3A_86 : vector<16xi32> to vector<16xi32>
    %swap3A_88 = vector.shape_cast %shift_right_arithmetic3A_84 : vector<16xi32> to vector<16xi32>
    tpu.vector_store %arg9[%swap3A_85], %swap3A_88 {strides = array<i32>} : memref<128xi32, #tpu.memory_space<vmem>>, vector<16xi32>,
    %get3A_89 = arith.constant 80 : index
    %get3A_90 = tpu.vector_load %arg6[%get3A_89] {strides = array<i32>} : memref<10112xi32, #tpu.memory_space<vmem>>, vector<16xi32>,
    %get3A_91 = vector.shape_cast %get3A_90 : vector<16xi32> to vector<16xi32>
    %and3A_92 = arith.constant 16383 : i32
    %and3A_93 = vector.broadcast %and3A_92 : i32 to vector<16xi32>
    %and3A_94 = arith.andi %get3A_91, %and3A_93 : vector<16xi32>
    %swap3A_95 = arith.constant 80 : index
    %swap3A_96 = tpu.vector_load %arg7[%swap3A_95] {strides = array<i32>} : memref<128xi32, #tpu.memory_space<vmem>>, vector<16xi32>,
    %swap3A_97 = vector.shape_cast %swap3A_96 : vector<16xi32> to vector<16xi32>
    %swap3A_98 = vector.shape_cast %and3A_94 : vector<16xi32> to vector<16xi32>
    tpu.vector_store %arg7[%swap3A_95], %swap3A_98 {strides = array<i32>} : memref<128xi32, #tpu.memory_space<vmem>>, vector<16xi32>,
    %shift_right_arithmetic3A_99 = arith.constant 14 : i32
    %shift_right_arithmetic3A_100 = vector.broadcast %shift_right_arithmetic3A_99 : i32 to vector<16xi32>
    %shift_right_arithmetic3A_101 = arith.shrsi %get3A_91, %shift_right_arithmetic3A_100 : vector<16xi32>
    %swap3A_102 = arith.constant 80 : index
    %swap3A_103 = tpu.vector_load %arg9[%swap3A_102] {strides = array<i32>} : memref<128xi32, #tpu.memory_space<vmem>>, vector<16xi32>,
    %swap3A_104 = vector.shape_cast %swap3A_103 : vector<16xi32> to vector<16xi32>
    %swap3A_105 = vector.shape_cast %shift_right_arithmetic3A_101 : vector<16xi32> to vector<16xi32>
    tpu.vector_store %arg9[%swap3A_102], %swap3A_105 {strides = array<i32>} : memref<128xi32, #tpu.memory_space<vmem>>, vector<16xi32>,
    %get3A_106 = arith.constant 96 : index
    %get3A_107 = tpu.vector_load %arg6[%get3A_106] {strides = array<i32>} : memref<10112xi32, #tpu.memory_space<vmem>>, vector<16xi32>,
    %get3A_108 = vector.shape_cast %get3A_107 : vector<16xi32> to vector<16xi32>
    %and3A_109 = arith.constant 16383 : i32
    %and3A_110 = vector.broadcast %and3A_109 : i32 to vector<16xi32>
    %and3A_111 = arith.andi %get3A_108, %and3A_110 : vector<16xi32>
    %swap3A_112 = arith.constant 96 : index
    %swap3A_113 = tpu.vector_load %arg7[%swap3A_112] {strides = array<i32>} : memref<128xi32, #tpu.memory_space<vmem>>, vector<16xi32>,
    %swap3A_114 = vector.shape_cast %swap3A_113 : vector<16xi32> to vector<16xi32>
    %swap3A_115 = vector.shape_cast %and3A_111 : vector<16xi32> to vector<16xi32>
    tpu.vector_store %arg7[%swap3A_112], %swap3A_115 {strides = array<i32>} : memref<128xi32, #tpu.memory_space<vmem>>, vector<16xi32>,
    %shift_right_arithmetic3A_116 = arith.constant 14 : i32
    %shift_right_arithmetic3A_117 = vector.broadcast %shift_right_arithmetic3A_116 : i32 to vector<16xi32>
    %shift_right_arithmetic3A_118 = arith.shrsi %get3A_108, %shift_right_arithmetic3A_117 : vector<16xi32>
    %swap3A_119 = arith.constant 96 : index
    %swap3A_120 = tpu.vector_load %arg9[%swap3A_119] {strides = array<i32>} : memref<128xi32, #tpu.memory_space<vmem>>, vector<16xi32>,
    %swap3A_121 = vector.shape_cast %swap3A_120 : vector<16xi32> to vector<16xi32>
    %swap3A_122 = vector.shape_cast %shift_right_arithmetic3A_118 : vector<16xi32> to vector<16xi32>
    tpu.vector_store %arg9[%swap3A_119], %swap3A_122 {strides = array<i32>} : memref<128xi32, #tpu.memory_space<vmem>>, vector<16xi32>,
    %get3A_123 = arith.constant 112 : index
    %get3A_124 = tpu.vector_load %arg6[%get3A_123] {strides = array<i32>} : memref<10112xi32, #tpu.memory_space<vmem>>, vector<16xi32>,
    %get3A_125 = vector.shape_cast %get3A_124 : vector<16xi32> to vector<16xi32>
    %and3A_126 = arith.constant 16383 : i32
    %and3A_127 = vector.broadcast %and3A_126 : i32 to vector<16xi32>
    %and3A_128 = arith.andi %get3A_125, %and3A_127 : vector<16xi32>
    %swap3A_129 = arith.constant 112 : index
    %swap3A_130 = tpu.vector_load %arg7[%swap3A_129] {strides = array<i32>} : memref<128xi32, #tpu.memory_space<vmem>>, vector<16xi32>,
    %swap3A_131 = vector.shape_cast %swap3A_130 : vector<16xi32> to vector<16xi32>
    %swap3A_132 = vector.shape_cast %and3A_128 : vector<16xi32> to vector<16xi32>
    tpu.vector_store %arg7[%swap3A_129], %swap3A_132 {strides = array<i32>} : memref<128xi32, #tpu.memory_space<vmem>>, vector<16xi32>,
    %shift_right_arithmetic3A_133 = arith.constant 14 : i32
    %shift_right_arithmetic3A_134 = vector.broadcast %shift_right_arithmetic3A_133 : i32 to vector<16xi32>
    %shift_right_arithmetic3A_135 = arith.shrsi %get3A_125, %shift_right_arithmetic3A_134 : vector<16xi32>
    %swap3A_136 = arith.constant 112 : index
    %swap3A_137 = tpu.vector_load %arg9[%swap3A_136] {strides = array<i32>} : memref<128xi32, #tpu.memory_space<vmem>>, vector<16xi32>,
    %swap3A_138 = vector.shape_cast %swap3A_137 : vector<16xi32> to vector<16xi32>
    %swap3A_139 = vector.shape_cast %shift_right_arithmetic3A_135 : vector<16xi32> to vector<16xi32>
    tpu.vector_store %arg9[%swap3A_136], %swap3A_139 {strides = array<i32>} : memref<128xi32, #tpu.memory_space<vmem>>, vector<16xi32>,
    %dma_start3A = arith.constant 0 : i32
    %dma_start3A_140 = arith.constant 0 : i32
    %dma_start3A_141 = tpu.memref_slice %arg2[%dma_start3A, %dma_start3A_140] : memref<10112x128xf32, #tpu.memory_space<hbm>> -> memref<10112x128xf32, #tpu.memory_space<hbm>>
    tpu.enqueue_indirect_dma source(%dma_start3A_141 : memref<10112x128xf32, #tpu.memory_space<hbm>>) target(%arg11 : memref<128x128xf32, #tpu.memory_space<vmem>>) offsets(%arg7 : memref<128xi32, #tpu.memory_space<vmem>>) semaphore(%arg14 : memref<!tpu.dma_semaphore, #tpu.memory_space<semaphore_mem>>)
    %get3A_142 = arith.constant 128 : index
    %get3A_143 = tpu.vector_load %arg6[%get3A_142] {strides = array<i32>} : memref<10112xi32, #tpu.memory_space<vmem>>, vector<16xi32>,
    %get3A_144 = vector.shape_cast %get3A_143 : vector<16xi32> to vector<16xi32>
    %and3A_145 = arith.constant 16383 : i32
    %and3A_146 = vector.broadcast %and3A_145 : i32 to vector<16xi32>
    %and3A_147 = arith.andi %get3A_144, %and3A_146 : vector<16xi32>
    %swap3A_148 = arith.constant 0 : index
    %swap3A_149 = tpu.vector_load %arg8[%swap3A_148] {strides = array<i32>} : memref<128xi32, #tpu.memory_space<vmem>>, vector<16xi32>,
    %swap3A_150 = vector.shape_cast %swap3A_149 : vector<16xi32> to vector<16xi32>
    %swap3A_151 = vector.shape_cast %and3A_147 : vector<16xi32> to vector<16xi32>
    tpu.vector_store %arg8[%swap3A_148], %swap3A_151 {strides = array<i32>} : memref<128xi32, #tpu.memory_space<vmem>>, vector<16xi32>,
    %shift_right_arithmetic3A_152 = arith.constant 14 : i32
    %shift_right_arithmetic3A_153 = vector.broadcast %shift_right_arithmetic3A_152 : i32 to vector<16xi32>
    %shift_right_arithmetic3A_154 = arith.shrsi %get3A_144, %shift_right_arithmetic3A_153 : vector<16xi32>
    %swap3A_155 = arith.constant 0 : index
    %swap3A_156 = tpu.vector_load %arg10[%swap3A_155] {strides = array<i32>} : memref<128xi32, #tpu.memory_space<vmem>>, vector<16xi32>,
    %swap3A_157 = vector.shape_cast %swap3A_156 : vector<16xi32> to vector<16xi32>
    %swap3A_158 = vector.shape_cast %shift_right_arithmetic3A_154 : vector<16xi32> to vector<16xi32>
    tpu.vector_store %arg10[%swap3A_155], %swap3A_158 {strides = array<i32>} : memref<128xi32, #tpu.memory_space<vmem>>, vector<16xi32>,
    %get3A_159 = arith.constant 144 : index
    %get3A_160 = tpu.vector_load %arg6[%get3A_159] {strides = array<i32>} : memref<10112xi32, #tpu.memory_space<vmem>>, vector<16xi32>,
    %get3A_161 = vector.shape_cast %get3A_160 : vector<16xi32> to vector<16xi32>
    %and3A_162 = arith.constant 16383 : i32
    %and3A_163 = vector.broadcast %and3A_162 : i32 to vector<16xi32>
    %and3A_164 = arith.andi %get3A_161, %and3A_163 : vector<16xi32>
    %swap3A_165 = arith.constant 16 : index
    %swap3A_166 = tpu.vector_load %arg8[%swap3A_165] {strides = array<i32>} : memref<128xi32, #tpu.memory_space<vmem>>, vector<16xi32>,
    %swap3A_167 = vector.shape_cast %swap3A_166 : vector<16xi32> to vector<16xi32>
    %swap3A_168 = vector.shape_cast %and3A_164 : vector<16xi32> to vector<16xi32>
    tpu.vector_store %arg8[%swap3A_165], %swap3A_168 {strides = array<i32>} : memref<128xi32, #tpu.memory_space<vmem>>, vector<16xi32>,
    %shift_right_arithmetic3A_169 = arith.constant 14 : i32
    %shift_right_arithmetic3A_170 = vector.broadcast %shift_right_arithmetic3A_169 : i32 to vector<16xi32>
    %shift_right_arithmetic3A_171 = arith.shrsi %get3A_161, %shift_right_arithmetic3A_170 : vector<16xi32>
    %swap3A_172 = arith.constant 16 : index
    %swap3A_173 = tpu.vector_load %arg10[%swap3A_172] {strides = array<i32>} : memref<128xi32, #tpu.memory_space<vmem>>, vector<16xi32>,
    %swap3A_174 = vector.shape_cast %swap3A_173 : vector<16xi32> to vector<16xi32>
    %swap3A_175 = vector.shape_cast %shift_right_arithmetic3A_171 : vector<16xi32> to vector<16xi32>
    tpu.vector_store %arg10[%swap3A_172], %swap3A_175 {strides = array<i32>} : memref<128xi32, #tpu.memory_space<vmem>>, vector<16xi32>,
    %get3A_176 = arith.constant 160 : index
    %get3A_177 = tpu.vector_load %arg6[%get3A_176] {strides = array<i32>} : memref<10112xi32, #tpu.memory_space<vmem>>, vector<16xi32>,
    %get3A_178 = vector.shape_cast %get3A_177 : vector<16xi32> to vector<16xi32>
    %and3A_179 = arith.constant 16383 : i32
    %and3A_180 = vector.broadcast %and3A_179 : i32 to vector<16xi32>
    %and3A_181 = arith.andi %get3A_178, %and3A_180 : vector<16xi32>
    %swap3A_182 = arith.constant 32 : index
    %swap3A_183 = tpu.vector_load %arg8[%swap3A_182] {strides = array<i32>} : memref<128xi32, #tpu.memory_space<vmem>>, vector<16xi32>,
    %swap3A_184 = vector.shape_cast %swap3A_183 : vector<16xi32> to vector<16xi32>
    %swap3A_185 = vector.shape_cast %and3A_181 : vector<16xi32> to vector<16xi32>
    tpu.vector_store %arg8[%swap3A_182], %swap3A_185 {strides = array<i32>} : memref<128xi32, #tpu.memory_space<vmem>>, vector<16xi32>,
    %shift_right_arithmetic3A_186 = arith.constant 14 : i32
    %shift_right_arithmetic3A_187 = vector.broadcast %shift_right_arithmetic3A_186 : i32 to vector<16xi32>
    %shift_right_arithmetic3A_188 = arith.shrsi %get3A_178, %shift_right_arithmetic3A_187 : vector<16xi32>
    %swap3A_189 = arith.constant 32 : index
    %swap3A_190 = tpu.vector_load %arg10[%swap3A_189] {strides = array<i32>} : memref<128xi32, #tpu.memory_space<vmem>>, vector<16xi32>,
    %swap3A_191 = vector.shape_cast %swap3A_190 : vector<16xi32> to vector<16xi32>
    %swap3A_192 = vector.shape_cast %shift_right_arithmetic3A_188 : vector<16xi32> to vector<16xi32>
    tpu.vector_store %arg10[%swap3A_189], %swap3A_192 {strides = array<i32>} : memref<128xi32, #tpu.memory_space<vmem>>, vector<16xi32>,
    %get3A_193 = arith.constant 176 : index
    %get3A_194 = tpu.vector_load %arg6[%get3A_193] {strides = array<i32>} : memref<10112xi32, #tpu.memory_space<vmem>>, vector<16xi32>,
    %get3A_195 = vector.shape_cast %get3A_194 : vector<16xi32> to vector<16xi32>
    %and3A_196 = arith.constant 16383 : i32
    %and3A_197 = vector.broadcast %and3A_196 : i32 to vector<16xi32>
    %and3A_198 = arith.andi %get3A_195, %and3A_197 : vector<16xi32>
    %swap3A_199 = arith.constant 48 : index
    %swap3A_200 = tpu.vector_load %arg8[%swap3A_199] {strides = array<i32>} : memref<128xi32, #tpu.memory_space<vmem>>, vector<16xi32>,
    %swap3A_201 = vector.shape_cast %swap3A_200 : vector<16xi32> to vector<16xi32>
    %swap3A_202 = vector.shape_cast %and3A_198 : vector<16xi32> to vector<16xi32>
    tpu.vector_store %arg8[%swap3A_199], %swap3A_202 {strides = array<i32>} : memref<128xi32, #tpu.memory_space<vmem>>, vector<16xi32>,
    %shift_right_arithmetic3A_203 = arith.constant 14 : i32
    %shift_right_arithmetic3A_204 = vector.broadcast %shift_right_arithmetic3A_203 : i32 to vector<16xi32>
    %shift_right_arithmetic3A_205 = arith.shrsi %get3A_195, %shift_right_arithmetic3A_204 : vector<16xi32>
    %swap3A_206 = arith.constant 48 : index
    %swap3A_207 = tpu.vector_load %arg10[%swap3A_206] {strides = array<i32>} : memref<128xi32, #tpu.memory_space<vmem>>, vector<16xi32>,
    %swap3A_208 = vector.shape_cast %swap3A_207 : vector<16xi32> to vector<16xi32>
    %swap3A_209 = vector.shape_cast %shift_right_arithmetic3A_205 : vector<16xi32> to vector<16xi32>
    tpu.vector_store %arg10[%swap3A_206], %swap3A_209 {strides = array<i32>} : memref<128xi32, #tpu.memory_space<vmem>>, vector<16xi32>,
    %get3A_210 = arith.constant 192 : index
    %get3A_211 = tpu.vector_load %arg6[%get3A_210] {strides = array<i32>} : memref<10112xi32, #tpu.memory_space<vmem>>, vector<16xi32>,
    %get3A_212 = vector.shape_cast %get3A_211 : vector<16xi32> to vector<16xi32>
    %and3A_213 = arith.constant 16383 : i32
    %and3A_214 = vector.broadcast %and3A_213 : i32 to vector<16xi32>
    %and3A_215 = arith.andi %get3A_212, %and3A_214 : vector<16xi32>
    %swap3A_216 = arith.constant 64 : index
    %swap3A_217 = tpu.vector_load %arg8[%swap3A_216] {strides = array<i32>} : memref<128xi32, #tpu.memory_space<vmem>>, vector<16xi32>,
    %swap3A_218 = vector.shape_cast %swap3A_217 : vector<16xi32> to vector<16xi32>
    %swap3A_219 = vector.shape_cast %and3A_215 : vector<16xi32> to vector<16xi32>
    tpu.vector_store %arg8[%swap3A_216], %swap3A_219 {strides = array<i32>} : memref<128xi32, #tpu.memory_space<vmem>>, vector<16xi32>,
    %shift_right_arithmetic3A_220 = arith.constant 14 : i32
    %shift_right_arithmetic3A_221 = vector.broadcast %shift_right_arithmetic3A_220 : i32 to vector<16xi32>
    %shift_right_arithmetic3A_222 = arith.shrsi %get3A_212, %shift_right_arithmetic3A_221 : vector<16xi32>
    %swap3A_223 = arith.constant 64 : index
    %swap3A_224 = tpu.vector_load %arg10[%swap3A_223] {strides = array<i32>} : memref<128xi32, #tpu.memory_space<vmem>>, vector<16xi32>,
    %swap3A_225 = vector.shape_cast %swap3A_224 : vector<16xi32> to vector<16xi32>
    %swap3A_226 = vector.shape_cast %shift_right_arithmetic3A_222 : vector<16xi32> to vector<16xi32>
    tpu.vector_store %arg10[%swap3A_223], %swap3A_226 {strides = array<i32>} : memref<128xi32, #tpu.memory_space<vmem>>, vector<16xi32>,
    %get3A_227 = arith.constant 208 : index
    %get3A_228 = tpu.vector_load %arg6[%get3A_227] {strides = array<i32>} : memref<10112xi32, #tpu.memory_space<vmem>>, vector<16xi32>,
    %get3A_229 = vector.shape_cast %get3A_228 : vector<16xi32> to vector<16xi32>
    %and3A_230 = arith.constant 16383 : i32
    %and3A_231 = vector.broadcast %and3A_230 : i32 to vector<16xi32>
    %and3A_232 = arith.andi %get3A_229, %and3A_231 : vector<16xi32>
    %swap3A_233 = arith.constant 80 : index
    %swap3A_234 = tpu.vector_load %arg8[%swap3A_233] {strides = array<i32>} : memref<128xi32, #tpu.memory_space<vmem>>, vector<16xi32>,
    %swap3A_235 = vector.shape_cast %swap3A_234 : vector<16xi32> to vector<16xi32>
    %swap3A_236 = vector.shape_cast %and3A_232 : vector<16xi32> to vector<16xi32>
    tpu.vector_store %arg8[%swap3A_233], %swap3A_236 {strides = array<i32>} : memref<128xi32, #tpu.memory_space<vmem>>, vector<16xi32>,
    %shift_right_arithmetic3A_237 = arith.constant 14 : i32
    %shift_right_arithmetic3A_238 = vector.broadcast %shift_right_arithmetic3A_237 : i32 to vector<16xi32>
    %shift_right_arithmetic3A_239 = arith.shrsi %get3A_229, %shift_right_arithmetic3A_238 : vector<16xi32>
    %swap3A_240 = arith.constant 80 : index
    %swap3A_241 = tpu.vector_load %arg10[%swap3A_240] {strides = array<i32>} : memref<128xi32, #tpu.memory_space<vmem>>, vector<16xi32>,
    %swap3A_242 = vector.shape_cast %swap3A_241 : vector<16xi32> to vector<16xi32>
    %swap3A_243 = vector.shape_cast %shift_right_arithmetic3A_239 : vector<16xi32> to vector<16xi32>
    tpu.vector_store %arg10[%swap3A_240], %swap3A_243 {strides = array<i32>} : memref<128xi32, #tpu.memory_space<vmem>>, vector<16xi32>,
    %get3A_244 = arith.constant 224 : index
    %get3A_245 = tpu.vector_load %arg6[%get3A_244] {strides = array<i32>} : memref<10112xi32, #tpu.memory_space<vmem>>, vector<16xi32>,
    %get3A_246 = vector.shape_cast %get3A_245 : vector<16xi32> to vector<16xi32>
    %and3A_247 = arith.constant 16383 : i32
    %and3A_248 = vector.broadcast %and3A_247 : i32 to vector<16xi32>
    %and3A_249 = arith.andi %get3A_246, %and3A_248 : vector<16xi32>
    %swap3A_250 = arith.constant 96 : index
    %swap3A_251 = tpu.vector_load %arg8[%swap3A_250] {strides = array<i32>} : memref<128xi32, #tpu.memory_space<vmem>>, vector<16xi32>,
    %swap3A_252 = vector.shape_cast %swap3A_251 : vector<16xi32> to vector<16xi32>
    %swap3A_253 = vector.shape_cast %and3A_249 : vector<16xi32> to vector<16xi32>
    tpu.vector_store %arg8[%swap3A_250], %swap3A_253 {strides = array<i32>} : memref<128xi32, #tpu.memory_space<vmem>>, vector<16xi32>,
    %shift_right_arithmetic3A_254 = arith.constant 14 : i32
    %shift_right_arithmetic3A_255 = vector.broadcast %shift_right_arithmetic3A_254 : i32 to vector<16xi32>
    %shift_right_arithmetic3A_256 = arith.shrsi %get3A_246, %shift_right_arithmetic3A_255 : vector<16xi32>
    %swap3A_257 = arith.constant 96 : index
    %swap3A_258 = tpu.vector_load %arg10[%swap3A_257] {strides = array<i32>} : memref<128xi32, #tpu.memory_space<vmem>>, vector<16xi32>,
    %swap3A_259 = vector.shape_cast %swap3A_258 : vector<16xi32> to vector<16xi32>
    %swap3A_260 = vector.shape_cast %shift_right_arithmetic3A_256 : vector<16xi32> to vector<16xi32>
    tpu.vector_store %arg10[%swap3A_257], %swap3A_260 {strides = array<i32>} : memref<128xi32, #tpu.memory_space<vmem>>, vector<16xi32>,
    %get3A_261 = arith.constant 240 : index
    %get3A_262 = tpu.vector_load %arg6[%get3A_261] {strides = array<i32>} : memref<10112xi32, #tpu.memory_space<vmem>>, vector<16xi32>,
    %get3A_263 = vector.shape_cast %get3A_262 : vector<16xi32> to vector<16xi32>
    %and3A_264 = arith.constant 16383 : i32
    %and3A_265 = vector.broadcast %and3A_264 : i32 to vector<16xi32>
    %and3A_266 = arith.andi %get3A_263, %and3A_265 : vector<16xi32>
    %swap3A_267 = arith.constant 112 : index
    %swap3A_268 = tpu.vector_load %arg8[%swap3A_267] {strides = array<i32>} : memref<128xi32, #tpu.memory_space<vmem>>, vector<16xi32>,
    %swap3A_269 = vector.shape_cast %swap3A_268 : vector<16xi32> to vector<16xi32>
    %swap3A_270 = vector.shape_cast %and3A_266 : vector<16xi32> to vector<16xi32>
    tpu.vector_store %arg8[%swap3A_267], %swap3A_270 {strides = array<i32>} : memref<128xi32, #tpu.memory_space<vmem>>, vector<16xi32>,
    %shift_right_arithmetic3A_271 = arith.constant 14 : i32
    %shift_right_arithmetic3A_272 = vector.broadcast %shift_right_arithmetic3A_271 : i32 to vector<16xi32>
    %shift_right_arithmetic3A_273 = arith.shrsi %get3A_263, %shift_right_arithmetic3A_272 : vector<16xi32>
    %swap3A_274 = arith.constant 112 : index
    %swap3A_275 = tpu.vector_load %arg10[%swap3A_274] {strides = array<i32>} : memref<128xi32, #tpu.memory_space<vmem>>, vector<16xi32>,
    %swap3A_276 = vector.shape_cast %swap3A_275 : vector<16xi32> to vector<16xi32>
    %swap3A_277 = vector.shape_cast %shift_right_arithmetic3A_273 : vector<16xi32> to vector<16xi32>
    tpu.vector_store %arg10[%swap3A_274], %swap3A_277 {strides = array<i32>} : memref<128xi32, #tpu.memory_space<vmem>>, vector<16xi32>,
    %dma_start3A_278 = arith.constant 0 : i32
    %dma_start3A_279 = arith.constant 0 : i32
    %dma_start3A_280 = tpu.memref_slice %arg2[%dma_start3A_278, %dma_start3A_279] : memref<10112x128xf32, #tpu.memory_space<hbm>> -> memref<10112x128xf32, #tpu.memory_space<hbm>>
    tpu.enqueue_indirect_dma source(%dma_start3A_280 : memref<10112x128xf32, #tpu.memory_space<hbm>>) target(%arg12 : memref<128x128xf32, #tpu.memory_space<vmem>>) offsets(%arg8 : memref<128xi32, #tpu.memory_space<vmem>>) semaphore(%arg15 : memref<!tpu.dma_semaphore, #tpu.memory_space<semaphore_mem>>)
    %mul3A_281 = arith.constant 632 : i32
    %mul3A_282 = arith.muli %arg1, %mul3A_281 : i32
    "tpu.region"() ({
      %run_scoped3A = tpu.sem_alloc : memref<!tpu.dma_semaphore, #tpu.memory_space<semaphore_mem>>
      %dma_start3A_294 = arith.constant 0 : i32
      %dma_start3A_295 = tpu.memref_slice %arg13[%mul3A_282, %dma_start3A_294] : memref<10112x128xf32, #tpu.memory_space<vmem_shared>> -> memref<632x128xf32, #tpu.memory_space<vmem_shared>>
      tpu.enqueue_dma source(%arg4 : memref<632x128xf32, #tpu.memory_space<hbm>>) target(%dma_start3A_295 : memref<632x128xf32, #tpu.memory_space<vmem_shared>>) target_semaphore(%run_scoped3A : memref<!tpu.dma_semaphore, #tpu.memory_space<semaphore_mem>>)
      %dma_wait3A = arith.constant 0 : i32
      %dma_wait3A_296 = tpu.memref_slice %arg13[%mul3A_282, %dma_wait3A] : memref<10112x128xf32, #tpu.memory_space<vmem_shared>> -> memref<632x128xf32, #tpu.memory_space<vmem_shared>>
      tpu.wait_dma2 semaphore(%run_scoped3A : memref<!tpu.dma_semaphore, #tpu.memory_space<semaphore_mem>>) src(%arg4 : memref<632x128xf32, #tpu.memory_space<hbm>>) dst(%dma_wait3A_296 : memref<632x128xf32, #tpu.memory_space<vmem_shared>>)
      tpu.yield
    }) : () -> ()
    %barrier3A = arith.constant 0 : index
    tpu.barrier barrier_id(%barrier3A)
    %scan3A = arith.constant 0 : i32
    %scan3A_283 = arith.constant 0 : i32
    %scan3A_284 = arith.constant 39 : i32
    %scan3A_285 = arith.addi %scan3A_283, %scan3A_284 : i32
    %scan3A_286 = arith.constant 1 : i32
    scf.for %scan3A_294 = %scan3A_283 to %scan3A_285 step %scan3A_286  : i32 {
      %mul3A_295 = arith.constant 2 : i32
      %mul3A_296 = arith.muli %mul3A_295, %scan3A_294 : i32
      %dma_wait3A = arith.constant 0 : i32
      %dma_wait3A_297 = arith.constant 0 : i32
      %dma_wait3A_298 = tpu.memref_slice %arg2[%dma_wait3A, %dma_wait3A_297] : memref<10112x128xf32, #tpu.memory_space<hbm>> -> memref<128x128xf32, #tpu.memory_space<hbm>>
      %dma_wait3A_299 = arith.constant 0 : i32
      %dma_wait3A_300 = arith.constant 0 : i32
      %dma_wait3A_301 = tpu.memref_slice %arg2[%dma_wait3A_299, %dma_wait3A_300] : memref<10112x128xf32, #tpu.memory_space<hbm>> -> memref<128x128xf32, #tpu.memory_space<hbm>>
      tpu.wait_dma2 semaphore(%arg14 : memref<!tpu.dma_semaphore, #tpu.memory_space<semaphore_mem>>) src(%dma_wait3A_301 : memref<128x128xf32, #tpu.memory_space<hbm>>) dst(%arg11 : memref<128x128xf32, #tpu.memory_space<vmem>>)
      %dma_start3A_302 = arith.constant 0 : i32
      %dma_start3A_303 = arith.constant 0 : i32
      %dma_start3A_304 = tpu.memref_slice %arg13[%dma_start3A_302, %dma_start3A_303] : memref<10112x128xf32, #tpu.memory_space<vmem_shared>> -> memref<10112x128xf32, #tpu.memory_space<vmem_shared>>
      tpu.enqueue_indirect_dma source(%arg11 : memref<128x128xf32, #tpu.memory_space<vmem>>) target(%dma_start3A_304 : memref<10112x128xf32, #tpu.memory_space<vmem_shared>>) offsets(%arg9 : memref<128xi32, #tpu.memory_space<vmem>>) semaphore(%arg16 : memref<!tpu.dma_semaphore, #tpu.memory_space<semaphore_mem>>) {add = true}
      %dma_wait3A_305 = arith.constant 0 : i32
      %dma_wait3A_306 = arith.constant 0 : i32
      %dma_wait3A_307 = tpu.memref_slice %arg13[%dma_wait3A_305, %dma_wait3A_306] : memref<10112x128xf32, #tpu.memory_space<vmem_shared>> -> memref<128x128xf32, #tpu.memory_space<vmem_shared>>
      %dma_wait3A_308 = arith.constant 0 : i32
      %dma_wait3A_309 = arith.constant 0 : i32
      %dma_wait3A_310 = tpu.memref_slice %arg13[%dma_wait3A_308, %dma_wait3A_309] : memref<10112x128xf32, #tpu.memory_space<vmem_shared>> -> memref<128x128xf32, #tpu.memory_space<vmem_shared>>
      tpu.wait_dma2 semaphore(%arg16 : memref<!tpu.dma_semaphore, #tpu.memory_space<semaphore_mem>>) src(%arg11 : memref<128x128xf32, #tpu.memory_space<vmem>>) dst(%dma_wait3A_310 : memref<128x128xf32, #tpu.memory_space<vmem_shared>>)
      %add3A_311 = arith.constant 2 : i32
      %add3A_312 = arith.addi %mul3A_296, %add3A_311 : i32
      %lt3A_313 = arith.constant 78 : i32
      %lt3A_314 = arith.cmpi slt, %add3A_312, %lt3A_313 : i32
      %or3A = arith.ori %lt3A_314, %lt3A_7 : i1
      %convert_element_type3A_315 = arith.extui %or3A : i1 to i32
      %cond3A_316 = arith.constant 0 : i32
      %cond3A_317 = arith.cmpi ne, %convert_element_type3A_315, %cond3A_316 : i32
      scf.if %cond3A_317 {
        %add3A_342 = arith.constant 2 : i32
        %add3A_343 = arith.addi %mul3A_296, %add3A_342 : i32
        %mul3A_344 = arith.constant 128 : i32
        %mul3A_345 = arith.muli %add3A_343, %mul3A_344 : i32
        %add3A_346 = arith.constant 0 : i32
        %add3A_347 = arith.addi %mul3A_345, %add3A_346 : i32
        %get3A_348 = arith.index_cast %add3A_347 : i32 to index
        %get3A_349 = tpu.vector_load %arg6[%get3A_348] {strides = array<i32>} : memref<10112xi32, #tpu.memory_space<vmem>>, vector<16xi32>,
        %get3A_350 = vector.shape_cast %get3A_349 : vector<16xi32> to vector<16xi32>
        %and3A_351 = arith.constant 16383 : i32
        %and3A_352 = vector.broadcast %and3A_351 : i32 to vector<16xi32>
        %and3A_353 = arith.andi %get3A_350, %and3A_352 : vector<16xi32>
        %swap3A_354 = arith.constant 0 : index
        %swap3A_355 = tpu.vector_load %arg7[%swap3A_354] {strides = array<i32>} : memref<128xi32, #tpu.memory_space<vmem>>, vector<16xi32>,
        %swap3A_356 = vector.shape_cast %swap3A_355 : vector<16xi32> to vector<16xi32>
        %swap3A_357 = vector.shape_cast %and3A_353 : vector<16xi32> to vector<16xi32>
        tpu.vector_store %arg7[%swap3A_354], %swap3A_357 {strides = array<i32>} : memref<128xi32, #tpu.memory_space<vmem>>, vector<16xi32>,
        %shift_right_arithmetic3A_358 = arith.constant 14 : i32
        %shift_right_arithmetic3A_359 = vector.broadcast %shift_right_arithmetic3A_358 : i32 to vector<16xi32>
        %shift_right_arithmetic3A_360 = arith.shrsi %get3A_350, %shift_right_arithmetic3A_359 : vector<16xi32>
        %swap3A_361 = arith.constant 0 : index
        %swap3A_362 = tpu.vector_load %arg9[%swap3A_361] {strides = array<i32>} : memref<128xi32, #tpu.memory_space<vmem>>, vector<16xi32>,
        %swap3A_363 = vector.shape_cast %swap3A_362 : vector<16xi32> to vector<16xi32>
        %swap3A_364 = vector.shape_cast %shift_right_arithmetic3A_360 : vector<16xi32> to vector<16xi32>
        tpu.vector_store %arg9[%swap3A_361], %swap3A_364 {strides = array<i32>} : memref<128xi32, #tpu.memory_space<vmem>>, vector<16xi32>,
        %mul3A_365 = arith.constant 128 : i32
        %mul3A_366 = arith.muli %add3A_343, %mul3A_365 : i32
        %add3A_367 = arith.constant 16 : i32
        %add3A_368 = arith.addi %mul3A_366, %add3A_367 : i32
        %get3A_369 = arith.index_cast %add3A_368 : i32 to index
        %get3A_370 = tpu.vector_load %arg6[%get3A_369] {strides = array<i32>} : memref<10112xi32, #tpu.memory_space<vmem>>, vector<16xi32>,
        %get3A_371 = vector.shape_cast %get3A_370 : vector<16xi32> to vector<16xi32>
        %and3A_372 = arith.constant 16383 : i32
        %and3A_373 = vector.broadcast %and3A_372 : i32 to vector<16xi32>
        %and3A_374 = arith.andi %get3A_371, %and3A_373 : vector<16xi32>
        %swap3A_375 = arith.constant 16 : index
        %swap3A_376 = tpu.vector_load %arg7[%swap3A_375] {strides = array<i32>} : memref<128xi32, #tpu.memory_space<vmem>>, vector<16xi32>,
        %swap3A_377 = vector.shape_cast %swap3A_376 : vector<16xi32> to vector<16xi32>
        %swap3A_378 = vector.shape_cast %and3A_374 : vector<16xi32> to vector<16xi32>
        tpu.vector_store %arg7[%swap3A_375], %swap3A_378 {strides = array<i32>} : memref<128xi32, #tpu.memory_space<vmem>>, vector<16xi32>,
        %shift_right_arithmetic3A_379 = arith.constant 14 : i32
        %shift_right_arithmetic3A_380 = vector.broadcast %shift_right_arithmetic3A_379 : i32 to vector<16xi32>
        %shift_right_arithmetic3A_381 = arith.shrsi %get3A_371, %shift_right_arithmetic3A_380 : vector<16xi32>
        %swap3A_382 = arith.constant 16 : index
        %swap3A_383 = tpu.vector_load %arg9[%swap3A_382] {strides = array<i32>} : memref<128xi32, #tpu.memory_space<vmem>>, vector<16xi32>,
        %swap3A_384 = vector.shape_cast %swap3A_383 : vector<16xi32> to vector<16xi32>
        %swap3A_385 = vector.shape_cast %shift_right_arithmetic3A_381 : vector<16xi32> to vector<16xi32>
        tpu.vector_store %arg9[%swap3A_382], %swap3A_385 {strides = array<i32>} : memref<128xi32, #tpu.memory_space<vmem>>, vector<16xi32>,
        %mul3A_386 = arith.constant 128 : i32
        %mul3A_387 = arith.muli %add3A_343, %mul3A_386 : i32
        %add3A_388 = arith.constant 32 : i32
        %add3A_389 = arith.addi %mul3A_387, %add3A_388 : i32
        %get3A_390 = arith.index_cast %add3A_389 : i32 to index
        %get3A_391 = tpu.vector_load %arg6[%get3A_390] {strides = array<i32>} : memref<10112xi32, #tpu.memory_space<vmem>>, vector<16xi32>,
        %get3A_392 = vector.shape_cast %get3A_391 : vector<16xi32> to vector<16xi32>
        %and3A_393 = arith.constant 16383 : i32
        %and3A_394 = vector.broadcast %and3A_393 : i32 to vector<16xi32>
        %and3A_395 = arith.andi %get3A_392, %and3A_394 : vector<16xi32>
        %swap3A_396 = arith.constant 32 : index
        %swap3A_397 = tpu.vector_load %arg7[%swap3A_396] {strides = array<i32>} : memref<128xi32, #tpu.memory_space<vmem>>, vector<16xi32>,
        %swap3A_398 = vector.shape_cast %swap3A_397 : vector<16xi32> to vector<16xi32>
        %swap3A_399 = vector.shape_cast %and3A_395 : vector<16xi32> to vector<16xi32>
        tpu.vector_store %arg7[%swap3A_396], %swap3A_399 {strides = array<i32>} : memref<128xi32, #tpu.memory_space<vmem>>, vector<16xi32>,
        %shift_right_arithmetic3A_400 = arith.constant 14 : i32
        %shift_right_arithmetic3A_401 = vector.broadcast %shift_right_arithmetic3A_400 : i32 to vector<16xi32>
        %shift_right_arithmetic3A_402 = arith.shrsi %get3A_392, %shift_right_arithmetic3A_401 : vector<16xi32>
        %swap3A_403 = arith.constant 32 : index
        %swap3A_404 = tpu.vector_load %arg9[%swap3A_403] {strides = array<i32>} : memref<128xi32, #tpu.memory_space<vmem>>, vector<16xi32>,
        %swap3A_405 = vector.shape_cast %swap3A_404 : vector<16xi32> to vector<16xi32>
        %swap3A_406 = vector.shape_cast %shift_right_arithmetic3A_402 : vector<16xi32> to vector<16xi32>
        tpu.vector_store %arg9[%swap3A_403], %swap3A_406 {strides = array<i32>} : memref<128xi32, #tpu.memory_space<vmem>>, vector<16xi32>,
        %mul3A_407 = arith.constant 128 : i32
        %mul3A_408 = arith.muli %add3A_343, %mul3A_407 : i32
        %add3A_409 = arith.constant 48 : i32
        %add3A_410 = arith.addi %mul3A_408, %add3A_409 : i32
        %get3A_411 = arith.index_cast %add3A_410 : i32 to index
        %get3A_412 = tpu.vector_load %arg6[%get3A_411] {strides = array<i32>} : memref<10112xi32, #tpu.memory_space<vmem>>, vector<16xi32>,
        %get3A_413 = vector.shape_cast %get3A_412 : vector<16xi32> to vector<16xi32>
        %and3A_414 = arith.constant 16383 : i32
        %and3A_415 = vector.broadcast %and3A_414 : i32 to vector<16xi32>
        %and3A_416 = arith.andi %get3A_413, %and3A_415 : vector<16xi32>
        %swap3A_417 = arith.constant 48 : index
        %swap3A_418 = tpu.vector_load %arg7[%swap3A_417] {strides = array<i32>} : memref<128xi32, #tpu.memory_space<vmem>>, vector<16xi32>,
        %swap3A_419 = vector.shape_cast %swap3A_418 : vector<16xi32> to vector<16xi32>
        %swap3A_420 = vector.shape_cast %and3A_416 : vector<16xi32> to vector<16xi32>
        tpu.vector_store %arg7[%swap3A_417], %swap3A_420 {strides = array<i32>} : memref<128xi32, #tpu.memory_space<vmem>>, vector<16xi32>,
        %shift_right_arithmetic3A_421 = arith.constant 14 : i32
        %shift_right_arithmetic3A_422 = vector.broadcast %shift_right_arithmetic3A_421 : i32 to vector<16xi32>
        %shift_right_arithmetic3A_423 = arith.shrsi %get3A_413, %shift_right_arithmetic3A_422 : vector<16xi32>
        %swap3A_424 = arith.constant 48 : index
        %swap3A_425 = tpu.vector_load %arg9[%swap3A_424] {strides = array<i32>} : memref<128xi32, #tpu.memory_space<vmem>>, vector<16xi32>,
        %swap3A_426 = vector.shape_cast %swap3A_425 : vector<16xi32> to vector<16xi32>
        %swap3A_427 = vector.shape_cast %shift_right_arithmetic3A_423 : vector<16xi32> to vector<16xi32>
        tpu.vector_store %arg9[%swap3A_424], %swap3A_427 {strides = array<i32>} : memref<128xi32, #tpu.memory_space<vmem>>, vector<16xi32>,
        %mul3A_428 = arith.constant 128 : i32
        %mul3A_429 = arith.muli %add3A_343, %mul3A_428 : i32
        %add3A_430 = arith.constant 64 : i32
        %add3A_431 = arith.addi %mul3A_429, %add3A_430 : i32
        %get3A_432 = arith.index_cast %add3A_431 : i32 to index
        %get3A_433 = tpu.vector_load %arg6[%get3A_432] {strides = array<i32>} : memref<10112xi32, #tpu.memory_space<vmem>>, vector<16xi32>,
        %get3A_434 = vector.shape_cast %get3A_433 : vector<16xi32> to vector<16xi32>
        %and3A_435 = arith.constant 16383 : i32
        %and3A_436 = vector.broadcast %and3A_435 : i32 to vector<16xi32>
        %and3A_437 = arith.andi %get3A_434, %and3A_436 : vector<16xi32>
        %swap3A_438 = arith.constant 64 : index
        %swap3A_439 = tpu.vector_load %arg7[%swap3A_438] {strides = array<i32>} : memref<128xi32, #tpu.memory_space<vmem>>, vector<16xi32>,
        %swap3A_440 = vector.shape_cast %swap3A_439 : vector<16xi32> to vector<16xi32>
        %swap3A_441 = vector.shape_cast %and3A_437 : vector<16xi32> to vector<16xi32>
        tpu.vector_store %arg7[%swap3A_438], %swap3A_441 {strides = array<i32>} : memref<128xi32, #tpu.memory_space<vmem>>, vector<16xi32>,
        %shift_right_arithmetic3A_442 = arith.constant 14 : i32
        %shift_right_arithmetic3A_443 = vector.broadcast %shift_right_arithmetic3A_442 : i32 to vector<16xi32>
        %shift_right_arithmetic3A_444 = arith.shrsi %get3A_434, %shift_right_arithmetic3A_443 : vector<16xi32>
        %swap3A_445 = arith.constant 64 : index
        %swap3A_446 = tpu.vector_load %arg9[%swap3A_445] {strides = array<i32>} : memref<128xi32, #tpu.memory_space<vmem>>, vector<16xi32>,
        %swap3A_447 = vector.shape_cast %swap3A_446 : vector<16xi32> to vector<16xi32>
        %swap3A_448 = vector.shape_cast %shift_right_arithmetic3A_444 : vector<16xi32> to vector<16xi32>
        tpu.vector_store %arg9[%swap3A_445], %swap3A_448 {strides = array<i32>} : memref<128xi32, #tpu.memory_space<vmem>>, vector<16xi32>,
        %mul3A_449 = arith.constant 128 : i32
        %mul3A_450 = arith.muli %add3A_343, %mul3A_449 : i32
        %add3A_451 = arith.constant 80 : i32
        %add3A_452 = arith.addi %mul3A_450, %add3A_451 : i32
        %get3A_453 = arith.index_cast %add3A_452 : i32 to index
        %get3A_454 = tpu.vector_load %arg6[%get3A_453] {strides = array<i32>} : memref<10112xi32, #tpu.memory_space<vmem>>, vector<16xi32>,
        %get3A_455 = vector.shape_cast %get3A_454 : vector<16xi32> to vector<16xi32>
        %and3A_456 = arith.constant 16383 : i32
        %and3A_457 = vector.broadcast %and3A_456 : i32 to vector<16xi32>
        %and3A_458 = arith.andi %get3A_455, %and3A_457 : vector<16xi32>
        %swap3A_459 = arith.constant 80 : index
        %swap3A_460 = tpu.vector_load %arg7[%swap3A_459] {strides = array<i32>} : memref<128xi32, #tpu.memory_space<vmem>>, vector<16xi32>,
        %swap3A_461 = vector.shape_cast %swap3A_460 : vector<16xi32> to vector<16xi32>
        %swap3A_462 = vector.shape_cast %and3A_458 : vector<16xi32> to vector<16xi32>
        tpu.vector_store %arg7[%swap3A_459], %swap3A_462 {strides = array<i32>} : memref<128xi32, #tpu.memory_space<vmem>>, vector<16xi32>,
        %shift_right_arithmetic3A_463 = arith.constant 14 : i32
        %shift_right_arithmetic3A_464 = vector.broadcast %shift_right_arithmetic3A_463 : i32 to vector<16xi32>
        %shift_right_arithmetic3A_465 = arith.shrsi %get3A_455, %shift_right_arithmetic3A_464 : vector<16xi32>
        %swap3A_466 = arith.constant 80 : index
        %swap3A_467 = tpu.vector_load %arg9[%swap3A_466] {strides = array<i32>} : memref<128xi32, #tpu.memory_space<vmem>>, vector<16xi32>,
        %swap3A_468 = vector.shape_cast %swap3A_467 : vector<16xi32> to vector<16xi32>
        %swap3A_469 = vector.shape_cast %shift_right_arithmetic3A_465 : vector<16xi32> to vector<16xi32>
        tpu.vector_store %arg9[%swap3A_466], %swap3A_469 {strides = array<i32>} : memref<128xi32, #tpu.memory_space<vmem>>, vector<16xi32>,
        %mul3A_470 = arith.constant 128 : i32
        %mul3A_471 = arith.muli %add3A_343, %mul3A_470 : i32
        %add3A_472 = arith.constant 96 : i32
        %add3A_473 = arith.addi %mul3A_471, %add3A_472 : i32
        %get3A_474 = arith.index_cast %add3A_473 : i32 to index
        %get3A_475 = tpu.vector_load %arg6[%get3A_474] {strides = array<i32>} : memref<10112xi32, #tpu.memory_space<vmem>>, vector<16xi32>,
        %get3A_476 = vector.shape_cast %get3A_475 : vector<16xi32> to vector<16xi32>
        %and3A_477 = arith.constant 16383 : i32
        %and3A_478 = vector.broadcast %and3A_477 : i32 to vector<16xi32>
        %and3A_479 = arith.andi %get3A_476, %and3A_478 : vector<16xi32>
        %swap3A_480 = arith.constant 96 : index
        %swap3A_481 = tpu.vector_load %arg7[%swap3A_480] {strides = array<i32>} : memref<128xi32, #tpu.memory_space<vmem>>, vector<16xi32>,
        %swap3A_482 = vector.shape_cast %swap3A_481 : vector<16xi32> to vector<16xi32>
        %swap3A_483 = vector.shape_cast %and3A_479 : vector<16xi32> to vector<16xi32>
        tpu.vector_store %arg7[%swap3A_480], %swap3A_483 {strides = array<i32>} : memref<128xi32, #tpu.memory_space<vmem>>, vector<16xi32>,
        %shift_right_arithmetic3A_484 = arith.constant 14 : i32
        %shift_right_arithmetic3A_485 = vector.broadcast %shift_right_arithmetic3A_484 : i32 to vector<16xi32>
        %shift_right_arithmetic3A_486 = arith.shrsi %get3A_476, %shift_right_arithmetic3A_485 : vector<16xi32>
        %swap3A_487 = arith.constant 96 : index
        %swap3A_488 = tpu.vector_load %arg9[%swap3A_487] {strides = array<i32>} : memref<128xi32, #tpu.memory_space<vmem>>, vector<16xi32>,
        %swap3A_489 = vector.shape_cast %swap3A_488 : vector<16xi32> to vector<16xi32>
        %swap3A_490 = vector.shape_cast %shift_right_arithmetic3A_486 : vector<16xi32> to vector<16xi32>
        tpu.vector_store %arg9[%swap3A_487], %swap3A_490 {strides = array<i32>} : memref<128xi32, #tpu.memory_space<vmem>>, vector<16xi32>,
        %mul3A_491 = arith.constant 128 : i32
        %mul3A_492 = arith.muli %add3A_343, %mul3A_491 : i32
        %add3A_493 = arith.constant 112 : i32
        %add3A_494 = arith.addi %mul3A_492, %add3A_493 : i32
        %get3A_495 = arith.index_cast %add3A_494 : i32 to index
        %get3A_496 = tpu.vector_load %arg6[%get3A_495] {strides = array<i32>} : memref<10112xi32, #tpu.memory_space<vmem>>, vector<16xi32>,
        %get3A_497 = vector.shape_cast %get3A_496 : vector<16xi32> to vector<16xi32>
        %and3A_498 = arith.constant 16383 : i32
        %and3A_499 = vector.broadcast %and3A_498 : i32 to vector<16xi32>
        %and3A_500 = arith.andi %get3A_497, %and3A_499 : vector<16xi32>
        %swap3A_501 = arith.constant 112 : index
        %swap3A_502 = tpu.vector_load %arg7[%swap3A_501] {strides = array<i32>} : memref<128xi32, #tpu.memory_space<vmem>>, vector<16xi32>,
        %swap3A_503 = vector.shape_cast %swap3A_502 : vector<16xi32> to vector<16xi32>
        %swap3A_504 = vector.shape_cast %and3A_500 : vector<16xi32> to vector<16xi32>
        tpu.vector_store %arg7[%swap3A_501], %swap3A_504 {strides = array<i32>} : memref<128xi32, #tpu.memory_space<vmem>>, vector<16xi32>,
        %shift_right_arithmetic3A_505 = arith.constant 14 : i32
        %shift_right_arithmetic3A_506 = vector.broadcast %shift_right_arithmetic3A_505 : i32 to vector<16xi32>
        %shift_right_arithmetic3A_507 = arith.shrsi %get3A_497, %shift_right_arithmetic3A_506 : vector<16xi32>
        %swap3A_508 = arith.constant 112 : index
        %swap3A_509 = tpu.vector_load %arg9[%swap3A_508] {strides = array<i32>} : memref<128xi32, #tpu.memory_space<vmem>>, vector<16xi32>,
        %swap3A_510 = vector.shape_cast %swap3A_509 : vector<16xi32> to vector<16xi32>
        %swap3A_511 = vector.shape_cast %shift_right_arithmetic3A_507 : vector<16xi32> to vector<16xi32>
        tpu.vector_store %arg9[%swap3A_508], %swap3A_511 {strides = array<i32>} : memref<128xi32, #tpu.memory_space<vmem>>, vector<16xi32>,
        %add3A_512 = arith.constant 2 : i32
        %add3A_513 = arith.addi %mul3A_296, %add3A_512 : i32
        %dma_start3A_514 = arith.constant 0 : i32
        %dma_start3A_515 = arith.constant 0 : i32
        %dma_start3A_516 = tpu.memref_slice %arg2[%dma_start3A_514, %dma_start3A_515] : memref<10112x128xf32, #tpu.memory_space<hbm>> -> memref<10112x128xf32, #tpu.memory_space<hbm>>
        tpu.enqueue_indirect_dma source(%dma_start3A_516 : memref<10112x128xf32, #tpu.memory_space<hbm>>) target(%arg11 : memref<128x128xf32, #tpu.memory_space<vmem>>) offsets(%arg7 : memref<128xi32, #tpu.memory_space<vmem>>) semaphore(%arg14 : memref<!tpu.dma_semaphore, #tpu.memory_space<semaphore_mem>>)
      } else {
      }
      %dma_wait3A_318 = arith.constant 0 : i32
      %dma_wait3A_319 = arith.constant 0 : i32
      %dma_wait3A_320 = tpu.memref_slice %arg2[%dma_wait3A_318, %dma_wait3A_319] : memref<10112x128xf32, #tpu.memory_space<hbm>> -> memref<128x128xf32, #tpu.memory_space<hbm>>
      %dma_wait3A_321 = arith.constant 0 : i32
      %dma_wait3A_322 = arith.constant 0 : i32
      %dma_wait3A_323 = tpu.memref_slice %arg2[%dma_wait3A_321, %dma_wait3A_322] : memref<10112x128xf32, #tpu.memory_space<hbm>> -> memref<128x128xf32, #tpu.memory_space<hbm>>
      tpu.wait_dma2 semaphore(%arg15 : memref<!tpu.dma_semaphore, #tpu.memory_space<semaphore_mem>>) src(%dma_wait3A_323 : memref<128x128xf32, #tpu.memory_space<hbm>>) dst(%arg12 : memref<128x128xf32, #tpu.memory_space<vmem>>)
      %add3A_324 = arith.constant 1 : i32
      %add3A_325 = arith.addi %mul3A_296, %add3A_324 : i32
      %dma_start3A_326 = arith.constant 0 : i32
      %dma_start3A_327 = arith.constant 0 : i32
      %dma_start3A_328 = tpu.memref_slice %arg13[%dma_start3A_326, %dma_start3A_327] : memref<10112x128xf32, #tpu.memory_space<vmem_shared>> -> memref<10112x128xf32, #tpu.memory_space<vmem_shared>>
      tpu.enqueue_indirect_dma source(%arg12 : memref<128x128xf32, #tpu.memory_space<vmem>>) target(%dma_start3A_328 : memref<10112x128xf32, #tpu.memory_space<vmem_shared>>) offsets(%arg10 : memref<128xi32, #tpu.memory_space<vmem>>) semaphore(%arg17 : memref<!tpu.dma_semaphore, #tpu.memory_space<semaphore_mem>>) {add = true}
      %dma_wait3A_329 = arith.constant 0 : i32
      %dma_wait3A_330 = arith.constant 0 : i32
      %dma_wait3A_331 = tpu.memref_slice %arg13[%dma_wait3A_329, %dma_wait3A_330] : memref<10112x128xf32, #tpu.memory_space<vmem_shared>> -> memref<128x128xf32, #tpu.memory_space<vmem_shared>>
      %dma_wait3A_332 = arith.constant 0 : i32
      %dma_wait3A_333 = arith.constant 0 : i32
      %dma_wait3A_334 = tpu.memref_slice %arg13[%dma_wait3A_332, %dma_wait3A_333] : memref<10112x128xf32, #tpu.memory_space<vmem_shared>> -> memref<128x128xf32, #tpu.memory_space<vmem_shared>>
      tpu.wait_dma2 semaphore(%arg17 : memref<!tpu.dma_semaphore, #tpu.memory_space<semaphore_mem>>) src(%arg12 : memref<128x128xf32, #tpu.memory_space<vmem>>) dst(%dma_wait3A_334 : memref<128x128xf32, #tpu.memory_space<vmem_shared>>)
      %add3A_335 = arith.constant 3 : i32
      %add3A_336 = arith.addi %mul3A_296, %add3A_335 : i32
      %lt3A_337 = arith.constant 78 : i32
      %lt3A_338 = arith.cmpi slt, %add3A_336, %lt3A_337 : i32
      %convert_element_type3A_339 = arith.extui %lt3A_338 : i1 to i32
      %cond3A_340 = arith.constant 0 : i32
      %cond3A_341 = arith.cmpi ne, %convert_element_type3A_339, %cond3A_340 : i32
      scf.if %cond3A_341 {
        %add3A_342 = arith.constant 3 : i32
        %add3A_343 = arith.addi %mul3A_296, %add3A_342 : i32
        %mul3A_344 = arith.constant 128 : i32
        %mul3A_345 = arith.muli %add3A_343, %mul3A_344 : i32
        %add3A_346 = arith.constant 0 : i32
        %add3A_347 = arith.addi %mul3A_345, %add3A_346 : i32
        %get3A_348 = arith.index_cast %add3A_347 : i32 to index
        %get3A_349 = tpu.vector_load %arg6[%get3A_348] {strides = array<i32>} : memref<10112xi32, #tpu.memory_space<vmem>>, vector<16xi32>,
        %get3A_350 = vector.shape_cast %get3A_349 : vector<16xi32> to vector<16xi32>
        %and3A_351 = arith.constant 16383 : i32
        %and3A_352 = vector.broadcast %and3A_351 : i32 to vector<16xi32>
        %and3A_353 = arith.andi %get3A_350, %and3A_352 : vector<16xi32>
        %swap3A_354 = arith.constant 0 : index
        %swap3A_355 = tpu.vector_load %arg8[%swap3A_354] {strides = array<i32>} : memref<128xi32, #tpu.memory_space<vmem>>, vector<16xi32>,
        %swap3A_356 = vector.shape_cast %swap3A_355 : vector<16xi32> to vector<16xi32>
        %swap3A_357 = vector.shape_cast %and3A_353 : vector<16xi32> to vector<16xi32>
        tpu.vector_store %arg8[%swap3A_354], %swap3A_357 {strides = array<i32>} : memref<128xi32, #tpu.memory_space<vmem>>, vector<16xi32>,
        %shift_right_arithmetic3A_358 = arith.constant 14 : i32
        %shift_right_arithmetic3A_359 = vector.broadcast %shift_right_arithmetic3A_358 : i32 to vector<16xi32>
        %shift_right_arithmetic3A_360 = arith.shrsi %get3A_350, %shift_right_arithmetic3A_359 : vector<16xi32>
        %swap3A_361 = arith.constant 0 : index
        %swap3A_362 = tpu.vector_load %arg10[%swap3A_361] {strides = array<i32>} : memref<128xi32, #tpu.memory_space<vmem>>, vector<16xi32>,
        %swap3A_363 = vector.shape_cast %swap3A_362 : vector<16xi32> to vector<16xi32>
        %swap3A_364 = vector.shape_cast %shift_right_arithmetic3A_360 : vector<16xi32> to vector<16xi32>
        tpu.vector_store %arg10[%swap3A_361], %swap3A_364 {strides = array<i32>} : memref<128xi32, #tpu.memory_space<vmem>>, vector<16xi32>,
        %mul3A_365 = arith.constant 128 : i32
        %mul3A_366 = arith.muli %add3A_343, %mul3A_365 : i32
        %add3A_367 = arith.constant 16 : i32
        %add3A_368 = arith.addi %mul3A_366, %add3A_367 : i32
        %get3A_369 = arith.index_cast %add3A_368 : i32 to index
        %get3A_370 = tpu.vector_load %arg6[%get3A_369] {strides = array<i32>} : memref<10112xi32, #tpu.memory_space<vmem>>, vector<16xi32>,
        %get3A_371 = vector.shape_cast %get3A_370 : vector<16xi32> to vector<16xi32>
        %and3A_372 = arith.constant 16383 : i32
        %and3A_373 = vector.broadcast %and3A_372 : i32 to vector<16xi32>
        %and3A_374 = arith.andi %get3A_371, %and3A_373 : vector<16xi32>
        %swap3A_375 = arith.constant 16 : index
        %swap3A_376 = tpu.vector_load %arg8[%swap3A_375] {strides = array<i32>} : memref<128xi32, #tpu.memory_space<vmem>>, vector<16xi32>,
        %swap3A_377 = vector.shape_cast %swap3A_376 : vector<16xi32> to vector<16xi32>
        %swap3A_378 = vector.shape_cast %and3A_374 : vector<16xi32> to vector<16xi32>
        tpu.vector_store %arg8[%swap3A_375], %swap3A_378 {strides = array<i32>} : memref<128xi32, #tpu.memory_space<vmem>>, vector<16xi32>,
        %shift_right_arithmetic3A_379 = arith.constant 14 : i32
        %shift_right_arithmetic3A_380 = vector.broadcast %shift_right_arithmetic3A_379 : i32 to vector<16xi32>
        %shift_right_arithmetic3A_381 = arith.shrsi %get3A_371, %shift_right_arithmetic3A_380 : vector<16xi32>
        %swap3A_382 = arith.constant 16 : index
        %swap3A_383 = tpu.vector_load %arg10[%swap3A_382] {strides = array<i32>} : memref<128xi32, #tpu.memory_space<vmem>>, vector<16xi32>,
        %swap3A_384 = vector.shape_cast %swap3A_383 : vector<16xi32> to vector<16xi32>
        %swap3A_385 = vector.shape_cast %shift_right_arithmetic3A_381 : vector<16xi32> to vector<16xi32>
        tpu.vector_store %arg10[%swap3A_382], %swap3A_385 {strides = array<i32>} : memref<128xi32, #tpu.memory_space<vmem>>, vector<16xi32>,
        %mul3A_386 = arith.constant 128 : i32
        %mul3A_387 = arith.muli %add3A_343, %mul3A_386 : i32
        %add3A_388 = arith.constant 32 : i32
        %add3A_389 = arith.addi %mul3A_387, %add3A_388 : i32
        %get3A_390 = arith.index_cast %add3A_389 : i32 to index
        %get3A_391 = tpu.vector_load %arg6[%get3A_390] {strides = array<i32>} : memref<10112xi32, #tpu.memory_space<vmem>>, vector<16xi32>,
        %get3A_392 = vector.shape_cast %get3A_391 : vector<16xi32> to vector<16xi32>
        %and3A_393 = arith.constant 16383 : i32
        %and3A_394 = vector.broadcast %and3A_393 : i32 to vector<16xi32>
        %and3A_395 = arith.andi %get3A_392, %and3A_394 : vector<16xi32>
        %swap3A_396 = arith.constant 32 : index
        %swap3A_397 = tpu.vector_load %arg8[%swap3A_396] {strides = array<i32>} : memref<128xi32, #tpu.memory_space<vmem>>, vector<16xi32>,
        %swap3A_398 = vector.shape_cast %swap3A_397 : vector<16xi32> to vector<16xi32>
        %swap3A_399 = vector.shape_cast %and3A_395 : vector<16xi32> to vector<16xi32>
        tpu.vector_store %arg8[%swap3A_396], %swap3A_399 {strides = array<i32>} : memref<128xi32, #tpu.memory_space<vmem>>, vector<16xi32>,
        %shift_right_arithmetic3A_400 = arith.constant 14 : i32
        %shift_right_arithmetic3A_401 = vector.broadcast %shift_right_arithmetic3A_400 : i32 to vector<16xi32>
        %shift_right_arithmetic3A_402 = arith.shrsi %get3A_392, %shift_right_arithmetic3A_401 : vector<16xi32>
        %swap3A_403 = arith.constant 32 : index
        %swap3A_404 = tpu.vector_load %arg10[%swap3A_403] {strides = array<i32>} : memref<128xi32, #tpu.memory_space<vmem>>, vector<16xi32>,
        %swap3A_405 = vector.shape_cast %swap3A_404 : vector<16xi32> to vector<16xi32>
        %swap3A_406 = vector.shape_cast %shift_right_arithmetic3A_402 : vector<16xi32> to vector<16xi32>
        tpu.vector_store %arg10[%swap3A_403], %swap3A_406 {strides = array<i32>} : memref<128xi32, #tpu.memory_space<vmem>>, vector<16xi32>,
        %mul3A_407 = arith.constant 128 : i32
        %mul3A_408 = arith.muli %add3A_343, %mul3A_407 : i32
        %add3A_409 = arith.constant 48 : i32
        %add3A_410 = arith.addi %mul3A_408, %add3A_409 : i32
        %get3A_411 = arith.index_cast %add3A_410 : i32 to index
        %get3A_412 = tpu.vector_load %arg6[%get3A_411] {strides = array<i32>} : memref<10112xi32, #tpu.memory_space<vmem>>, vector<16xi32>,
        %get3A_413 = vector.shape_cast %get3A_412 : vector<16xi32> to vector<16xi32>
        %and3A_414 = arith.constant 16383 : i32
        %and3A_415 = vector.broadcast %and3A_414 : i32 to vector<16xi32>
        %and3A_416 = arith.andi %get3A_413, %and3A_415 : vector<16xi32>
        %swap3A_417 = arith.constant 48 : index
        %swap3A_418 = tpu.vector_load %arg8[%swap3A_417] {strides = array<i32>} : memref<128xi32, #tpu.memory_space<vmem>>, vector<16xi32>,
        %swap3A_419 = vector.shape_cast %swap3A_418 : vector<16xi32> to vector<16xi32>
        %swap3A_420 = vector.shape_cast %and3A_416 : vector<16xi32> to vector<16xi32>
        tpu.vector_store %arg8[%swap3A_417], %swap3A_420 {strides = array<i32>} : memref<128xi32, #tpu.memory_space<vmem>>, vector<16xi32>,
        %shift_right_arithmetic3A_421 = arith.constant 14 : i32
        %shift_right_arithmetic3A_422 = vector.broadcast %shift_right_arithmetic3A_421 : i32 to vector<16xi32>
        %shift_right_arithmetic3A_423 = arith.shrsi %get3A_413, %shift_right_arithmetic3A_422 : vector<16xi32>
        %swap3A_424 = arith.constant 48 : index
        %swap3A_425 = tpu.vector_load %arg10[%swap3A_424] {strides = array<i32>} : memref<128xi32, #tpu.memory_space<vmem>>, vector<16xi32>,
        %swap3A_426 = vector.shape_cast %swap3A_425 : vector<16xi32> to vector<16xi32>
        %swap3A_427 = vector.shape_cast %shift_right_arithmetic3A_423 : vector<16xi32> to vector<16xi32>
        tpu.vector_store %arg10[%swap3A_424], %swap3A_427 {strides = array<i32>} : memref<128xi32, #tpu.memory_space<vmem>>, vector<16xi32>,
        %mul3A_428 = arith.constant 128 : i32
        %mul3A_429 = arith.muli %add3A_343, %mul3A_428 : i32
        %add3A_430 = arith.constant 64 : i32
        %add3A_431 = arith.addi %mul3A_429, %add3A_430 : i32
        %get3A_432 = arith.index_cast %add3A_431 : i32 to index
        %get3A_433 = tpu.vector_load %arg6[%get3A_432] {strides = array<i32>} : memref<10112xi32, #tpu.memory_space<vmem>>, vector<16xi32>,
        %get3A_434 = vector.shape_cast %get3A_433 : vector<16xi32> to vector<16xi32>
        %and3A_435 = arith.constant 16383 : i32
        %and3A_436 = vector.broadcast %and3A_435 : i32 to vector<16xi32>
        %and3A_437 = arith.andi %get3A_434, %and3A_436 : vector<16xi32>
        %swap3A_438 = arith.constant 64 : index
        %swap3A_439 = tpu.vector_load %arg8[%swap3A_438] {strides = array<i32>} : memref<128xi32, #tpu.memory_space<vmem>>, vector<16xi32>,
        %swap3A_440 = vector.shape_cast %swap3A_439 : vector<16xi32> to vector<16xi32>
        %swap3A_441 = vector.shape_cast %and3A_437 : vector<16xi32> to vector<16xi32>
        tpu.vector_store %arg8[%swap3A_438], %swap3A_441 {strides = array<i32>} : memref<128xi32, #tpu.memory_space<vmem>>, vector<16xi32>,
        %shift_right_arithmetic3A_442 = arith.constant 14 : i32
        %shift_right_arithmetic3A_443 = vector.broadcast %shift_right_arithmetic3A_442 : i32 to vector<16xi32>
        %shift_right_arithmetic3A_444 = arith.shrsi %get3A_434, %shift_right_arithmetic3A_443 : vector<16xi32>
        %swap3A_445 = arith.constant 64 : index
        %swap3A_446 = tpu.vector_load %arg10[%swap3A_445] {strides = array<i32>} : memref<128xi32, #tpu.memory_space<vmem>>, vector<16xi32>,
        %swap3A_447 = vector.shape_cast %swap3A_446 : vector<16xi32> to vector<16xi32>
        %swap3A_448 = vector.shape_cast %shift_right_arithmetic3A_444 : vector<16xi32> to vector<16xi32>
        tpu.vector_store %arg10[%swap3A_445], %swap3A_448 {strides = array<i32>} : memref<128xi32, #tpu.memory_space<vmem>>, vector<16xi32>,
        %mul3A_449 = arith.constant 128 : i32
        %mul3A_450 = arith.muli %add3A_343, %mul3A_449 : i32
        %add3A_451 = arith.constant 80 : i32
        %add3A_452 = arith.addi %mul3A_450, %add3A_451 : i32
        %get3A_453 = arith.index_cast %add3A_452 : i32 to index
        %get3A_454 = tpu.vector_load %arg6[%get3A_453] {strides = array<i32>} : memref<10112xi32, #tpu.memory_space<vmem>>, vector<16xi32>,
        %get3A_455 = vector.shape_cast %get3A_454 : vector<16xi32> to vector<16xi32>
        %and3A_456 = arith.constant 16383 : i32
        %and3A_457 = vector.broadcast %and3A_456 : i32 to vector<16xi32>
        %and3A_458 = arith.andi %get3A_455, %and3A_457 : vector<16xi32>
        %swap3A_459 = arith.constant 80 : index
        %swap3A_460 = tpu.vector_load %arg8[%swap3A_459] {strides = array<i32>} : memref<128xi32, #tpu.memory_space<vmem>>, vector<16xi32>,
        %swap3A_461 = vector.shape_cast %swap3A_460 : vector<16xi32> to vector<16xi32>
        %swap3A_462 = vector.shape_cast %and3A_458 : vector<16xi32> to vector<16xi32>
        tpu.vector_store %arg8[%swap3A_459], %swap3A_462 {strides = array<i32>} : memref<128xi32, #tpu.memory_space<vmem>>, vector<16xi32>,
        %shift_right_arithmetic3A_463 = arith.constant 14 : i32
        %shift_right_arithmetic3A_464 = vector.broadcast %shift_right_arithmetic3A_463 : i32 to vector<16xi32>
        %shift_right_arithmetic3A_465 = arith.shrsi %get3A_455, %shift_right_arithmetic3A_464 : vector<16xi32>
        %swap3A_466 = arith.constant 80 : index
        %swap3A_467 = tpu.vector_load %arg10[%swap3A_466] {strides = array<i32>} : memref<128xi32, #tpu.memory_space<vmem>>, vector<16xi32>,
        %swap3A_468 = vector.shape_cast %swap3A_467 : vector<16xi32> to vector<16xi32>
        %swap3A_469 = vector.shape_cast %shift_right_arithmetic3A_465 : vector<16xi32> to vector<16xi32>
        tpu.vector_store %arg10[%swap3A_466], %swap3A_469 {strides = array<i32>} : memref<128xi32, #tpu.memory_space<vmem>>, vector<16xi32>,
        %mul3A_470 = arith.constant 128 : i32
        %mul3A_471 = arith.muli %add3A_343, %mul3A_470 : i32
        %add3A_472 = arith.constant 96 : i32
        %add3A_473 = arith.addi %mul3A_471, %add3A_472 : i32
        %get3A_474 = arith.index_cast %add3A_473 : i32 to index
        %get3A_475 = tpu.vector_load %arg6[%get3A_474] {strides = array<i32>} : memref<10112xi32, #tpu.memory_space<vmem>>, vector<16xi32>,
        %get3A_476 = vector.shape_cast %get3A_475 : vector<16xi32> to vector<16xi32>
        %and3A_477 = arith.constant 16383 : i32
        %and3A_478 = vector.broadcast %and3A_477 : i32 to vector<16xi32>
        %and3A_479 = arith.andi %get3A_476, %and3A_478 : vector<16xi32>
        %swap3A_480 = arith.constant 96 : index
        %swap3A_481 = tpu.vector_load %arg8[%swap3A_480] {strides = array<i32>} : memref<128xi32, #tpu.memory_space<vmem>>, vector<16xi32>,
        %swap3A_482 = vector.shape_cast %swap3A_481 : vector<16xi32> to vector<16xi32>
        %swap3A_483 = vector.shape_cast %and3A_479 : vector<16xi32> to vector<16xi32>
        tpu.vector_store %arg8[%swap3A_480], %swap3A_483 {strides = array<i32>} : memref<128xi32, #tpu.memory_space<vmem>>, vector<16xi32>,
        %shift_right_arithmetic3A_484 = arith.constant 14 : i32
        %shift_right_arithmetic3A_485 = vector.broadcast %shift_right_arithmetic3A_484 : i32 to vector<16xi32>
        %shift_right_arithmetic3A_486 = arith.shrsi %get3A_476, %shift_right_arithmetic3A_485 : vector<16xi32>
        %swap3A_487 = arith.constant 96 : index
        %swap3A_488 = tpu.vector_load %arg10[%swap3A_487] {strides = array<i32>} : memref<128xi32, #tpu.memory_space<vmem>>, vector<16xi32>,
        %swap3A_489 = vector.shape_cast %swap3A_488 : vector<16xi32> to vector<16xi32>
        %swap3A_490 = vector.shape_cast %shift_right_arithmetic3A_486 : vector<16xi32> to vector<16xi32>
        tpu.vector_store %arg10[%swap3A_487], %swap3A_490 {strides = array<i32>} : memref<128xi32, #tpu.memory_space<vmem>>, vector<16xi32>,
        %mul3A_491 = arith.constant 128 : i32
        %mul3A_492 = arith.muli %add3A_343, %mul3A_491 : i32
        %add3A_493 = arith.constant 112 : i32
        %add3A_494 = arith.addi %mul3A_492, %add3A_493 : i32
        %get3A_495 = arith.index_cast %add3A_494 : i32 to index
        %get3A_496 = tpu.vector_load %arg6[%get3A_495] {strides = array<i32>} : memref<10112xi32, #tpu.memory_space<vmem>>, vector<16xi32>,
        %get3A_497 = vector.shape_cast %get3A_496 : vector<16xi32> to vector<16xi32>
        %and3A_498 = arith.constant 16383 : i32
        %and3A_499 = vector.broadcast %and3A_498 : i32 to vector<16xi32>
        %and3A_500 = arith.andi %get3A_497, %and3A_499 : vector<16xi32>
        %swap3A_501 = arith.constant 112 : index
        %swap3A_502 = tpu.vector_load %arg8[%swap3A_501] {strides = array<i32>} : memref<128xi32, #tpu.memory_space<vmem>>, vector<16xi32>,
        %swap3A_503 = vector.shape_cast %swap3A_502 : vector<16xi32> to vector<16xi32>
        %swap3A_504 = vector.shape_cast %and3A_500 : vector<16xi32> to vector<16xi32>
        tpu.vector_store %arg8[%swap3A_501], %swap3A_504 {strides = array<i32>} : memref<128xi32, #tpu.memory_space<vmem>>, vector<16xi32>,
        %shift_right_arithmetic3A_505 = arith.constant 14 : i32
        %shift_right_arithmetic3A_506 = vector.broadcast %shift_right_arithmetic3A_505 : i32 to vector<16xi32>
        %shift_right_arithmetic3A_507 = arith.shrsi %get3A_497, %shift_right_arithmetic3A_506 : vector<16xi32>
        %swap3A_508 = arith.constant 112 : index
        %swap3A_509 = tpu.vector_load %arg10[%swap3A_508] {strides = array<i32>} : memref<128xi32, #tpu.memory_space<vmem>>, vector<16xi32>,
        %swap3A_510 = vector.shape_cast %swap3A_509 : vector<16xi32> to vector<16xi32>
        %swap3A_511 = vector.shape_cast %shift_right_arithmetic3A_507 : vector<16xi32> to vector<16xi32>
        tpu.vector_store %arg10[%swap3A_508], %swap3A_511 {strides = array<i32>} : memref<128xi32, #tpu.memory_space<vmem>>, vector<16xi32>,
        %add3A_512 = arith.constant 3 : i32
        %add3A_513 = arith.addi %mul3A_296, %add3A_512 : i32
        %dma_start3A_514 = arith.constant 0 : i32
        %dma_start3A_515 = arith.constant 0 : i32
        %dma_start3A_516 = tpu.memref_slice %arg2[%dma_start3A_514, %dma_start3A_515] : memref<10112x128xf32, #tpu.memory_space<hbm>> -> memref<10112x128xf32, #tpu.memory_space<hbm>>
        tpu.enqueue_indirect_dma source(%dma_start3A_516 : memref<10112x128xf32, #tpu.memory_space<hbm>>) target(%arg12 : memref<128x128xf32, #tpu.memory_space<vmem>>) offsets(%arg8 : memref<128xi32, #tpu.memory_space<vmem>>) semaphore(%arg15 : memref<!tpu.dma_semaphore, #tpu.memory_space<semaphore_mem>>)
      } else {
      }
    }
    %scan3A_287 = arith.constant 39 : i32
    %convert_element_type3A = arith.extui %lt3A_7 : i1 to i32
    %cond3A = arith.constant 0 : i32
    %cond3A_288 = arith.cmpi ne, %convert_element_type3A, %cond3A : i32
    scf.if %cond3A_288 {
      %dma_wait3A = arith.constant 0 : i32
      %dma_wait3A_294 = arith.constant 0 : i32
      %dma_wait3A_295 = tpu.memref_slice %arg2[%dma_wait3A, %dma_wait3A_294] : memref<10112x128xf32, #tpu.memory_space<hbm>> -> memref<128x128xf32, #tpu.memory_space<hbm>>
      %dma_wait3A_296 = arith.constant 0 : i32
      %dma_wait3A_297 = arith.constant 0 : i32
      %dma_wait3A_298 = tpu.memref_slice %arg2[%dma_wait3A_296, %dma_wait3A_297] : memref<10112x128xf32, #tpu.memory_space<hbm>> -> memref<128x128xf32, #tpu.memory_space<hbm>>
      tpu.wait_dma2 semaphore(%arg14 : memref<!tpu.dma_semaphore, #tpu.memory_space<semaphore_mem>>) src(%dma_wait3A_298 : memref<128x128xf32, #tpu.memory_space<hbm>>) dst(%arg11 : memref<128x128xf32, #tpu.memory_space<vmem>>)
      %dma_start3A_299 = arith.constant 0 : i32
      %dma_start3A_300 = arith.constant 0 : i32
      %dma_start3A_301 = tpu.memref_slice %arg13[%dma_start3A_299, %dma_start3A_300] : memref<10112x128xf32, #tpu.memory_space<vmem_shared>> -> memref<10112x128xf32, #tpu.memory_space<vmem_shared>>
      tpu.enqueue_indirect_dma source(%arg11 : memref<128x128xf32, #tpu.memory_space<vmem>>) target(%dma_start3A_301 : memref<10112x128xf32, #tpu.memory_space<vmem_shared>>) offsets(%arg9 : memref<128xi32, #tpu.memory_space<vmem>>) semaphore(%arg16 : memref<!tpu.dma_semaphore, #tpu.memory_space<semaphore_mem>>) {add = true}
      %dma_wait3A_302 = arith.constant 0 : i32
      %dma_wait3A_303 = arith.constant 0 : i32
      %dma_wait3A_304 = tpu.memref_slice %arg13[%dma_wait3A_302, %dma_wait3A_303] : memref<10112x128xf32, #tpu.memory_space<vmem_shared>> -> memref<128x128xf32, #tpu.memory_space<vmem_shared>>
      %dma_wait3A_305 = arith.constant 0 : i32
      %dma_wait3A_306 = arith.constant 0 : i32
      %dma_wait3A_307 = tpu.memref_slice %arg13[%dma_wait3A_305, %dma_wait3A_306] : memref<10112x128xf32, #tpu.memory_space<vmem_shared>> -> memref<128x128xf32, #tpu.memory_space<vmem_shared>>
      tpu.wait_dma2 semaphore(%arg16 : memref<!tpu.dma_semaphore, #tpu.memory_space<semaphore_mem>>) src(%arg11 : memref<128x128xf32, #tpu.memory_space<vmem>>) dst(%dma_wait3A_307 : memref<128x128xf32, #tpu.memory_space<vmem_shared>>)
    } else {
    }
    %barrier3A_289 = arith.constant 0 : index
    tpu.barrier barrier_id(%barrier3A_289)
    %mul3A_290 = arith.constant 632 : i32
    %mul3A_291 = arith.muli %arg1, %mul3A_290 : i32
    %mul3A_292 = arith.constant 632 : i32
    %mul3A_293 = arith.muli %arg1, %mul3A_292 : i32
    "tpu.region"() ({
      %run_scoped3A = tpu.sem_alloc : memref<!tpu.dma_semaphore, #tpu.memory_space<semaphore_mem>>
      %dma_start3A_294 = arith.constant 0 : i32
      %dma_start3A_295 = tpu.memref_slice %arg5[%arg0, %mul3A_293, %dma_start3A_294] : memref<2x10112x128xf32, #tpu.memory_space<hbm>> -> memref<1x632x128xf32, #tpu.memory_space<hbm>>
      %dma_start3A_296 = tpu.memref_squeeze %dma_start3A_295 : memref<1x632x128xf32, #tpu.memory_space<hbm>> -> memref<632x128xf32, #tpu.memory_space<hbm>>
      %dma_start3A_297 = arith.constant 0 : i32
      %dma_start3A_298 = tpu.memref_slice %arg13[%mul3A_291, %dma_start3A_297] : memref<10112x128xf32, #tpu.memory_space<vmem_shared>> -> memref<632x128xf32, #tpu.memory_space<vmem_shared>>
      tpu.enqueue_dma source(%dma_start3A_298 : memref<632x128xf32, #tpu.memory_space<vmem_shared>>) target(%dma_start3A_296 : memref<632x128xf32, #tpu.memory_space<hbm>>) target_semaphore(%run_scoped3A : memref<!tpu.dma_semaphore, #tpu.memory_space<semaphore_mem>>)
      %dma_wait3A = arith.constant 0 : i32
      %dma_wait3A_299 = tpu.memref_slice %arg5[%arg0, %mul3A_293, %dma_wait3A] : memref<2x10112x128xf32, #tpu.memory_space<hbm>> -> memref<1x632x128xf32, #tpu.memory_space<hbm>>
      %dma_wait3A_300 = tpu.memref_squeeze %dma_wait3A_299 : memref<1x632x128xf32, #tpu.memory_space<hbm>> -> memref<632x128xf32, #tpu.memory_space<hbm>>
      %dma_wait3A_301 = arith.constant 0 : i32
      %dma_wait3A_302 = tpu.memref_slice %arg13[%mul3A_291, %dma_wait3A_301] : memref<10112x128xf32, #tpu.memory_space<vmem_shared>> -> memref<632x128xf32, #tpu.memory_space<vmem_shared>>
      tpu.wait_dma2 semaphore(%run_scoped3A : memref<!tpu.dma_semaphore, #tpu.memory_space<semaphore_mem>>) src(%dma_wait3A_302 : memref<632x128xf32, #tpu.memory_space<vmem_shared>>) dst(%dma_wait3A_300 : memref<632x128xf32, #tpu.memory_space<hbm>>)
      tpu.yield
    }) : () -> ()
    return
  }
}

#map = affine_map<(d0, d1) -> (0, 0)>
#map1 = affine_map<(d0, d1) -> (0)>
#map2 = affine_map<(d0, d1) -> (0, 0, 0)>
module attributes {stable_mosaic.version = 14 : i64} {
  func.func @_seg_sum(%arg0: i32, %arg1: i32, %arg2: memref<10112x128xf32, #tpu.memory_space<hbm>>, %arg3: memref<320128xi32, #tpu.memory_space<hbm>>, %arg4: memref<632x128xf32, #tpu.memory_space<hbm>>, %arg5: memref<2x10112x128xf32, #tpu.memory_space<hbm>>, %arg6: memref<10112xi32, #tpu.memory_space<vmem>>, %arg7: memref<128xi32, #tpu.memory_space<vmem>>, %arg8: memref<128xi32, #tpu.memory_space<vmem>>, %arg9: memref<128xi32, #tpu.memory_space<vmem>>, %arg10: memref<128xi32, #tpu.memory_space<vmem>>, %arg11: memref<128x128xf32, #tpu.memory_space<vmem>>, %arg12: memref<128x128xf32, #tpu.memory_space<vmem>>, %arg13: memref<10112x128xf32, #tpu.memory_space<vmem_shared>>, %arg14: memref<!tpu.dma_semaphore, #tpu.memory_space<semaphore_mem>>, %arg15: memref<!tpu.dma_semaphore, #tpu.memory_space<semaphore_mem>>, %arg16: memref<!tpu.dma_semaphore, #tpu.memory_space<semaphore_mem>>, %arg17: memref<!tpu.dma_semaphore, #tpu.memory_space<semaphore_mem>>) attributes {dimension_semantics = [#tpu.dimension_semantics<core_parallel>, #tpu.dimension_semantics<subcore_parallel>], iteration_bounds = array<i64: 2, 16>, scalar_prefetch = 0 : i64, scratch_operands = 12 : i64, tpu.core_type = #tpu.core_type<sc_vector_subcore>, window_params = [{transform_indices = #map}, {transform_indices = #map1}, {transform_indices = #map}, {transform_indices = #map2}]} {
    %mul3A = arith.constant 16 : i32
    %mul3A_0 = arith.muli %arg0, %mul3A : i32
    %add3A = arith.addi %mul3A_0, %arg1 : i32
    %mul3A_1 = arith.constant 9984 : i32
    %mul3A_2 = arith.muli %add3A, %mul3A_1 : i32
    %min3A = arith.constant 4 : i32
    %min3A_3 = arith.minsi %add3A, %min3A : i32
    %mul3A_4 = arith.constant 128 : i32
    %mul3A_5 = arith.muli %min3A_3, %mul3A_4 : i32
    %add3A_6 = arith.addi %mul3A_2, %mul3A_5 : i32
    %lt3A = arith.constant 4 : i32
    %lt3A_7 = arith.cmpi slt, %add3A, %lt3A : i32
    "tpu.region"() ({
      %run_scoped3A = tpu.sem_alloc : memref<!tpu.dma_semaphore, #tpu.memory_space<semaphore_mem>>
      %dma_start3A_294 = tpu.memref_slice %arg3[%add3A_6] : memref<320128xi32, #tpu.memory_space<hbm>> -> memref<10112xi32, #tpu.memory_space<hbm>>
      %dma_start3A_295 = tpu.memref_slice %arg3[%add3A_6] : memref<320128xi32, #tpu.memory_space<hbm>> -> memref<10112xi32, #tpu.memory_space<hbm>>
      tpu.enqueue_dma source(%dma_start3A_295 : memref<10112xi32, #tpu.memory_space<hbm>>) target(%arg6 : memref<10112xi32, #tpu.memory_space<vmem>>) target_semaphore(%run_scoped3A : memref<!tpu.dma_semaphore, #tpu.memory_space<semaphore_mem>>)
      %dma_wait3A = tpu.memref_slice %arg3[%add3A_6] : memref<320128xi32, #tpu.memory_space<hbm>> -> memref<10112xi32, #tpu.memory_space<hbm>>
      %dma_wait3A_296 = tpu.memref_slice %arg3[%add3A_6] : memref<320128xi32, #tpu.memory_space<hbm>> -> memref<10112xi32, #tpu.memory_space<hbm>>
      tpu.wait_dma2 semaphore(%run_scoped3A : memref<!tpu.dma_semaphore, #tpu.memory_space<semaphore_mem>>) src(%dma_wait3A_296 : memref<10112xi32, #tpu.memory_space<hbm>>) dst(%arg6 : memref<10112xi32, #tpu.memory_space<vmem>>)
      tpu.yield
    }) : () -> ()
    %get3A = arith.constant 0 : index
    %get3A_8 = tpu.vector_load %arg6[%get3A] {strides = array<i32>} : memref<10112xi32, #tpu.memory_space<vmem>>, vector<16xi32>,
    %get3A_9 = vector.shape_cast %get3A_8 : vector<16xi32> to vector<16xi32>
    %and3A = arith.constant 16383 : i32
    %and3A_10 = vector.broadcast %and3A : i32 to vector<16xi32>
    %and3A_11 = arith.andi %get3A_9, %and3A_10 : vector<16xi32>
    %swap3A = arith.constant 0 : index
    %swap3A_12 = tpu.vector_load %arg7[%swap3A] {strides = array<i32>} : memref<128xi32, #tpu.memory_space<vmem>>, vector<16xi32>,
    %swap3A_13 = vector.shape_cast %swap3A_12 : vector<16xi32> to vector<16xi32>
    %swap3A_14 = vector.shape_cast %and3A_11 : vector<16xi32> to vector<16xi32>
    tpu.vector_store %arg7[%swap3A], %swap3A_14 {strides = array<i32>} : memref<128xi32, #tpu.memory_space<vmem>>, vector<16xi32>,
    %shift_right_arithmetic3A = arith.constant 14 : i32
    %shift_right_arithmetic3A_15 = vector.broadcast %shift_right_arithmetic3A : i32 to vector<16xi32>
    %shift_right_arithmetic3A_16 = arith.shrsi %get3A_9, %shift_right_arithmetic3A_15 : vector<16xi32>
    %swap3A_17 = arith.constant 0 : index
    %swap3A_18 = tpu.vector_load %arg9[%swap3A_17] {strides = array<i32>} : memref<128xi32, #tpu.memory_space<vmem>>, vector<16xi32>,
    %swap3A_19 = vector.shape_cast %swap3A_18 : vector<16xi32> to vector<16xi32>
    %swap3A_20 = vector.shape_cast %shift_right_arithmetic3A_16 : vector<16xi32> to vector<16xi32>
    tpu.vector_store %arg9[%swap3A_17], %swap3A_20 {strides = array<i32>} : memref<128xi32, #tpu.memory_space<vmem>>, vector<16xi32>,
    %get3A_21 = arith.constant 16 : index
    %get3A_22 = tpu.vector_load %arg6[%get3A_21] {strides = array<i32>} : memref<10112xi32, #tpu.memory_space<vmem>>, vector<16xi32>,
    %get3A_23 = vector.shape_cast %get3A_22 : vector<16xi32> to vector<16xi32>
    %and3A_24 = arith.constant 16383 : i32
    %and3A_25 = vector.broadcast %and3A_24 : i32 to vector<16xi32>
    %and3A_26 = arith.andi %get3A_23, %and3A_25 : vector<16xi32>
    %swap3A_27 = arith.constant 16 : index
    %swap3A_28 = tpu.vector_load %arg7[%swap3A_27] {strides = array<i32>} : memref<128xi32, #tpu.memory_space<vmem>>, vector<16xi32>,
    %swap3A_29 = vector.shape_cast %swap3A_28 : vector<16xi32> to vector<16xi32>
    %swap3A_30 = vector.shape_cast %and3A_26 : vector<16xi32> to vector<16xi32>
    tpu.vector_store %arg7[%swap3A_27], %swap3A_30 {strides = array<i32>} : memref<128xi32, #tpu.memory_space<vmem>>, vector<16xi32>,
    %shift_right_arithmetic3A_31 = arith.constant 14 : i32
    %shift_right_arithmetic3A_32 = vector.broadcast %shift_right_arithmetic3A_31 : i32 to vector<16xi32>
    %shift_right_arithmetic3A_33 = arith.shrsi %get3A_23, %shift_right_arithmetic3A_32 : vector<16xi32>
    %swap3A_34 = arith.constant 16 : index
    %swap3A_35 = tpu.vector_load %arg9[%swap3A_34] {strides = array<i32>} : memref<128xi32, #tpu.memory_space<vmem>>, vector<16xi32>,
    %swap3A_36 = vector.shape_cast %swap3A_35 : vector<16xi32> to vector<16xi32>
    %swap3A_37 = vector.shape_cast %shift_right_arithmetic3A_33 : vector<16xi32> to vector<16xi32>
    tpu.vector_store %arg9[%swap3A_34], %swap3A_37 {strides = array<i32>} : memref<128xi32, #tpu.memory_space<vmem>>, vector<16xi32>,
    %get3A_38 = arith.constant 32 : index
    %get3A_39 = tpu.vector_load %arg6[%get3A_38] {strides = array<i32>} : memref<10112xi32, #tpu.memory_space<vmem>>, vector<16xi32>,
    %get3A_40 = vector.shape_cast %get3A_39 : vector<16xi32> to vector<16xi32>
    %and3A_41 = arith.constant 16383 : i32
    %and3A_42 = vector.broadcast %and3A_41 : i32 to vector<16xi32>
    %and3A_43 = arith.andi %get3A_40, %and3A_42 : vector<16xi32>
    %swap3A_44 = arith.constant 32 : index
    %swap3A_45 = tpu.vector_load %arg7[%swap3A_44] {strides = array<i32>} : memref<128xi32, #tpu.memory_space<vmem>>, vector<16xi32>,
    %swap3A_46 = vector.shape_cast %swap3A_45 : vector<16xi32> to vector<16xi32>
    %swap3A_47 = vector.shape_cast %and3A_43 : vector<16xi32> to vector<16xi32>
    tpu.vector_store %arg7[%swap3A_44], %swap3A_47 {strides = array<i32>} : memref<128xi32, #tpu.memory_space<vmem>>, vector<16xi32>,
    %shift_right_arithmetic3A_48 = arith.constant 14 : i32
    %shift_right_arithmetic3A_49 = vector.broadcast %shift_right_arithmetic3A_48 : i32 to vector<16xi32>
    %shift_right_arithmetic3A_50 = arith.shrsi %get3A_40, %shift_right_arithmetic3A_49 : vector<16xi32>
    %swap3A_51 = arith.constant 32 : index
    %swap3A_52 = tpu.vector_load %arg9[%swap3A_51] {strides = array<i32>} : memref<128xi32, #tpu.memory_space<vmem>>, vector<16xi32>,
    %swap3A_53 = vector.shape_cast %swap3A_52 : vector<16xi32> to vector<16xi32>
    %swap3A_54 = vector.shape_cast %shift_right_arithmetic3A_50 : vector<16xi32> to vector<16xi32>
    tpu.vector_store %arg9[%swap3A_51], %swap3A_54 {strides = array<i32>} : memref<128xi32, #tpu.memory_space<vmem>>, vector<16xi32>,
    %get3A_55 = arith.constant 48 : index
    %get3A_56 = tpu.vector_load %arg6[%get3A_55] {strides = array<i32>} : memref<10112xi32, #tpu.memory_space<vmem>>, vector<16xi32>,
    %get3A_57 = vector.shape_cast %get3A_56 : vector<16xi32> to vector<16xi32>
    %and3A_58 = arith.constant 16383 : i32
    %and3A_59 = vector.broadcast %and3A_58 : i32 to vector<16xi32>
    %and3A_60 = arith.andi %get3A_57, %and3A_59 : vector<16xi32>
    %swap3A_61 = arith.constant 48 : index
    %swap3A_62 = tpu.vector_load %arg7[%swap3A_61] {strides = array<i32>} : memref<128xi32, #tpu.memory_space<vmem>>, vector<16xi32>,
    %swap3A_63 = vector.shape_cast %swap3A_62 : vector<16xi32> to vector<16xi32>
    %swap3A_64 = vector.shape_cast %and3A_60 : vector<16xi32> to vector<16xi32>
    tpu.vector_store %arg7[%swap3A_61], %swap3A_64 {strides = array<i32>} : memref<128xi32, #tpu.memory_space<vmem>>, vector<16xi32>,
    %shift_right_arithmetic3A_65 = arith.constant 14 : i32
    %shift_right_arithmetic3A_66 = vector.broadcast %shift_right_arithmetic3A_65 : i32 to vector<16xi32>
    %shift_right_arithmetic3A_67 = arith.shrsi %get3A_57, %shift_right_arithmetic3A_66 : vector<16xi32>
    %swap3A_68 = arith.constant 48 : index
    %swap3A_69 = tpu.vector_load %arg9[%swap3A_68] {strides = array<i32>} : memref<128xi32, #tpu.memory_space<vmem>>, vector<16xi32>,
    %swap3A_70 = vector.shape_cast %swap3A_69 : vector<16xi32> to vector<16xi32>
    %swap3A_71 = vector.shape_cast %shift_right_arithmetic3A_67 : vector<16xi32> to vector<16xi32>
    tpu.vector_store %arg9[%swap3A_68], %swap3A_71 {strides = array<i32>} : memref<128xi32, #tpu.memory_space<vmem>>, vector<16xi32>,
    %get3A_72 = arith.constant 64 : index
    %get3A_73 = tpu.vector_load %arg6[%get3A_72] {strides = array<i32>} : memref<10112xi32, #tpu.memory_space<vmem>>, vector<16xi32>,
    %get3A_74 = vector.shape_cast %get3A_73 : vector<16xi32> to vector<16xi32>
    %and3A_75 = arith.constant 16383 : i32
    %and3A_76 = vector.broadcast %and3A_75 : i32 to vector<16xi32>
    %and3A_77 = arith.andi %get3A_74, %and3A_76 : vector<16xi32>
    %swap3A_78 = arith.constant 64 : index
    %swap3A_79 = tpu.vector_load %arg7[%swap3A_78] {strides = array<i32>} : memref<128xi32, #tpu.memory_space<vmem>>, vector<16xi32>,
    %swap3A_80 = vector.shape_cast %swap3A_79 : vector<16xi32> to vector<16xi32>
    %swap3A_81 = vector.shape_cast %and3A_77 : vector<16xi32> to vector<16xi32>
    tpu.vector_store %arg7[%swap3A_78], %swap3A_81 {strides = array<i32>} : memref<128xi32, #tpu.memory_space<vmem>>, vector<16xi32>,
    %shift_right_arithmetic3A_82 = arith.constant 14 : i32
    %shift_right_arithmetic3A_83 = vector.broadcast %shift_right_arithmetic3A_82 : i32 to vector<16xi32>
    %shift_right_arithmetic3A_84 = arith.shrsi %get3A_74, %shift_right_arithmetic3A_83 : vector<16xi32>
    %swap3A_85 = arith.constant 64 : index
    %swap3A_86 = tpu.vector_load %arg9[%swap3A_85] {strides = array<i32>} : memref<128xi32, #tpu.memory_space<vmem>>, vector<16xi32>,
    %swap3A_87 = vector.shape_cast %swap3A_86 : vector<16xi32> to vector<16xi32>
    %swap3A_88 = vector.shape_cast %shift_right_arithmetic3A_84 : vector<16xi32> to vector<16xi32>
    tpu.vector_store %arg9[%swap3A_85], %swap3A_88 {strides = array<i32>} : memref<128xi32, #tpu.memory_space<vmem>>, vector<16xi32>,
    %get3A_89 = arith.constant 80 : index
    %get3A_90 = tpu.vector_load %arg6[%get3A_89] {strides = array<i32>} : memref<10112xi32, #tpu.memory_space<vmem>>, vector<16xi32>,
    %get3A_91 = vector.shape_cast %get3A_90 : vector<16xi32> to vector<16xi32>
    %and3A_92 = arith.constant 16383 : i32
    %and3A_93 = vector.broadcast %and3A_92 : i32 to vector<16xi32>
    %and3A_94 = arith.andi %get3A_91, %and3A_93 : vector<16xi32>
    %swap3A_95 = arith.constant 80 : index
    %swap3A_96 = tpu.vector_load %arg7[%swap3A_95] {strides = array<i32>} : memref<128xi32, #tpu.memory_space<vmem>>, vector<16xi32>,
    %swap3A_97 = vector.shape_cast %swap3A_96 : vector<16xi32> to vector<16xi32>
    %swap3A_98 = vector.shape_cast %and3A_94 : vector<16xi32> to vector<16xi32>
    tpu.vector_store %arg7[%swap3A_95], %swap3A_98 {strides = array<i32>} : memref<128xi32, #tpu.memory_space<vmem>>, vector<16xi32>,
    %shift_right_arithmetic3A_99 = arith.constant 14 : i32
    %shift_right_arithmetic3A_100 = vector.broadcast %shift_right_arithmetic3A_99 : i32 to vector<16xi32>
    %shift_right_arithmetic3A_101 = arith.shrsi %get3A_91, %shift_right_arithmetic3A_100 : vector<16xi32>
    %swap3A_102 = arith.constant 80 : index
    %swap3A_103 = tpu.vector_load %arg9[%swap3A_102] {strides = array<i32>} : memref<128xi32, #tpu.memory_space<vmem>>, vector<16xi32>,
    %swap3A_104 = vector.shape_cast %swap3A_103 : vector<16xi32> to vector<16xi32>
    %swap3A_105 = vector.shape_cast %shift_right_arithmetic3A_101 : vector<16xi32> to vector<16xi32>
    tpu.vector_store %arg9[%swap3A_102], %swap3A_105 {strides = array<i32>} : memref<128xi32, #tpu.memory_space<vmem>>, vector<16xi32>,
    %get3A_106 = arith.constant 96 : index
    %get3A_107 = tpu.vector_load %arg6[%get3A_106] {strides = array<i32>} : memref<10112xi32, #tpu.memory_space<vmem>>, vector<16xi32>,
    %get3A_108 = vector.shape_cast %get3A_107 : vector<16xi32> to vector<16xi32>
    %and3A_109 = arith.constant 16383 : i32
    %and3A_110 = vector.broadcast %and3A_109 : i32 to vector<16xi32>
    %and3A_111 = arith.andi %get3A_108, %and3A_110 : vector<16xi32>
    %swap3A_112 = arith.constant 96 : index
    %swap3A_113 = tpu.vector_load %arg7[%swap3A_112] {strides = array<i32>} : memref<128xi32, #tpu.memory_space<vmem>>, vector<16xi32>,
    %swap3A_114 = vector.shape_cast %swap3A_113 : vector<16xi32> to vector<16xi32>
    %swap3A_115 = vector.shape_cast %and3A_111 : vector<16xi32> to vector<16xi32>
    tpu.vector_store %arg7[%swap3A_112], %swap3A_115 {strides = array<i32>} : memref<128xi32, #tpu.memory_space<vmem>>, vector<16xi32>,
    %shift_right_arithmetic3A_116 = arith.constant 14 : i32
    %shift_right_arithmetic3A_117 = vector.broadcast %shift_right_arithmetic3A_116 : i32 to vector<16xi32>
    %shift_right_arithmetic3A_118 = arith.shrsi %get3A_108, %shift_right_arithmetic3A_117 : vector<16xi32>
    %swap3A_119 = arith.constant 96 : index
    %swap3A_120 = tpu.vector_load %arg9[%swap3A_119] {strides = array<i32>} : memref<128xi32, #tpu.memory_space<vmem>>, vector<16xi32>,
    %swap3A_121 = vector.shape_cast %swap3A_120 : vector<16xi32> to vector<16xi32>
    %swap3A_122 = vector.shape_cast %shift_right_arithmetic3A_118 : vector<16xi32> to vector<16xi32>
    tpu.vector_store %arg9[%swap3A_119], %swap3A_122 {strides = array<i32>} : memref<128xi32, #tpu.memory_space<vmem>>, vector<16xi32>,
    %get3A_123 = arith.constant 112 : index
    %get3A_124 = tpu.vector_load %arg6[%get3A_123] {strides = array<i32>} : memref<10112xi32, #tpu.memory_space<vmem>>, vector<16xi32>,
    %get3A_125 = vector.shape_cast %get3A_124 : vector<16xi32> to vector<16xi32>
    %and3A_126 = arith.constant 16383 : i32
    %and3A_127 = vector.broadcast %and3A_126 : i32 to vector<16xi32>
    %and3A_128 = arith.andi %get3A_125, %and3A_127 : vector<16xi32>
    %swap3A_129 = arith.constant 112 : index
    %swap3A_130 = tpu.vector_load %arg7[%swap3A_129] {strides = array<i32>} : memref<128xi32, #tpu.memory_space<vmem>>, vector<16xi32>,
    %swap3A_131 = vector.shape_cast %swap3A_130 : vector<16xi32> to vector<16xi32>
    %swap3A_132 = vector.shape_cast %and3A_128 : vector<16xi32> to vector<16xi32>
    tpu.vector_store %arg7[%swap3A_129], %swap3A_132 {strides = array<i32>} : memref<128xi32, #tpu.memory_space<vmem>>, vector<16xi32>,
    %shift_right_arithmetic3A_133 = arith.constant 14 : i32
    %shift_right_arithmetic3A_134 = vector.broadcast %shift_right_arithmetic3A_133 : i32 to vector<16xi32>
    %shift_right_arithmetic3A_135 = arith.shrsi %get3A_125, %shift_right_arithmetic3A_134 : vector<16xi32>
    %swap3A_136 = arith.constant 112 : index
    %swap3A_137 = tpu.vector_load %arg9[%swap3A_136] {strides = array<i32>} : memref<128xi32, #tpu.memory_space<vmem>>, vector<16xi32>,
    %swap3A_138 = vector.shape_cast %swap3A_137 : vector<16xi32> to vector<16xi32>
    %swap3A_139 = vector.shape_cast %shift_right_arithmetic3A_135 : vector<16xi32> to vector<16xi32>
    tpu.vector_store %arg9[%swap3A_136], %swap3A_139 {strides = array<i32>} : memref<128xi32, #tpu.memory_space<vmem>>, vector<16xi32>,
    %dma_start3A = arith.constant 0 : i32
    %dma_start3A_140 = arith.constant 0 : i32
    %dma_start3A_141 = tpu.memref_slice %arg2[%dma_start3A, %dma_start3A_140] : memref<10112x128xf32, #tpu.memory_space<hbm>> -> memref<10112x128xf32, #tpu.memory_space<hbm>>
    tpu.enqueue_indirect_dma source(%dma_start3A_141 : memref<10112x128xf32, #tpu.memory_space<hbm>>) target(%arg11 : memref<128x128xf32, #tpu.memory_space<vmem>>) offsets(%arg7 : memref<128xi32, #tpu.memory_space<vmem>>) semaphore(%arg14 : memref<!tpu.dma_semaphore, #tpu.memory_space<semaphore_mem>>)
    %get3A_142 = arith.constant 128 : index
    %get3A_143 = tpu.vector_load %arg6[%get3A_142] {strides = array<i32>} : memref<10112xi32, #tpu.memory_space<vmem>>, vector<16xi32>,
    %get3A_144 = vector.shape_cast %get3A_143 : vector<16xi32> to vector<16xi32>
    %and3A_145 = arith.constant 16383 : i32
    %and3A_146 = vector.broadcast %and3A_145 : i32 to vector<16xi32>
    %and3A_147 = arith.andi %get3A_144, %and3A_146 : vector<16xi32>
    %swap3A_148 = arith.constant 0 : index
    %swap3A_149 = tpu.vector_load %arg8[%swap3A_148] {strides = array<i32>} : memref<128xi32, #tpu.memory_space<vmem>>, vector<16xi32>,
    %swap3A_150 = vector.shape_cast %swap3A_149 : vector<16xi32> to vector<16xi32>
    %swap3A_151 = vector.shape_cast %and3A_147 : vector<16xi32> to vector<16xi32>
    tpu.vector_store %arg8[%swap3A_148], %swap3A_151 {strides = array<i32>} : memref<128xi32, #tpu.memory_space<vmem>>, vector<16xi32>,
    %shift_right_arithmetic3A_152 = arith.constant 14 : i32
    %shift_right_arithmetic3A_153 = vector.broadcast %shift_right_arithmetic3A_152 : i32 to vector<16xi32>
    %shift_right_arithmetic3A_154 = arith.shrsi %get3A_144, %shift_right_arithmetic3A_153 : vector<16xi32>
    %swap3A_155 = arith.constant 0 : index
    %swap3A_156 = tpu.vector_load %arg10[%swap3A_155] {strides = array<i32>} : memref<128xi32, #tpu.memory_space<vmem>>, vector<16xi32>,
    %swap3A_157 = vector.shape_cast %swap3A_156 : vector<16xi32> to vector<16xi32>
    %swap3A_158 = vector.shape_cast %shift_right_arithmetic3A_154 : vector<16xi32> to vector<16xi32>
    tpu.vector_store %arg10[%swap3A_155], %swap3A_158 {strides = array<i32>} : memref<128xi32, #tpu.memory_space<vmem>>, vector<16xi32>,
    %get3A_159 = arith.constant 144 : index
    %get3A_160 = tpu.vector_load %arg6[%get3A_159] {strides = array<i32>} : memref<10112xi32, #tpu.memory_space<vmem>>, vector<16xi32>,
    %get3A_161 = vector.shape_cast %get3A_160 : vector<16xi32> to vector<16xi32>
    %and3A_162 = arith.constant 16383 : i32
    %and3A_163 = vector.broadcast %and3A_162 : i32 to vector<16xi32>
    %and3A_164 = arith.andi %get3A_161, %and3A_163 : vector<16xi32>
    %swap3A_165 = arith.constant 16 : index
    %swap3A_166 = tpu.vector_load %arg8[%swap3A_165] {strides = array<i32>} : memref<128xi32, #tpu.memory_space<vmem>>, vector<16xi32>,
    %swap3A_167 = vector.shape_cast %swap3A_166 : vector<16xi32> to vector<16xi32>
    %swap3A_168 = vector.shape_cast %and3A_164 : vector<16xi32> to vector<16xi32>
    tpu.vector_store %arg8[%swap3A_165], %swap3A_168 {strides = array<i32>} : memref<128xi32, #tpu.memory_space<vmem>>, vector<16xi32>,
    %shift_right_arithmetic3A_169 = arith.constant 14 : i32
    %shift_right_arithmetic3A_170 = vector.broadcast %shift_right_arithmetic3A_169 : i32 to vector<16xi32>
    %shift_right_arithmetic3A_171 = arith.shrsi %get3A_161, %shift_right_arithmetic3A_170 : vector<16xi32>
    %swap3A_172 = arith.constant 16 : index
    %swap3A_173 = tpu.vector_load %arg10[%swap3A_172] {strides = array<i32>} : memref<128xi32, #tpu.memory_space<vmem>>, vector<16xi32>,
    %swap3A_174 = vector.shape_cast %swap3A_173 : vector<16xi32> to vector<16xi32>
    %swap3A_175 = vector.shape_cast %shift_right_arithmetic3A_171 : vector<16xi32> to vector<16xi32>
    tpu.vector_store %arg10[%swap3A_172], %swap3A_175 {strides = array<i32>} : memref<128xi32, #tpu.memory_space<vmem>>, vector<16xi32>,
    %get3A_176 = arith.constant 160 : index
    %get3A_177 = tpu.vector_load %arg6[%get3A_176] {strides = array<i32>} : memref<10112xi32, #tpu.memory_space<vmem>>, vector<16xi32>,
    %get3A_178 = vector.shape_cast %get3A_177 : vector<16xi32> to vector<16xi32>
    %and3A_179 = arith.constant 16383 : i32
    %and3A_180 = vector.broadcast %and3A_179 : i32 to vector<16xi32>
    %and3A_181 = arith.andi %get3A_178, %and3A_180 : vector<16xi32>
    %swap3A_182 = arith.constant 32 : index
    %swap3A_183 = tpu.vector_load %arg8[%swap3A_182] {strides = array<i32>} : memref<128xi32, #tpu.memory_space<vmem>>, vector<16xi32>,
    %swap3A_184 = vector.shape_cast %swap3A_183 : vector<16xi32> to vector<16xi32>
    %swap3A_185 = vector.shape_cast %and3A_181 : vector<16xi32> to vector<16xi32>
    tpu.vector_store %arg8[%swap3A_182], %swap3A_185 {strides = array<i32>} : memref<128xi32, #tpu.memory_space<vmem>>, vector<16xi32>,
    %shift_right_arithmetic3A_186 = arith.constant 14 : i32
    %shift_right_arithmetic3A_187 = vector.broadcast %shift_right_arithmetic3A_186 : i32 to vector<16xi32>
    %shift_right_arithmetic3A_188 = arith.shrsi %get3A_178, %shift_right_arithmetic3A_187 : vector<16xi32>
    %swap3A_189 = arith.constant 32 : index
    %swap3A_190 = tpu.vector_load %arg10[%swap3A_189] {strides = array<i32>} : memref<128xi32, #tpu.memory_space<vmem>>, vector<16xi32>,
    %swap3A_191 = vector.shape_cast %swap3A_190 : vector<16xi32> to vector<16xi32>
    %swap3A_192 = vector.shape_cast %shift_right_arithmetic3A_188 : vector<16xi32> to vector<16xi32>
    tpu.vector_store %arg10[%swap3A_189], %swap3A_192 {strides = array<i32>} : memref<128xi32, #tpu.memory_space<vmem>>, vector<16xi32>,
    %get3A_193 = arith.constant 176 : index
    %get3A_194 = tpu.vector_load %arg6[%get3A_193] {strides = array<i32>} : memref<10112xi32, #tpu.memory_space<vmem>>, vector<16xi32>,
    %get3A_195 = vector.shape_cast %get3A_194 : vector<16xi32> to vector<16xi32>
    %and3A_196 = arith.constant 16383 : i32
    %and3A_197 = vector.broadcast %and3A_196 : i32 to vector<16xi32>
    %and3A_198 = arith.andi %get3A_195, %and3A_197 : vector<16xi32>
    %swap3A_199 = arith.constant 48 : index
    %swap3A_200 = tpu.vector_load %arg8[%swap3A_199] {strides = array<i32>} : memref<128xi32, #tpu.memory_space<vmem>>, vector<16xi32>,
    %swap3A_201 = vector.shape_cast %swap3A_200 : vector<16xi32> to vector<16xi32>
    %swap3A_202 = vector.shape_cast %and3A_198 : vector<16xi32> to vector<16xi32>
    tpu.vector_store %arg8[%swap3A_199], %swap3A_202 {strides = array<i32>} : memref<128xi32, #tpu.memory_space<vmem>>, vector<16xi32>,
    %shift_right_arithmetic3A_203 = arith.constant 14 : i32
    %shift_right_arithmetic3A_204 = vector.broadcast %shift_right_arithmetic3A_203 : i32 to vector<16xi32>
    %shift_right_arithmetic3A_205 = arith.shrsi %get3A_195, %shift_right_arithmetic3A_204 : vector<16xi32>
    %swap3A_206 = arith.constant 48 : index
    %swap3A_207 = tpu.vector_load %arg10[%swap3A_206] {strides = array<i32>} : memref<128xi32, #tpu.memory_space<vmem>>, vector<16xi32>,
    %swap3A_208 = vector.shape_cast %swap3A_207 : vector<16xi32> to vector<16xi32>
    %swap3A_209 = vector.shape_cast %shift_right_arithmetic3A_205 : vector<16xi32> to vector<16xi32>
    tpu.vector_store %arg10[%swap3A_206], %swap3A_209 {strides = array<i32>} : memref<128xi32, #tpu.memory_space<vmem>>, vector<16xi32>,
    %get3A_210 = arith.constant 192 : index
    %get3A_211 = tpu.vector_load %arg6[%get3A_210] {strides = array<i32>} : memref<10112xi32, #tpu.memory_space<vmem>>, vector<16xi32>,
    %get3A_212 = vector.shape_cast %get3A_211 : vector<16xi32> to vector<16xi32>
    %and3A_213 = arith.constant 16383 : i32
    %and3A_214 = vector.broadcast %and3A_213 : i32 to vector<16xi32>
    %and3A_215 = arith.andi %get3A_212, %and3A_214 : vector<16xi32>
    %swap3A_216 = arith.constant 64 : index
    %swap3A_217 = tpu.vector_load %arg8[%swap3A_216] {strides = array<i32>} : memref<128xi32, #tpu.memory_space<vmem>>, vector<16xi32>,
    %swap3A_218 = vector.shape_cast %swap3A_217 : vector<16xi32> to vector<16xi32>
    %swap3A_219 = vector.shape_cast %and3A_215 : vector<16xi32> to vector<16xi32>
    tpu.vector_store %arg8[%swap3A_216], %swap3A_219 {strides = array<i32>} : memref<128xi32, #tpu.memory_space<vmem>>, vector<16xi32>,
    %shift_right_arithmetic3A_220 = arith.constant 14 : i32
    %shift_right_arithmetic3A_221 = vector.broadcast %shift_right_arithmetic3A_220 : i32 to vector<16xi32>
    %shift_right_arithmetic3A_222 = arith.shrsi %get3A_212, %shift_right_arithmetic3A_221 : vector<16xi32>
    %swap3A_223 = arith.constant 64 : index
    %swap3A_224 = tpu.vector_load %arg10[%swap3A_223] {strides = array<i32>} : memref<128xi32, #tpu.memory_space<vmem>>, vector<16xi32>,
    %swap3A_225 = vector.shape_cast %swap3A_224 : vector<16xi32> to vector<16xi32>
    %swap3A_226 = vector.shape_cast %shift_right_arithmetic3A_222 : vector<16xi32> to vector<16xi32>
    tpu.vector_store %arg10[%swap3A_223], %swap3A_226 {strides = array<i32>} : memref<128xi32, #tpu.memory_space<vmem>>, vector<16xi32>,
    %get3A_227 = arith.constant 208 : index
    %get3A_228 = tpu.vector_load %arg6[%get3A_227] {strides = array<i32>} : memref<10112xi32, #tpu.memory_space<vmem>>, vector<16xi32>,
    %get3A_229 = vector.shape_cast %get3A_228 : vector<16xi32> to vector<16xi32>
    %and3A_230 = arith.constant 16383 : i32
    %and3A_231 = vector.broadcast %and3A_230 : i32 to vector<16xi32>
    %and3A_232 = arith.andi %get3A_229, %and3A_231 : vector<16xi32>
    %swap3A_233 = arith.constant 80 : index
    %swap3A_234 = tpu.vector_load %arg8[%swap3A_233] {strides = array<i32>} : memref<128xi32, #tpu.memory_space<vmem>>, vector<16xi32>,
    %swap3A_235 = vector.shape_cast %swap3A_234 : vector<16xi32> to vector<16xi32>
    %swap3A_236 = vector.shape_cast %and3A_232 : vector<16xi32> to vector<16xi32>
    tpu.vector_store %arg8[%swap3A_233], %swap3A_236 {strides = array<i32>} : memref<128xi32, #tpu.memory_space<vmem>>, vector<16xi32>,
    %shift_right_arithmetic3A_237 = arith.constant 14 : i32
    %shift_right_arithmetic3A_238 = vector.broadcast %shift_right_arithmetic3A_237 : i32 to vector<16xi32>
    %shift_right_arithmetic3A_239 = arith.shrsi %get3A_229, %shift_right_arithmetic3A_238 : vector<16xi32>
    %swap3A_240 = arith.constant 80 : index
    %swap3A_241 = tpu.vector_load %arg10[%swap3A_240] {strides = array<i32>} : memref<128xi32, #tpu.memory_space<vmem>>, vector<16xi32>,
    %swap3A_242 = vector.shape_cast %swap3A_241 : vector<16xi32> to vector<16xi32>
    %swap3A_243 = vector.shape_cast %shift_right_arithmetic3A_239 : vector<16xi32> to vector<16xi32>
    tpu.vector_store %arg10[%swap3A_240], %swap3A_243 {strides = array<i32>} : memref<128xi32, #tpu.memory_space<vmem>>, vector<16xi32>,
    %get3A_244 = arith.constant 224 : index
    %get3A_245 = tpu.vector_load %arg6[%get3A_244] {strides = array<i32>} : memref<10112xi32, #tpu.memory_space<vmem>>, vector<16xi32>,
    %get3A_246 = vector.shape_cast %get3A_245 : vector<16xi32> to vector<16xi32>
    %and3A_247 = arith.constant 16383 : i32
    %and3A_248 = vector.broadcast %and3A_247 : i32 to vector<16xi32>
    %and3A_249 = arith.andi %get3A_246, %and3A_248 : vector<16xi32>
    %swap3A_250 = arith.constant 96 : index
    %swap3A_251 = tpu.vector_load %arg8[%swap3A_250] {strides = array<i32>} : memref<128xi32, #tpu.memory_space<vmem>>, vector<16xi32>,
    %swap3A_252 = vector.shape_cast %swap3A_251 : vector<16xi32> to vector<16xi32>
    %swap3A_253 = vector.shape_cast %and3A_249 : vector<16xi32> to vector<16xi32>
    tpu.vector_store %arg8[%swap3A_250], %swap3A_253 {strides = array<i32>} : memref<128xi32, #tpu.memory_space<vmem>>, vector<16xi32>,
    %shift_right_arithmetic3A_254 = arith.constant 14 : i32
    %shift_right_arithmetic3A_255 = vector.broadcast %shift_right_arithmetic3A_254 : i32 to vector<16xi32>
    %shift_right_arithmetic3A_256 = arith.shrsi %get3A_246, %shift_right_arithmetic3A_255 : vector<16xi32>
    %swap3A_257 = arith.constant 96 : index
    %swap3A_258 = tpu.vector_load %arg10[%swap3A_257] {strides = array<i32>} : memref<128xi32, #tpu.memory_space<vmem>>, vector<16xi32>,
    %swap3A_259 = vector.shape_cast %swap3A_258 : vector<16xi32> to vector<16xi32>
    %swap3A_260 = vector.shape_cast %shift_right_arithmetic3A_256 : vector<16xi32> to vector<16xi32>
    tpu.vector_store %arg10[%swap3A_257], %swap3A_260 {strides = array<i32>} : memref<128xi32, #tpu.memory_space<vmem>>, vector<16xi32>,
    %get3A_261 = arith.constant 240 : index
    %get3A_262 = tpu.vector_load %arg6[%get3A_261] {strides = array<i32>} : memref<10112xi32, #tpu.memory_space<vmem>>, vector<16xi32>,
    %get3A_263 = vector.shape_cast %get3A_262 : vector<16xi32> to vector<16xi32>
    %and3A_264 = arith.constant 16383 : i32
    %and3A_265 = vector.broadcast %and3A_264 : i32 to vector<16xi32>
    %and3A_266 = arith.andi %get3A_263, %and3A_265 : vector<16xi32>
    %swap3A_267 = arith.constant 112 : index
    %swap3A_268 = tpu.vector_load %arg8[%swap3A_267] {strides = array<i32>} : memref<128xi32, #tpu.memory_space<vmem>>, vector<16xi32>,
    %swap3A_269 = vector.shape_cast %swap3A_268 : vector<16xi32> to vector<16xi32>
    %swap3A_270 = vector.shape_cast %and3A_266 : vector<16xi32> to vector<16xi32>
    tpu.vector_store %arg8[%swap3A_267], %swap3A_270 {strides = array<i32>} : memref<128xi32, #tpu.memory_space<vmem>>, vector<16xi32>,
    %shift_right_arithmetic3A_271 = arith.constant 14 : i32
    %shift_right_arithmetic3A_272 = vector.broadcast %shift_right_arithmetic3A_271 : i32 to vector<16xi32>
    %shift_right_arithmetic3A_273 = arith.shrsi %get3A_263, %shift_right_arithmetic3A_272 : vector<16xi32>
    %swap3A_274 = arith.constant 112 : index
    %swap3A_275 = tpu.vector_load %arg10[%swap3A_274] {strides = array<i32>} : memref<128xi32, #tpu.memory_space<vmem>>, vector<16xi32>,
    %swap3A_276 = vector.shape_cast %swap3A_275 : vector<16xi32> to vector<16xi32>
    %swap3A_277 = vector.shape_cast %shift_right_arithmetic3A_273 : vector<16xi32> to vector<16xi32>
    tpu.vector_store %arg10[%swap3A_274], %swap3A_277 {strides = array<i32>} : memref<128xi32, #tpu.memory_space<vmem>>, vector<16xi32>,
    %dma_start3A_278 = arith.constant 0 : i32
    %dma_start3A_279 = arith.constant 0 : i32
    %dma_start3A_280 = tpu.memref_slice %arg2[%dma_start3A_278, %dma_start3A_279] : memref<10112x128xf32, #tpu.memory_space<hbm>> -> memref<10112x128xf32, #tpu.memory_space<hbm>>
    tpu.enqueue_indirect_dma source(%dma_start3A_280 : memref<10112x128xf32, #tpu.memory_space<hbm>>) target(%arg12 : memref<128x128xf32, #tpu.memory_space<vmem>>) offsets(%arg8 : memref<128xi32, #tpu.memory_space<vmem>>) semaphore(%arg15 : memref<!tpu.dma_semaphore, #tpu.memory_space<semaphore_mem>>)
    %mul3A_281 = arith.constant 632 : i32
    %mul3A_282 = arith.muli %arg1, %mul3A_281 : i32
    "tpu.region"() ({
      %run_scoped3A = tpu.sem_alloc : memref<!tpu.dma_semaphore, #tpu.memory_space<semaphore_mem>>
      %dma_start3A_294 = arith.constant 0 : i32
      %dma_start3A_295 = tpu.memref_slice %arg13[%mul3A_282, %dma_start3A_294] : memref<10112x128xf32, #tpu.memory_space<vmem_shared>> -> memref<632x128xf32, #tpu.memory_space<vmem_shared>>
      tpu.enqueue_dma source(%arg4 : memref<632x128xf32, #tpu.memory_space<hbm>>) target(%dma_start3A_295 : memref<632x128xf32, #tpu.memory_space<vmem_shared>>) target_semaphore(%run_scoped3A : memref<!tpu.dma_semaphore, #tpu.memory_space<semaphore_mem>>)
      %dma_wait3A = arith.constant 0 : i32
      %dma_wait3A_296 = tpu.memref_slice %arg13[%mul3A_282, %dma_wait3A] : memref<10112x128xf32, #tpu.memory_space<vmem_shared>> -> memref<632x128xf32, #tpu.memory_space<vmem_shared>>
      tpu.wait_dma2 semaphore(%run_scoped3A : memref<!tpu.dma_semaphore, #tpu.memory_space<semaphore_mem>>) src(%arg4 : memref<632x128xf32, #tpu.memory_space<hbm>>) dst(%dma_wait3A_296 : memref<632x128xf32, #tpu.memory_space<vmem_shared>>)
      tpu.yield
    }) : () -> ()
    %barrier3A = arith.constant 0 : index
    tpu.barrier barrier_id(%barrier3A)
    %scan3A = arith.constant 0 : i32
    %scan3A_283 = arith.constant 0 : i32
    %scan3A_284 = arith.constant 39 : i32
    %scan3A_285 = arith.addi %scan3A_283, %scan3A_284 : i32
    %scan3A_286 = arith.constant 1 : i32
    scf.for %scan3A_294 = %scan3A_283 to %scan3A_285 step %scan3A_286  : i32 {
      %mul3A_295 = arith.constant 2 : i32
      %mul3A_296 = arith.muli %mul3A_295, %scan3A_294 : i32
      %dma_wait3A = arith.constant 0 : i32
      %dma_wait3A_297 = arith.constant 0 : i32
      %dma_wait3A_298 = tpu.memref_slice %arg2[%dma_wait3A, %dma_wait3A_297] : memref<10112x128xf32, #tpu.memory_space<hbm>> -> memref<128x128xf32, #tpu.memory_space<hbm>>
      %dma_wait3A_299 = arith.constant 0 : i32
      %dma_wait3A_300 = arith.constant 0 : i32
      %dma_wait3A_301 = tpu.memref_slice %arg2[%dma_wait3A_299, %dma_wait3A_300] : memref<10112x128xf32, #tpu.memory_space<hbm>> -> memref<128x128xf32, #tpu.memory_space<hbm>>
      tpu.wait_dma2 semaphore(%arg14 : memref<!tpu.dma_semaphore, #tpu.memory_space<semaphore_mem>>) src(%dma_wait3A_301 : memref<128x128xf32, #tpu.memory_space<hbm>>) dst(%arg11 : memref<128x128xf32, #tpu.memory_space<vmem>>)
      %dma_start3A_302 = arith.constant 0 : i32
      %dma_start3A_303 = arith.constant 0 : i32
      %dma_start3A_304 = tpu.memref_slice %arg13[%dma_start3A_302, %dma_start3A_303] : memref<10112x128xf32, #tpu.memory_space<vmem_shared>> -> memref<10112x128xf32, #tpu.memory_space<vmem_shared>>
      tpu.enqueue_indirect_dma source(%arg11 : memref<128x128xf32, #tpu.memory_space<vmem>>) target(%dma_start3A_304 : memref<10112x128xf32, #tpu.memory_space<vmem_shared>>) offsets(%arg9 : memref<128xi32, #tpu.memory_space<vmem>>) semaphore(%arg16 : memref<!tpu.dma_semaphore, #tpu.memory_space<semaphore_mem>>) {add = true}
      %dma_wait3A_305 = arith.constant 0 : i32
      %dma_wait3A_306 = arith.constant 0 : i32
      %dma_wait3A_307 = tpu.memref_slice %arg13[%dma_wait3A_305, %dma_wait3A_306] : memref<10112x128xf32, #tpu.memory_space<vmem_shared>> -> memref<128x128xf32, #tpu.memory_space<vmem_shared>>
      %dma_wait3A_308 = arith.constant 0 : i32
      %dma_wait3A_309 = arith.constant 0 : i32
      %dma_wait3A_310 = tpu.memref_slice %arg13[%dma_wait3A_308, %dma_wait3A_309] : memref<10112x128xf32, #tpu.memory_space<vmem_shared>> -> memref<128x128xf32, #tpu.memory_space<vmem_shared>>
      tpu.wait_dma2 semaphore(%arg16 : memref<!tpu.dma_semaphore, #tpu.memory_space<semaphore_mem>>) src(%arg11 : memref<128x128xf32, #tpu.memory_space<vmem>>) dst(%dma_wait3A_310 : memref<128x128xf32, #tpu.memory_space<vmem_shared>>)
      %add3A_311 = arith.constant 2 : i32
      %add3A_312 = arith.addi %mul3A_296, %add3A_311 : i32
      %lt3A_313 = arith.constant 78 : i32
      %lt3A_314 = arith.cmpi slt, %add3A_312, %lt3A_313 : i32
      %or3A = arith.ori %lt3A_314, %lt3A_7 : i1
      %convert_element_type3A_315 = arith.extui %or3A : i1 to i32
      %cond3A_316 = arith.constant 0 : i32
      %cond3A_317 = arith.cmpi ne, %convert_element_type3A_315, %cond3A_316 : i32
      scf.if %cond3A_317 {
        %add3A_342 = arith.constant 2 : i32
        %add3A_343 = arith.addi %mul3A_296, %add3A_342 : i32
        %mul3A_344 = arith.constant 128 : i32
        %mul3A_345 = arith.muli %add3A_343, %mul3A_344 : i32
        %add3A_346 = arith.constant 0 : i32
        %add3A_347 = arith.addi %mul3A_345, %add3A_346 : i32
        %get3A_348 = arith.index_cast %add3A_347 : i32 to index
        %get3A_349 = tpu.vector_load %arg6[%get3A_348] {strides = array<i32>} : memref<10112xi32, #tpu.memory_space<vmem>>, vector<16xi32>,
        %get3A_350 = vector.shape_cast %get3A_349 : vector<16xi32> to vector<16xi32>
        %and3A_351 = arith.constant 16383 : i32
        %and3A_352 = vector.broadcast %and3A_351 : i32 to vector<16xi32>
        %and3A_353 = arith.andi %get3A_350, %and3A_352 : vector<16xi32>
        %swap3A_354 = arith.constant 0 : index
        %swap3A_355 = tpu.vector_load %arg7[%swap3A_354] {strides = array<i32>} : memref<128xi32, #tpu.memory_space<vmem>>, vector<16xi32>,
        %swap3A_356 = vector.shape_cast %swap3A_355 : vector<16xi32> to vector<16xi32>
        %swap3A_357 = vector.shape_cast %and3A_353 : vector<16xi32> to vector<16xi32>
        tpu.vector_store %arg7[%swap3A_354], %swap3A_357 {strides = array<i32>} : memref<128xi32, #tpu.memory_space<vmem>>, vector<16xi32>,
        %shift_right_arithmetic3A_358 = arith.constant 14 : i32
        %shift_right_arithmetic3A_359 = vector.broadcast %shift_right_arithmetic3A_358 : i32 to vector<16xi32>
        %shift_right_arithmetic3A_360 = arith.shrsi %get3A_350, %shift_right_arithmetic3A_359 : vector<16xi32>
        %swap3A_361 = arith.constant 0 : index
        %swap3A_362 = tpu.vector_load %arg9[%swap3A_361] {strides = array<i32>} : memref<128xi32, #tpu.memory_space<vmem>>, vector<16xi32>,
        %swap3A_363 = vector.shape_cast %swap3A_362 : vector<16xi32> to vector<16xi32>
        %swap3A_364 = vector.shape_cast %shift_right_arithmetic3A_360 : vector<16xi32> to vector<16xi32>
        tpu.vector_store %arg9[%swap3A_361], %swap3A_364 {strides = array<i32>} : memref<128xi32, #tpu.memory_space<vmem>>, vector<16xi32>,
        %mul3A_365 = arith.constant 128 : i32
        %mul3A_366 = arith.muli %add3A_343, %mul3A_365 : i32
        %add3A_367 = arith.constant 16 : i32
        %add3A_368 = arith.addi %mul3A_366, %add3A_367 : i32
        %get3A_369 = arith.index_cast %add3A_368 : i32 to index
        %get3A_370 = tpu.vector_load %arg6[%get3A_369] {strides = array<i32>} : memref<10112xi32, #tpu.memory_space<vmem>>, vector<16xi32>,
        %get3A_371 = vector.shape_cast %get3A_370 : vector<16xi32> to vector<16xi32>
        %and3A_372 = arith.constant 16383 : i32
        %and3A_373 = vector.broadcast %and3A_372 : i32 to vector<16xi32>
        %and3A_374 = arith.andi %get3A_371, %and3A_373 : vector<16xi32>
        %swap3A_375 = arith.constant 16 : index
        %swap3A_376 = tpu.vector_load %arg7[%swap3A_375] {strides = array<i32>} : memref<128xi32, #tpu.memory_space<vmem>>, vector<16xi32>,
        %swap3A_377 = vector.shape_cast %swap3A_376 : vector<16xi32> to vector<16xi32>
        %swap3A_378 = vector.shape_cast %and3A_374 : vector<16xi32> to vector<16xi32>
        tpu.vector_store %arg7[%swap3A_375], %swap3A_378 {strides = array<i32>} : memref<128xi32, #tpu.memory_space<vmem>>, vector<16xi32>,
        %shift_right_arithmetic3A_379 = arith.constant 14 : i32
        %shift_right_arithmetic3A_380 = vector.broadcast %shift_right_arithmetic3A_379 : i32 to vector<16xi32>
        %shift_right_arithmetic3A_381 = arith.shrsi %get3A_371, %shift_right_arithmetic3A_380 : vector<16xi32>
        %swap3A_382 = arith.constant 16 : index
        %swap3A_383 = tpu.vector_load %arg9[%swap3A_382] {strides = array<i32>} : memref<128xi32, #tpu.memory_space<vmem>>, vector<16xi32>,
        %swap3A_384 = vector.shape_cast %swap3A_383 : vector<16xi32> to vector<16xi32>
        %swap3A_385 = vector.shape_cast %shift_right_arithmetic3A_381 : vector<16xi32> to vector<16xi32>
        tpu.vector_store %arg9[%swap3A_382], %swap3A_385 {strides = array<i32>} : memref<128xi32, #tpu.memory_space<vmem>>, vector<16xi32>,
        %mul3A_386 = arith.constant 128 : i32
        %mul3A_387 = arith.muli %add3A_343, %mul3A_386 : i32
        %add3A_388 = arith.constant 32 : i32
        %add3A_389 = arith.addi %mul3A_387, %add3A_388 : i32
        %get3A_390 = arith.index_cast %add3A_389 : i32 to index
        %get3A_391 = tpu.vector_load %arg6[%get3A_390] {strides = array<i32>} : memref<10112xi32, #tpu.memory_space<vmem>>, vector<16xi32>,
        %get3A_392 = vector.shape_cast %get3A_391 : vector<16xi32> to vector<16xi32>
        %and3A_393 = arith.constant 16383 : i32
        %and3A_394 = vector.broadcast %and3A_393 : i32 to vector<16xi32>
        %and3A_395 = arith.andi %get3A_392, %and3A_394 : vector<16xi32>
        %swap3A_396 = arith.constant 32 : index
        %swap3A_397 = tpu.vector_load %arg7[%swap3A_396] {strides = array<i32>} : memref<128xi32, #tpu.memory_space<vmem>>, vector<16xi32>,
        %swap3A_398 = vector.shape_cast %swap3A_397 : vector<16xi32> to vector<16xi32>
        %swap3A_399 = vector.shape_cast %and3A_395 : vector<16xi32> to vector<16xi32>
        tpu.vector_store %arg7[%swap3A_396], %swap3A_399 {strides = array<i32>} : memref<128xi32, #tpu.memory_space<vmem>>, vector<16xi32>,
        %shift_right_arithmetic3A_400 = arith.constant 14 : i32
        %shift_right_arithmetic3A_401 = vector.broadcast %shift_right_arithmetic3A_400 : i32 to vector<16xi32>
        %shift_right_arithmetic3A_402 = arith.shrsi %get3A_392, %shift_right_arithmetic3A_401 : vector<16xi32>
        %swap3A_403 = arith.constant 32 : index
        %swap3A_404 = tpu.vector_load %arg9[%swap3A_403] {strides = array<i32>} : memref<128xi32, #tpu.memory_space<vmem>>, vector<16xi32>,
        %swap3A_405 = vector.shape_cast %swap3A_404 : vector<16xi32> to vector<16xi32>
        %swap3A_406 = vector.shape_cast %shift_right_arithmetic3A_402 : vector<16xi32> to vector<16xi32>
        tpu.vector_store %arg9[%swap3A_403], %swap3A_406 {strides = array<i32>} : memref<128xi32, #tpu.memory_space<vmem>>, vector<16xi32>,
        %mul3A_407 = arith.constant 128 : i32
        %mul3A_408 = arith.muli %add3A_343, %mul3A_407 : i32
        %add3A_409 = arith.constant 48 : i32
        %add3A_410 = arith.addi %mul3A_408, %add3A_409 : i32
        %get3A_411 = arith.index_cast %add3A_410 : i32 to index
        %get3A_412 = tpu.vector_load %arg6[%get3A_411] {strides = array<i32>} : memref<10112xi32, #tpu.memory_space<vmem>>, vector<16xi32>,
        %get3A_413 = vector.shape_cast %get3A_412 : vector<16xi32> to vector<16xi32>
        %and3A_414 = arith.constant 16383 : i32
        %and3A_415 = vector.broadcast %and3A_414 : i32 to vector<16xi32>
        %and3A_416 = arith.andi %get3A_413, %and3A_415 : vector<16xi32>
        %swap3A_417 = arith.constant 48 : index
        %swap3A_418 = tpu.vector_load %arg7[%swap3A_417] {strides = array<i32>} : memref<128xi32, #tpu.memory_space<vmem>>, vector<16xi32>,
        %swap3A_419 = vector.shape_cast %swap3A_418 : vector<16xi32> to vector<16xi32>
        %swap3A_420 = vector.shape_cast %and3A_416 : vector<16xi32> to vector<16xi32>
        tpu.vector_store %arg7[%swap3A_417], %swap3A_420 {strides = array<i32>} : memref<128xi32, #tpu.memory_space<vmem>>, vector<16xi32>,
        %shift_right_arithmetic3A_421 = arith.constant 14 : i32
        %shift_right_arithmetic3A_422 = vector.broadcast %shift_right_arithmetic3A_421 : i32 to vector<16xi32>
        %shift_right_arithmetic3A_423 = arith.shrsi %get3A_413, %shift_right_arithmetic3A_422 : vector<16xi32>
        %swap3A_424 = arith.constant 48 : index
        %swap3A_425 = tpu.vector_load %arg9[%swap3A_424] {strides = array<i32>} : memref<128xi32, #tpu.memory_space<vmem>>, vector<16xi32>,
        %swap3A_426 = vector.shape_cast %swap3A_425 : vector<16xi32> to vector<16xi32>
        %swap3A_427 = vector.shape_cast %shift_right_arithmetic3A_423 : vector<16xi32> to vector<16xi32>
        tpu.vector_store %arg9[%swap3A_424], %swap3A_427 {strides = array<i32>} : memref<128xi32, #tpu.memory_space<vmem>>, vector<16xi32>,
        %mul3A_428 = arith.constant 128 : i32
        %mul3A_429 = arith.muli %add3A_343, %mul3A_428 : i32
        %add3A_430 = arith.constant 64 : i32
        %add3A_431 = arith.addi %mul3A_429, %add3A_430 : i32
        %get3A_432 = arith.index_cast %add3A_431 : i32 to index
        %get3A_433 = tpu.vector_load %arg6[%get3A_432] {strides = array<i32>} : memref<10112xi32, #tpu.memory_space<vmem>>, vector<16xi32>,
        %get3A_434 = vector.shape_cast %get3A_433 : vector<16xi32> to vector<16xi32>
        %and3A_435 = arith.constant 16383 : i32
        %and3A_436 = vector.broadcast %and3A_435 : i32 to vector<16xi32>
        %and3A_437 = arith.andi %get3A_434, %and3A_436 : vector<16xi32>
        %swap3A_438 = arith.constant 64 : index
        %swap3A_439 = tpu.vector_load %arg7[%swap3A_438] {strides = array<i32>} : memref<128xi32, #tpu.memory_space<vmem>>, vector<16xi32>,
        %swap3A_440 = vector.shape_cast %swap3A_439 : vector<16xi32> to vector<16xi32>
        %swap3A_441 = vector.shape_cast %and3A_437 : vector<16xi32> to vector<16xi32>
        tpu.vector_store %arg7[%swap3A_438], %swap3A_441 {strides = array<i32>} : memref<128xi32, #tpu.memory_space<vmem>>, vector<16xi32>,
        %shift_right_arithmetic3A_442 = arith.constant 14 : i32
        %shift_right_arithmetic3A_443 = vector.broadcast %shift_right_arithmetic3A_442 : i32 to vector<16xi32>
        %shift_right_arithmetic3A_444 = arith.shrsi %get3A_434, %shift_right_arithmetic3A_443 : vector<16xi32>
        %swap3A_445 = arith.constant 64 : index
        %swap3A_446 = tpu.vector_load %arg9[%swap3A_445] {strides = array<i32>} : memref<128xi32, #tpu.memory_space<vmem>>, vector<16xi32>,
        %swap3A_447 = vector.shape_cast %swap3A_446 : vector<16xi32> to vector<16xi32>
        %swap3A_448 = vector.shape_cast %shift_right_arithmetic3A_444 : vector<16xi32> to vector<16xi32>
        tpu.vector_store %arg9[%swap3A_445], %swap3A_448 {strides = array<i32>} : memref<128xi32, #tpu.memory_space<vmem>>, vector<16xi32>,
        %mul3A_449 = arith.constant 128 : i32
        %mul3A_450 = arith.muli %add3A_343, %mul3A_449 : i32
        %add3A_451 = arith.constant 80 : i32
        %add3A_452 = arith.addi %mul3A_450, %add3A_451 : i32
        %get3A_453 = arith.index_cast %add3A_452 : i32 to index
        %get3A_454 = tpu.vector_load %arg6[%get3A_453] {strides = array<i32>} : memref<10112xi32, #tpu.memory_space<vmem>>, vector<16xi32>,
        %get3A_455 = vector.shape_cast %get3A_454 : vector<16xi32> to vector<16xi32>
        %and3A_456 = arith.constant 16383 : i32
        %and3A_457 = vector.broadcast %and3A_456 : i32 to vector<16xi32>
        %and3A_458 = arith.andi %get3A_455, %and3A_457 : vector<16xi32>
        %swap3A_459 = arith.constant 80 : index
        %swap3A_460 = tpu.vector_load %arg7[%swap3A_459] {strides = array<i32>} : memref<128xi32, #tpu.memory_space<vmem>>, vector<16xi32>,
        %swap3A_461 = vector.shape_cast %swap3A_460 : vector<16xi32> to vector<16xi32>
        %swap3A_462 = vector.shape_cast %and3A_458 : vector<16xi32> to vector<16xi32>
        tpu.vector_store %arg7[%swap3A_459], %swap3A_462 {strides = array<i32>} : memref<128xi32, #tpu.memory_space<vmem>>, vector<16xi32>,
        %shift_right_arithmetic3A_463 = arith.constant 14 : i32
        %shift_right_arithmetic3A_464 = vector.broadcast %shift_right_arithmetic3A_463 : i32 to vector<16xi32>
        %shift_right_arithmetic3A_465 = arith.shrsi %get3A_455, %shift_right_arithmetic3A_464 : vector<16xi32>
        %swap3A_466 = arith.constant 80 : index
        %swap3A_467 = tpu.vector_load %arg9[%swap3A_466] {strides = array<i32>} : memref<128xi32, #tpu.memory_space<vmem>>, vector<16xi32>,
        %swap3A_468 = vector.shape_cast %swap3A_467 : vector<16xi32> to vector<16xi32>
        %swap3A_469 = vector.shape_cast %shift_right_arithmetic3A_465 : vector<16xi32> to vector<16xi32>
        tpu.vector_store %arg9[%swap3A_466], %swap3A_469 {strides = array<i32>} : memref<128xi32, #tpu.memory_space<vmem>>, vector<16xi32>,
        %mul3A_470 = arith.constant 128 : i32
        %mul3A_471 = arith.muli %add3A_343, %mul3A_470 : i32
        %add3A_472 = arith.constant 96 : i32
        %add3A_473 = arith.addi %mul3A_471, %add3A_472 : i32
        %get3A_474 = arith.index_cast %add3A_473 : i32 to index
        %get3A_475 = tpu.vector_load %arg6[%get3A_474] {strides = array<i32>} : memref<10112xi32, #tpu.memory_space<vmem>>, vector<16xi32>,
        %get3A_476 = vector.shape_cast %get3A_475 : vector<16xi32> to vector<16xi32>
        %and3A_477 = arith.constant 16383 : i32
        %and3A_478 = vector.broadcast %and3A_477 : i32 to vector<16xi32>
        %and3A_479 = arith.andi %get3A_476, %and3A_478 : vector<16xi32>
        %swap3A_480 = arith.constant 96 : index
        %swap3A_481 = tpu.vector_load %arg7[%swap3A_480] {strides = array<i32>} : memref<128xi32, #tpu.memory_space<vmem>>, vector<16xi32>,
        %swap3A_482 = vector.shape_cast %swap3A_481 : vector<16xi32> to vector<16xi32>
        %swap3A_483 = vector.shape_cast %and3A_479 : vector<16xi32> to vector<16xi32>
        tpu.vector_store %arg7[%swap3A_480], %swap3A_483 {strides = array<i32>} : memref<128xi32, #tpu.memory_space<vmem>>, vector<16xi32>,
        %shift_right_arithmetic3A_484 = arith.constant 14 : i32
        %shift_right_arithmetic3A_485 = vector.broadcast %shift_right_arithmetic3A_484 : i32 to vector<16xi32>
        %shift_right_arithmetic3A_486 = arith.shrsi %get3A_476, %shift_right_arithmetic3A_485 : vector<16xi32>
        %swap3A_487 = arith.constant 96 : index
        %swap3A_488 = tpu.vector_load %arg9[%swap3A_487] {strides = array<i32>} : memref<128xi32, #tpu.memory_space<vmem>>, vector<16xi32>,
        %swap3A_489 = vector.shape_cast %swap3A_488 : vector<16xi32> to vector<16xi32>
        %swap3A_490 = vector.shape_cast %shift_right_arithmetic3A_486 : vector<16xi32> to vector<16xi32>
        tpu.vector_store %arg9[%swap3A_487], %swap3A_490 {strides = array<i32>} : memref<128xi32, #tpu.memory_space<vmem>>, vector<16xi32>,
        %mul3A_491 = arith.constant 128 : i32
        %mul3A_492 = arith.muli %add3A_343, %mul3A_491 : i32
        %add3A_493 = arith.constant 112 : i32
        %add3A_494 = arith.addi %mul3A_492, %add3A_493 : i32
        %get3A_495 = arith.index_cast %add3A_494 : i32 to index
        %get3A_496 = tpu.vector_load %arg6[%get3A_495] {strides = array<i32>} : memref<10112xi32, #tpu.memory_space<vmem>>, vector<16xi32>,
        %get3A_497 = vector.shape_cast %get3A_496 : vector<16xi32> to vector<16xi32>
        %and3A_498 = arith.constant 16383 : i32
        %and3A_499 = vector.broadcast %and3A_498 : i32 to vector<16xi32>
        %and3A_500 = arith.andi %get3A_497, %and3A_499 : vector<16xi32>
        %swap3A_501 = arith.constant 112 : index
        %swap3A_502 = tpu.vector_load %arg7[%swap3A_501] {strides = array<i32>} : memref<128xi32, #tpu.memory_space<vmem>>, vector<16xi32>,
        %swap3A_503 = vector.shape_cast %swap3A_502 : vector<16xi32> to vector<16xi32>
        %swap3A_504 = vector.shape_cast %and3A_500 : vector<16xi32> to vector<16xi32>
        tpu.vector_store %arg7[%swap3A_501], %swap3A_504 {strides = array<i32>} : memref<128xi32, #tpu.memory_space<vmem>>, vector<16xi32>,
        %shift_right_arithmetic3A_505 = arith.constant 14 : i32
        %shift_right_arithmetic3A_506 = vector.broadcast %shift_right_arithmetic3A_505 : i32 to vector<16xi32>
        %shift_right_arithmetic3A_507 = arith.shrsi %get3A_497, %shift_right_arithmetic3A_506 : vector<16xi32>
        %swap3A_508 = arith.constant 112 : index
        %swap3A_509 = tpu.vector_load %arg9[%swap3A_508] {strides = array<i32>} : memref<128xi32, #tpu.memory_space<vmem>>, vector<16xi32>,
        %swap3A_510 = vector.shape_cast %swap3A_509 : vector<16xi32> to vector<16xi32>
        %swap3A_511 = vector.shape_cast %shift_right_arithmetic3A_507 : vector<16xi32> to vector<16xi32>
        tpu.vector_store %arg9[%swap3A_508], %swap3A_511 {strides = array<i32>} : memref<128xi32, #tpu.memory_space<vmem>>, vector<16xi32>,
        %add3A_512 = arith.constant 2 : i32
        %add3A_513 = arith.addi %mul3A_296, %add3A_512 : i32
        %dma_start3A_514 = arith.constant 0 : i32
        %dma_start3A_515 = arith.constant 0 : i32
        %dma_start3A_516 = tpu.memref_slice %arg2[%dma_start3A_514, %dma_start3A_515] : memref<10112x128xf32, #tpu.memory_space<hbm>> -> memref<10112x128xf32, #tpu.memory_space<hbm>>
        tpu.enqueue_indirect_dma source(%dma_start3A_516 : memref<10112x128xf32, #tpu.memory_space<hbm>>) target(%arg11 : memref<128x128xf32, #tpu.memory_space<vmem>>) offsets(%arg7 : memref<128xi32, #tpu.memory_space<vmem>>) semaphore(%arg14 : memref<!tpu.dma_semaphore, #tpu.memory_space<semaphore_mem>>)
      } else {
      }
      %dma_wait3A_318 = arith.constant 0 : i32
      %dma_wait3A_319 = arith.constant 0 : i32
      %dma_wait3A_320 = tpu.memref_slice %arg2[%dma_wait3A_318, %dma_wait3A_319] : memref<10112x128xf32, #tpu.memory_space<hbm>> -> memref<128x128xf32, #tpu.memory_space<hbm>>
      %dma_wait3A_321 = arith.constant 0 : i32
      %dma_wait3A_322 = arith.constant 0 : i32
      %dma_wait3A_323 = tpu.memref_slice %arg2[%dma_wait3A_321, %dma_wait3A_322] : memref<10112x128xf32, #tpu.memory_space<hbm>> -> memref<128x128xf32, #tpu.memory_space<hbm>>
      tpu.wait_dma2 semaphore(%arg15 : memref<!tpu.dma_semaphore, #tpu.memory_space<semaphore_mem>>) src(%dma_wait3A_323 : memref<128x128xf32, #tpu.memory_space<hbm>>) dst(%arg12 : memref<128x128xf32, #tpu.memory_space<vmem>>)
      %add3A_324 = arith.constant 1 : i32
      %add3A_325 = arith.addi %mul3A_296, %add3A_324 : i32
      %dma_start3A_326 = arith.constant 0 : i32
      %dma_start3A_327 = arith.constant 0 : i32
      %dma_start3A_328 = tpu.memref_slice %arg13[%dma_start3A_326, %dma_start3A_327] : memref<10112x128xf32, #tpu.memory_space<vmem_shared>> -> memref<10112x128xf32, #tpu.memory_space<vmem_shared>>
      tpu.enqueue_indirect_dma source(%arg12 : memref<128x128xf32, #tpu.memory_space<vmem>>) target(%dma_start3A_328 : memref<10112x128xf32, #tpu.memory_space<vmem_shared>>) offsets(%arg10 : memref<128xi32, #tpu.memory_space<vmem>>) semaphore(%arg17 : memref<!tpu.dma_semaphore, #tpu.memory_space<semaphore_mem>>) {add = true}
      %dma_wait3A_329 = arith.constant 0 : i32
      %dma_wait3A_330 = arith.constant 0 : i32
      %dma_wait3A_331 = tpu.memref_slice %arg13[%dma_wait3A_329, %dma_wait3A_330] : memref<10112x128xf32, #tpu.memory_space<vmem_shared>> -> memref<128x128xf32, #tpu.memory_space<vmem_shared>>
      %dma_wait3A_332 = arith.constant 0 : i32
      %dma_wait3A_333 = arith.constant 0 : i32
      %dma_wait3A_334 = tpu.memref_slice %arg13[%dma_wait3A_332, %dma_wait3A_333] : memref<10112x128xf32, #tpu.memory_space<vmem_shared>> -> memref<128x128xf32, #tpu.memory_space<vmem_shared>>
      tpu.wait_dma2 semaphore(%arg17 : memref<!tpu.dma_semaphore, #tpu.memory_space<semaphore_mem>>) src(%arg12 : memref<128x128xf32, #tpu.memory_space<vmem>>) dst(%dma_wait3A_334 : memref<128x128xf32, #tpu.memory_space<vmem_shared>>)
      %add3A_335 = arith.constant 3 : i32
      %add3A_336 = arith.addi %mul3A_296, %add3A_335 : i32
      %lt3A_337 = arith.constant 78 : i32
      %lt3A_338 = arith.cmpi slt, %add3A_336, %lt3A_337 : i32
      %convert_element_type3A_339 = arith.extui %lt3A_338 : i1 to i32
      %cond3A_340 = arith.constant 0 : i32
      %cond3A_341 = arith.cmpi ne, %convert_element_type3A_339, %cond3A_340 : i32
      scf.if %cond3A_341 {
        %add3A_342 = arith.constant 3 : i32
        %add3A_343 = arith.addi %mul3A_296, %add3A_342 : i32
        %mul3A_344 = arith.constant 128 : i32
        %mul3A_345 = arith.muli %add3A_343, %mul3A_344 : i32
        %add3A_346 = arith.constant 0 : i32
        %add3A_347 = arith.addi %mul3A_345, %add3A_346 : i32
        %get3A_348 = arith.index_cast %add3A_347 : i32 to index
        %get3A_349 = tpu.vector_load %arg6[%get3A_348] {strides = array<i32>} : memref<10112xi32, #tpu.memory_space<vmem>>, vector<16xi32>,
        %get3A_350 = vector.shape_cast %get3A_349 : vector<16xi32> to vector<16xi32>
        %and3A_351 = arith.constant 16383 : i32
        %and3A_352 = vector.broadcast %and3A_351 : i32 to vector<16xi32>
        %and3A_353 = arith.andi %get3A_350, %and3A_352 : vector<16xi32>
        %swap3A_354 = arith.constant 0 : index
        %swap3A_355 = tpu.vector_load %arg8[%swap3A_354] {strides = array<i32>} : memref<128xi32, #tpu.memory_space<vmem>>, vector<16xi32>,
        %swap3A_356 = vector.shape_cast %swap3A_355 : vector<16xi32> to vector<16xi32>
        %swap3A_357 = vector.shape_cast %and3A_353 : vector<16xi32> to vector<16xi32>
        tpu.vector_store %arg8[%swap3A_354], %swap3A_357 {strides = array<i32>} : memref<128xi32, #tpu.memory_space<vmem>>, vector<16xi32>,
        %shift_right_arithmetic3A_358 = arith.constant 14 : i32
        %shift_right_arithmetic3A_359 = vector.broadcast %shift_right_arithmetic3A_358 : i32 to vector<16xi32>
        %shift_right_arithmetic3A_360 = arith.shrsi %get3A_350, %shift_right_arithmetic3A_359 : vector<16xi32>
        %swap3A_361 = arith.constant 0 : index
        %swap3A_362 = tpu.vector_load %arg10[%swap3A_361] {strides = array<i32>} : memref<128xi32, #tpu.memory_space<vmem>>, vector<16xi32>,
        %swap3A_363 = vector.shape_cast %swap3A_362 : vector<16xi32> to vector<16xi32>
        %swap3A_364 = vector.shape_cast %shift_right_arithmetic3A_360 : vector<16xi32> to vector<16xi32>
        tpu.vector_store %arg10[%swap3A_361], %swap3A_364 {strides = array<i32>} : memref<128xi32, #tpu.memory_space<vmem>>, vector<16xi32>,
        %mul3A_365 = arith.constant 128 : i32
        %mul3A_366 = arith.muli %add3A_343, %mul3A_365 : i32
        %add3A_367 = arith.constant 16 : i32
        %add3A_368 = arith.addi %mul3A_366, %add3A_367 : i32
        %get3A_369 = arith.index_cast %add3A_368 : i32 to index
        %get3A_370 = tpu.vector_load %arg6[%get3A_369] {strides = array<i32>} : memref<10112xi32, #tpu.memory_space<vmem>>, vector<16xi32>,
        %get3A_371 = vector.shape_cast %get3A_370 : vector<16xi32> to vector<16xi32>
        %and3A_372 = arith.constant 16383 : i32
        %and3A_373 = vector.broadcast %and3A_372 : i32 to vector<16xi32>
        %and3A_374 = arith.andi %get3A_371, %and3A_373 : vector<16xi32>
        %swap3A_375 = arith.constant 16 : index
        %swap3A_376 = tpu.vector_load %arg8[%swap3A_375] {strides = array<i32>} : memref<128xi32, #tpu.memory_space<vmem>>, vector<16xi32>,
        %swap3A_377 = vector.shape_cast %swap3A_376 : vector<16xi32> to vector<16xi32>
        %swap3A_378 = vector.shape_cast %and3A_374 : vector<16xi32> to vector<16xi32>
        tpu.vector_store %arg8[%swap3A_375], %swap3A_378 {strides = array<i32>} : memref<128xi32, #tpu.memory_space<vmem>>, vector<16xi32>,
        %shift_right_arithmetic3A_379 = arith.constant 14 : i32
        %shift_right_arithmetic3A_380 = vector.broadcast %shift_right_arithmetic3A_379 : i32 to vector<16xi32>
        %shift_right_arithmetic3A_381 = arith.shrsi %get3A_371, %shift_right_arithmetic3A_380 : vector<16xi32>
        %swap3A_382 = arith.constant 16 : index
        %swap3A_383 = tpu.vector_load %arg10[%swap3A_382] {strides = array<i32>} : memref<128xi32, #tpu.memory_space<vmem>>, vector<16xi32>,
        %swap3A_384 = vector.shape_cast %swap3A_383 : vector<16xi32> to vector<16xi32>
        %swap3A_385 = vector.shape_cast %shift_right_arithmetic3A_381 : vector<16xi32> to vector<16xi32>
        tpu.vector_store %arg10[%swap3A_382], %swap3A_385 {strides = array<i32>} : memref<128xi32, #tpu.memory_space<vmem>>, vector<16xi32>,
        %mul3A_386 = arith.constant 128 : i32
        %mul3A_387 = arith.muli %add3A_343, %mul3A_386 : i32
        %add3A_388 = arith.constant 32 : i32
        %add3A_389 = arith.addi %mul3A_387, %add3A_388 : i32
        %get3A_390 = arith.index_cast %add3A_389 : i32 to index
        %get3A_391 = tpu.vector_load %arg6[%get3A_390] {strides = array<i32>} : memref<10112xi32, #tpu.memory_space<vmem>>, vector<16xi32>,
        %get3A_392 = vector.shape_cast %get3A_391 : vector<16xi32> to vector<16xi32>
        %and3A_393 = arith.constant 16383 : i32
        %and3A_394 = vector.broadcast %and3A_393 : i32 to vector<16xi32>
        %and3A_395 = arith.andi %get3A_392, %and3A_394 : vector<16xi32>
        %swap3A_396 = arith.constant 32 : index
        %swap3A_397 = tpu.vector_load %arg8[%swap3A_396] {strides = array<i32>} : memref<128xi32, #tpu.memory_space<vmem>>, vector<16xi32>,
        %swap3A_398 = vector.shape_cast %swap3A_397 : vector<16xi32> to vector<16xi32>
        %swap3A_399 = vector.shape_cast %and3A_395 : vector<16xi32> to vector<16xi32>
        tpu.vector_store %arg8[%swap3A_396], %swap3A_399 {strides = array<i32>} : memref<128xi32, #tpu.memory_space<vmem>>, vector<16xi32>,
        %shift_right_arithmetic3A_400 = arith.constant 14 : i32
        %shift_right_arithmetic3A_401 = vector.broadcast %shift_right_arithmetic3A_400 : i32 to vector<16xi32>
        %shift_right_arithmetic3A_402 = arith.shrsi %get3A_392, %shift_right_arithmetic3A_401 : vector<16xi32>
        %swap3A_403 = arith.constant 32 : index
        %swap3A_404 = tpu.vector_load %arg10[%swap3A_403] {strides = array<i32>} : memref<128xi32, #tpu.memory_space<vmem>>, vector<16xi32>,
        %swap3A_405 = vector.shape_cast %swap3A_404 : vector<16xi32> to vector<16xi32>
        %swap3A_406 = vector.shape_cast %shift_right_arithmetic3A_402 : vector<16xi32> to vector<16xi32>
        tpu.vector_store %arg10[%swap3A_403], %swap3A_406 {strides = array<i32>} : memref<128xi32, #tpu.memory_space<vmem>>, vector<16xi32>,
        %mul3A_407 = arith.constant 128 : i32
        %mul3A_408 = arith.muli %add3A_343, %mul3A_407 : i32
        %add3A_409 = arith.constant 48 : i32
        %add3A_410 = arith.addi %mul3A_408, %add3A_409 : i32
        %get3A_411 = arith.index_cast %add3A_410 : i32 to index
        %get3A_412 = tpu.vector_load %arg6[%get3A_411] {strides = array<i32>} : memref<10112xi32, #tpu.memory_space<vmem>>, vector<16xi32>,
        %get3A_413 = vector.shape_cast %get3A_412 : vector<16xi32> to vector<16xi32>
        %and3A_414 = arith.constant 16383 : i32
        %and3A_415 = vector.broadcast %and3A_414 : i32 to vector<16xi32>
        %and3A_416 = arith.andi %get3A_413, %and3A_415 : vector<16xi32>
        %swap3A_417 = arith.constant 48 : index
        %swap3A_418 = tpu.vector_load %arg8[%swap3A_417] {strides = array<i32>} : memref<128xi32, #tpu.memory_space<vmem>>, vector<16xi32>,
        %swap3A_419 = vector.shape_cast %swap3A_418 : vector<16xi32> to vector<16xi32>
        %swap3A_420 = vector.shape_cast %and3A_416 : vector<16xi32> to vector<16xi32>
        tpu.vector_store %arg8[%swap3A_417], %swap3A_420 {strides = array<i32>} : memref<128xi32, #tpu.memory_space<vmem>>, vector<16xi32>,
        %shift_right_arithmetic3A_421 = arith.constant 14 : i32
        %shift_right_arithmetic3A_422 = vector.broadcast %shift_right_arithmetic3A_421 : i32 to vector<16xi32>
        %shift_right_arithmetic3A_423 = arith.shrsi %get3A_413, %shift_right_arithmetic3A_422 : vector<16xi32>
        %swap3A_424 = arith.constant 48 : index
        %swap3A_425 = tpu.vector_load %arg10[%swap3A_424] {strides = array<i32>} : memref<128xi32, #tpu.memory_space<vmem>>, vector<16xi32>,
        %swap3A_426 = vector.shape_cast %swap3A_425 : vector<16xi32> to vector<16xi32>
        %swap3A_427 = vector.shape_cast %shift_right_arithmetic3A_423 : vector<16xi32> to vector<16xi32>
        tpu.vector_store %arg10[%swap3A_424], %swap3A_427 {strides = array<i32>} : memref<128xi32, #tpu.memory_space<vmem>>, vector<16xi32>,
        %mul3A_428 = arith.constant 128 : i32
        %mul3A_429 = arith.muli %add3A_343, %mul3A_428 : i32
        %add3A_430 = arith.constant 64 : i32
        %add3A_431 = arith.addi %mul3A_429, %add3A_430 : i32
        %get3A_432 = arith.index_cast %add3A_431 : i32 to index
        %get3A_433 = tpu.vector_load %arg6[%get3A_432] {strides = array<i32>} : memref<10112xi32, #tpu.memory_space<vmem>>, vector<16xi32>,
        %get3A_434 = vector.shape_cast %get3A_433 : vector<16xi32> to vector<16xi32>
        %and3A_435 = arith.constant 16383 : i32
        %and3A_436 = vector.broadcast %and3A_435 : i32 to vector<16xi32>
        %and3A_437 = arith.andi %get3A_434, %and3A_436 : vector<16xi32>
        %swap3A_438 = arith.constant 64 : index
        %swap3A_439 = tpu.vector_load %arg8[%swap3A_438] {strides = array<i32>} : memref<128xi32, #tpu.memory_space<vmem>>, vector<16xi32>,
        %swap3A_440 = vector.shape_cast %swap3A_439 : vector<16xi32> to vector<16xi32>
        %swap3A_441 = vector.shape_cast %and3A_437 : vector<16xi32> to vector<16xi32>
        tpu.vector_store %arg8[%swap3A_438], %swap3A_441 {strides = array<i32>} : memref<128xi32, #tpu.memory_space<vmem>>, vector<16xi32>,
        %shift_right_arithmetic3A_442 = arith.constant 14 : i32
        %shift_right_arithmetic3A_443 = vector.broadcast %shift_right_arithmetic3A_442 : i32 to vector<16xi32>
        %shift_right_arithmetic3A_444 = arith.shrsi %get3A_434, %shift_right_arithmetic3A_443 : vector<16xi32>
        %swap3A_445 = arith.constant 64 : index
        %swap3A_446 = tpu.vector_load %arg10[%swap3A_445] {strides = array<i32>} : memref<128xi32, #tpu.memory_space<vmem>>, vector<16xi32>,
        %swap3A_447 = vector.shape_cast %swap3A_446 : vector<16xi32> to vector<16xi32>
        %swap3A_448 = vector.shape_cast %shift_right_arithmetic3A_444 : vector<16xi32> to vector<16xi32>
        tpu.vector_store %arg10[%swap3A_445], %swap3A_448 {strides = array<i32>} : memref<128xi32, #tpu.memory_space<vmem>>, vector<16xi32>,
        %mul3A_449 = arith.constant 128 : i32
        %mul3A_450 = arith.muli %add3A_343, %mul3A_449 : i32
        %add3A_451 = arith.constant 80 : i32
        %add3A_452 = arith.addi %mul3A_450, %add3A_451 : i32
        %get3A_453 = arith.index_cast %add3A_452 : i32 to index
        %get3A_454 = tpu.vector_load %arg6[%get3A_453] {strides = array<i32>} : memref<10112xi32, #tpu.memory_space<vmem>>, vector<16xi32>,
        %get3A_455 = vector.shape_cast %get3A_454 : vector<16xi32> to vector<16xi32>
        %and3A_456 = arith.constant 16383 : i32
        %and3A_457 = vector.broadcast %and3A_456 : i32 to vector<16xi32>
        %and3A_458 = arith.andi %get3A_455, %and3A_457 : vector<16xi32>
        %swap3A_459 = arith.constant 80 : index
        %swap3A_460 = tpu.vector_load %arg8[%swap3A_459] {strides = array<i32>} : memref<128xi32, #tpu.memory_space<vmem>>, vector<16xi32>,
        %swap3A_461 = vector.shape_cast %swap3A_460 : vector<16xi32> to vector<16xi32>
        %swap3A_462 = vector.shape_cast %and3A_458 : vector<16xi32> to vector<16xi32>
        tpu.vector_store %arg8[%swap3A_459], %swap3A_462 {strides = array<i32>} : memref<128xi32, #tpu.memory_space<vmem>>, vector<16xi32>,
        %shift_right_arithmetic3A_463 = arith.constant 14 : i32
        %shift_right_arithmetic3A_464 = vector.broadcast %shift_right_arithmetic3A_463 : i32 to vector<16xi32>
        %shift_right_arithmetic3A_465 = arith.shrsi %get3A_455, %shift_right_arithmetic3A_464 : vector<16xi32>
        %swap3A_466 = arith.constant 80 : index
        %swap3A_467 = tpu.vector_load %arg10[%swap3A_466] {strides = array<i32>} : memref<128xi32, #tpu.memory_space<vmem>>, vector<16xi32>,
        %swap3A_468 = vector.shape_cast %swap3A_467 : vector<16xi32> to vector<16xi32>
        %swap3A_469 = vector.shape_cast %shift_right_arithmetic3A_465 : vector<16xi32> to vector<16xi32>
        tpu.vector_store %arg10[%swap3A_466], %swap3A_469 {strides = array<i32>} : memref<128xi32, #tpu.memory_space<vmem>>, vector<16xi32>,
        %mul3A_470 = arith.constant 128 : i32
        %mul3A_471 = arith.muli %add3A_343, %mul3A_470 : i32
        %add3A_472 = arith.constant 96 : i32
        %add3A_473 = arith.addi %mul3A_471, %add3A_472 : i32
        %get3A_474 = arith.index_cast %add3A_473 : i32 to index
        %get3A_475 = tpu.vector_load %arg6[%get3A_474] {strides = array<i32>} : memref<10112xi32, #tpu.memory_space<vmem>>, vector<16xi32>,
        %get3A_476 = vector.shape_cast %get3A_475 : vector<16xi32> to vector<16xi32>
        %and3A_477 = arith.constant 16383 : i32
        %and3A_478 = vector.broadcast %and3A_477 : i32 to vector<16xi32>
        %and3A_479 = arith.andi %get3A_476, %and3A_478 : vector<16xi32>
        %swap3A_480 = arith.constant 96 : index
        %swap3A_481 = tpu.vector_load %arg8[%swap3A_480] {strides = array<i32>} : memref<128xi32, #tpu.memory_space<vmem>>, vector<16xi32>,
        %swap3A_482 = vector.shape_cast %swap3A_481 : vector<16xi32> to vector<16xi32>
        %swap3A_483 = vector.shape_cast %and3A_479 : vector<16xi32> to vector<16xi32>
        tpu.vector_store %arg8[%swap3A_480], %swap3A_483 {strides = array<i32>} : memref<128xi32, #tpu.memory_space<vmem>>, vector<16xi32>,
        %shift_right_arithmetic3A_484 = arith.constant 14 : i32
        %shift_right_arithmetic3A_485 = vector.broadcast %shift_right_arithmetic3A_484 : i32 to vector<16xi32>
        %shift_right_arithmetic3A_486 = arith.shrsi %get3A_476, %shift_right_arithmetic3A_485 : vector<16xi32>
        %swap3A_487 = arith.constant 96 : index
        %swap3A_488 = tpu.vector_load %arg10[%swap3A_487] {strides = array<i32>} : memref<128xi32, #tpu.memory_space<vmem>>, vector<16xi32>,
        %swap3A_489 = vector.shape_cast %swap3A_488 : vector<16xi32> to vector<16xi32>
        %swap3A_490 = vector.shape_cast %shift_right_arithmetic3A_486 : vector<16xi32> to vector<16xi32>
        tpu.vector_store %arg10[%swap3A_487], %swap3A_490 {strides = array<i32>} : memref<128xi32, #tpu.memory_space<vmem>>, vector<16xi32>,
        %mul3A_491 = arith.constant 128 : i32
        %mul3A_492 = arith.muli %add3A_343, %mul3A_491 : i32
        %add3A_493 = arith.constant 112 : i32
        %add3A_494 = arith.addi %mul3A_492, %add3A_493 : i32
        %get3A_495 = arith.index_cast %add3A_494 : i32 to index
        %get3A_496 = tpu.vector_load %arg6[%get3A_495] {strides = array<i32>} : memref<10112xi32, #tpu.memory_space<vmem>>, vector<16xi32>,
        %get3A_497 = vector.shape_cast %get3A_496 : vector<16xi32> to vector<16xi32>
        %and3A_498 = arith.constant 16383 : i32
        %and3A_499 = vector.broadcast %and3A_498 : i32 to vector<16xi32>
        %and3A_500 = arith.andi %get3A_497, %and3A_499 : vector<16xi32>
        %swap3A_501 = arith.constant 112 : index
        %swap3A_502 = tpu.vector_load %arg8[%swap3A_501] {strides = array<i32>} : memref<128xi32, #tpu.memory_space<vmem>>, vector<16xi32>,
        %swap3A_503 = vector.shape_cast %swap3A_502 : vector<16xi32> to vector<16xi32>
        %swap3A_504 = vector.shape_cast %and3A_500 : vector<16xi32> to vector<16xi32>
        tpu.vector_store %arg8[%swap3A_501], %swap3A_504 {strides = array<i32>} : memref<128xi32, #tpu.memory_space<vmem>>, vector<16xi32>,
        %shift_right_arithmetic3A_505 = arith.constant 14 : i32
        %shift_right_arithmetic3A_506 = vector.broadcast %shift_right_arithmetic3A_505 : i32 to vector<16xi32>
        %shift_right_arithmetic3A_507 = arith.shrsi %get3A_497, %shift_right_arithmetic3A_506 : vector<16xi32>
        %swap3A_508 = arith.constant 112 : index
        %swap3A_509 = tpu.vector_load %arg10[%swap3A_508] {strides = array<i32>} : memref<128xi32, #tpu.memory_space<vmem>>, vector<16xi32>,
        %swap3A_510 = vector.shape_cast %swap3A_509 : vector<16xi32> to vector<16xi32>
        %swap3A_511 = vector.shape_cast %shift_right_arithmetic3A_507 : vector<16xi32> to vector<16xi32>
        tpu.vector_store %arg10[%swap3A_508], %swap3A_511 {strides = array<i32>} : memref<128xi32, #tpu.memory_space<vmem>>, vector<16xi32>,
        %add3A_512 = arith.constant 3 : i32
        %add3A_513 = arith.addi %mul3A_296, %add3A_512 : i32
        %dma_start3A_514 = arith.constant 0 : i32
        %dma_start3A_515 = arith.constant 0 : i32
        %dma_start3A_516 = tpu.memref_slice %arg2[%dma_start3A_514, %dma_start3A_515] : memref<10112x128xf32, #tpu.memory_space<hbm>> -> memref<10112x128xf32, #tpu.memory_space<hbm>>
        tpu.enqueue_indirect_dma source(%dma_start3A_516 : memref<10112x128xf32, #tpu.memory_space<hbm>>) target(%arg12 : memref<128x128xf32, #tpu.memory_space<vmem>>) offsets(%arg8 : memref<128xi32, #tpu.memory_space<vmem>>) semaphore(%arg15 : memref<!tpu.dma_semaphore, #tpu.memory_space<semaphore_mem>>)
      } else {
      }
    }
    %scan3A_287 = arith.constant 39 : i32
    %convert_element_type3A = arith.extui %lt3A_7 : i1 to i32
    %cond3A = arith.constant 0 : i32
    %cond3A_288 = arith.cmpi ne, %convert_element_type3A, %cond3A : i32
    scf.if %cond3A_288 {
      %dma_wait3A = arith.constant 0 : i32
      %dma_wait3A_294 = arith.constant 0 : i32
      %dma_wait3A_295 = tpu.memref_slice %arg2[%dma_wait3A, %dma_wait3A_294] : memref<10112x128xf32, #tpu.memory_space<hbm>> -> memref<128x128xf32, #tpu.memory_space<hbm>>
      %dma_wait3A_296 = arith.constant 0 : i32
      %dma_wait3A_297 = arith.constant 0 : i32
      %dma_wait3A_298 = tpu.memref_slice %arg2[%dma_wait3A_296, %dma_wait3A_297] : memref<10112x128xf32, #tpu.memory_space<hbm>> -> memref<128x128xf32, #tpu.memory_space<hbm>>
      tpu.wait_dma2 semaphore(%arg14 : memref<!tpu.dma_semaphore, #tpu.memory_space<semaphore_mem>>) src(%dma_wait3A_298 : memref<128x128xf32, #tpu.memory_space<hbm>>) dst(%arg11 : memref<128x128xf32, #tpu.memory_space<vmem>>)
      %dma_start3A_299 = arith.constant 0 : i32
      %dma_start3A_300 = arith.constant 0 : i32
      %dma_start3A_301 = tpu.memref_slice %arg13[%dma_start3A_299, %dma_start3A_300] : memref<10112x128xf32, #tpu.memory_space<vmem_shared>> -> memref<10112x128xf32, #tpu.memory_space<vmem_shared>>
      tpu.enqueue_indirect_dma source(%arg11 : memref<128x128xf32, #tpu.memory_space<vmem>>) target(%dma_start3A_301 : memref<10112x128xf32, #tpu.memory_space<vmem_shared>>) offsets(%arg9 : memref<128xi32, #tpu.memory_space<vmem>>) semaphore(%arg16 : memref<!tpu.dma_semaphore, #tpu.memory_space<semaphore_mem>>) {add = true}
      %dma_wait3A_302 = arith.constant 0 : i32
      %dma_wait3A_303 = arith.constant 0 : i32
      %dma_wait3A_304 = tpu.memref_slice %arg13[%dma_wait3A_302, %dma_wait3A_303] : memref<10112x128xf32, #tpu.memory_space<vmem_shared>> -> memref<128x128xf32, #tpu.memory_space<vmem_shared>>
      %dma_wait3A_305 = arith.constant 0 : i32
      %dma_wait3A_306 = arith.constant 0 : i32
      %dma_wait3A_307 = tpu.memref_slice %arg13[%dma_wait3A_305, %dma_wait3A_306] : memref<10112x128xf32, #tpu.memory_space<vmem_shared>> -> memref<128x128xf32, #tpu.memory_space<vmem_shared>>
      tpu.wait_dma2 semaphore(%arg16 : memref<!tpu.dma_semaphore, #tpu.memory_space<semaphore_mem>>) src(%arg11 : memref<128x128xf32, #tpu.memory_space<vmem>>) dst(%dma_wait3A_307 : memref<128x128xf32, #tpu.memory_space<vmem_shared>>)
    } else {
    }
    %barrier3A_289 = arith.constant 0 : index
    tpu.barrier barrier_id(%barrier3A_289)
    %mul3A_290 = arith.constant 632 : i32
    %mul3A_291 = arith.muli %arg1, %mul3A_290 : i32
    %mul3A_292 = arith.constant 632 : i32
    %mul3A_293 = arith.muli %arg1, %mul3A_292 : i32
    "tpu.region"() ({
      %run_scoped3A = tpu.sem_alloc : memref<!tpu.dma_semaphore, #tpu.memory_space<semaphore_mem>>
      %dma_start3A_294 = arith.constant 0 : i32
      %dma_start3A_295 = tpu.memref_slice %arg5[%arg0, %mul3A_293, %dma_start3A_294] : memref<2x10112x128xf32, #tpu.memory_space<hbm>> -> memref<1x632x128xf32, #tpu.memory_space<hbm>>
      %dma_start3A_296 = tpu.memref_squeeze %dma_start3A_295 : memref<1x632x128xf32, #tpu.memory_space<hbm>> -> memref<632x128xf32, #tpu.memory_space<hbm>>
      %dma_start3A_297 = arith.constant 0 : i32
      %dma_start3A_298 = tpu.memref_slice %arg13[%mul3A_291, %dma_start3A_297] : memref<10112x128xf32, #tpu.memory_space<vmem_shared>> -> memref<632x128xf32, #tpu.memory_space<vmem_shared>>
      tpu.enqueue_dma source(%dma_start3A_298 : memref<632x128xf32, #tpu.memory_space<vmem_shared>>) target(%dma_start3A_296 : memref<632x128xf32, #tpu.memory_space<hbm>>) target_semaphore(%run_scoped3A : memref<!tpu.dma_semaphore, #tpu.memory_space<semaphore_mem>>)
      %dma_wait3A = arith.constant 0 : i32
      %dma_wait3A_299 = tpu.memref_slice %arg5[%arg0, %mul3A_293, %dma_wait3A] : memref<2x10112x128xf32, #tpu.memory_space<hbm>> -> memref<1x632x128xf32, #tpu.memory_space<hbm>>
      %dma_wait3A_300 = tpu.memref_squeeze %dma_wait3A_299 : memref<1x632x128xf32, #tpu.memory_space<hbm>> -> memref<632x128xf32, #tpu.memory_space<hbm>>
      %dma_wait3A_301 = arith.constant 0 : i32
      %dma_wait3A_302 = tpu.memref_slice %arg13[%mul3A_291, %dma_wait3A_301] : memref<10112x128xf32, #tpu.memory_space<vmem_shared>> -> memref<632x128xf32, #tpu.memory_space<vmem_shared>>
      tpu.wait_dma2 semaphore(%run_scoped3A : memref<!tpu.dma_semaphore, #tpu.memory_space<semaphore_mem>>) src(%dma_wait3A_302 : memref<632x128xf32, #tpu.memory_space<vmem_shared>>) dst(%dma_wait3A_300 : memref<632x128xf32, #tpu.memory_space<hbm>>)
      tpu.yield
    }) : () -> ()
    return
  }
}

module attributes {stable_mosaic.version = 14 : i64} {
  func.func @_prescale_body(%arg0: memref<10000x128xf32, #tpu.memory_space<vmem>>, %arg1: memref<10000x1xi32, #tpu.memory_space<vmem>>, %arg2: memref<10000x1xf32, #tpu.memory_space<vmem>>, %arg3: memref<10112x128xf32, #tpu.memory_space<vmem>>) attributes {dimension_semantics = [], scalar_prefetch = 0 : i64, scratch_operands = 0 : i64, tpu.core_type = #tpu.core_type<tc>} {
    %get3A = arith.constant 0 : index
    %get3A_0 = arith.constant 0 : index
    %get3A_1 = vector.load %arg1[%get3A, %get3A_0] : memref<10000x1xi32, #tpu.memory_space<vmem>>, vector<10000x1xi32>
    %get3A_2 = arith.constant 0 : index
    %get3A_3 = arith.constant 0 : index
    %get3A_4 = vector.load %arg2[%get3A_2, %get3A_3] : memref<10000x1xf32, #tpu.memory_space<vmem>>, vector<10000x1xf32>
    %iota3A = tpu.iota {dimensions = array<i32: 1>} : vector<10000x64xi32>
    %eq3A = vector.broadcast %get3A_1 : vector<10000x1xi32> to vector<10000x64xi32>
    %eq3A_5 = arith.cmpi eq, %eq3A, %iota3A : vector<10000x64xi32>
    %jit3A = arith.constant -1.000000e+30 : f32
    %broadcast_in_dim3A = vector.shape_cast %get3A_4 : vector<10000x1xf32> to vector<10000x1xf32>
    %broadcast_in_dim3A_6 = vector.broadcast %broadcast_in_dim3A : vector<10000x1xf32> to vector<10000x64xf32>
    %broadcast_in_dim3A_7 = vector.broadcast %jit3A : f32 to vector<10000x64xf32>
    %select_n3A = arith.select %eq3A_5, %broadcast_in_dim3A_6, %broadcast_in_dim3A_7 : vector<10000x64xi1>, vector<10000x64xf32>
    %reduce_max3A = arith.constant dense<0xFF800000> : vector<64xf32>
    %reduce_max3A_8 = vector.multi_reduction <maximumf>, %select_n3A, %reduce_max3A [0] : vector<10000x64xf32> to vector<64xf32>
    %broadcast_in_dim3A_9 = vector.shape_cast %reduce_max3A_8 : vector<64xf32> to vector<1x64xf32>
    %jit3A_10 = arith.constant -1.000000e+30 : f32
    %broadcast_in_dim3A_11 = vector.shape_cast %broadcast_in_dim3A_9 : vector<1x64xf32> to vector<1x64xf32>
    %broadcast_in_dim3A_12 = vector.broadcast %broadcast_in_dim3A_11 : vector<1x64xf32> to vector<10000x64xf32>
    %broadcast_in_dim3A_13 = vector.broadcast %jit3A_10 : f32 to vector<10000x64xf32>
    %select_n3A_14 = arith.select %eq3A_5, %broadcast_in_dim3A_12, %broadcast_in_dim3A_13 : vector<10000x64xi1>, vector<10000x64xf32>
    %reduce_max3A_15 = arith.constant dense<0xFF800000> : vector<10000xf32>
    %reduce_max3A_16 = vector.multi_reduction <maximumf>, %select_n3A_14, %reduce_max3A_15 [1] : vector<10000x64xf32> to vector<10000xf32>
    %broadcast_in_dim3A_17 = vector.shape_cast %reduce_max3A_16 : vector<10000xf32> to vector<10000x1xf32>
    %add3A = arith.constant 1.000000e-10 : f32
    %add3A_18 = vector.broadcast %add3A : f32 to vector<10000x1xf32>
    %add3A_19 = arith.addf %broadcast_in_dim3A_17, %add3A_18 : vector<10000x1xf32>
    %div3A = arith.divf %get3A_4, %add3A_19 : vector<10000x1xf32>
    %mul3A = arith.constant 2.000000e+00 : f32
    %mul3A_20 = vector.broadcast %mul3A : f32 to vector<10000x1xf32>
    %mul3A_21 = arith.mulf %mul3A_20, %div3A : vector<10000x1xf32>
    %sub3A = arith.constant 1.000000e+00 : f32
    %sub3A_22 = vector.broadcast %sub3A : f32 to vector<10000x1xf32>
    %sub3A_23 = arith.subf %mul3A_21, %sub3A_22 : vector<10000x1xf32>
    %div3A_24 = arith.constant 4.000000e+01 : f32
    %div3A_25 = vector.broadcast %div3A_24 : f32 to vector<10000x1xf32>
    %div3A_26 = arith.divf %sub3A_23, %div3A_25 : vector<10000x1xf32>
    %add3A_27 = arith.constant 1.000000e+00 : f32
    %add3A_28 = vector.broadcast %add3A_27 : f32 to vector<10000x1xf32>
    %add3A_29 = arith.addf %div3A_26, %add3A_28 : vector<10000x1xf32>
    %get3A_30 = arith.constant 0 : index
    %get3A_31 = arith.constant 0 : index
    %get3A_32 = vector.load %arg0[%get3A_30, %get3A_31] : memref<10000x128xf32, #tpu.memory_space<vmem>>, vector<10000x128xf32>
    %mul3A_33 = vector.broadcast %add3A_29 : vector<10000x1xf32> to vector<10000x128xf32>
    %mul3A_34 = arith.mulf %get3A_32, %mul3A_33 : vector<10000x128xf32>
    %swap3A = arith.constant 0 : index
    %swap3A_35 = arith.constant 0 : index
    %swap3A_36 = vector.load %arg3[%swap3A, %swap3A_35] : memref<10112x128xf32, #tpu.memory_space<vmem>>, vector<10000x128xf32>
    tpu.vector_store %arg3[%swap3A, %swap3A_35], %mul3A_34 {strides = array<i32>} : memref<10112x128xf32, #tpu.memory_space<vmem>>, vector<10000x128xf32>,
    %broadcast_in_dim3A_37 = arith.constant 0.000000e+00 : f32
    %broadcast_in_dim3A_38 = vector.broadcast %broadcast_in_dim3A_37 : f32 to vector<112x128xf32>
    %swap3A_39 = arith.constant 10000 : index
    %swap3A_40 = arith.constant 0 : index
    %swap3A_41 = vector.load %arg3[%swap3A_39, %swap3A_40] : memref<10112x128xf32, #tpu.memory_space<vmem>>, vector<112x128xf32>
    tpu.vector_store %arg3[%swap3A_39, %swap3A_40], %broadcast_in_dim3A_38 {strides = array<i32>} : memref<10112x128xf32, #tpu.memory_space<vmem>>, vector<112x128xf32>,
    return
  }
}

module attributes {stable_mosaic.version = 14 : i64} {
  func.func @_layer_body(%arg0: i32, %arg1: memref<2x632x128xf32, #tpu.memory_space<vmem>>, %arg2: memref<632x128xf32, #tpu.memory_space<vmem>>, %arg3: memref<128x128xf32, #tpu.memory_space<vmem>>, %arg4: memref<1x128xf32, #tpu.memory_space<vmem>>, %arg5: memref<128x128xf32, #tpu.memory_space<vmem>>, %arg6: memref<1x128xf32, #tpu.memory_space<vmem>>, %arg7: memref<632x128xf32, #tpu.memory_space<vmem>>) attributes {dimension_semantics = [#tpu.dimension_semantics<arbitrary>], iteration_bounds = array<i64: 16>, scalar_prefetch = 0 : i64, scratch_operands = 0 : i64, tpu.core_type = #tpu.core_type<tc>, window_params = [{transform_indices = @transform_0, window_bounds = array<i64: 2, 632, 128>}, {transform_indices = @transform_1, window_bounds = array<i64: 632, 128>}, {pipeline_mode = #tpu.pipeline_mode<synchronous>, transform_indices = @transform_2, window_bounds = array<i64: 128, 128>}, {pipeline_mode = #tpu.pipeline_mode<synchronous>, transform_indices = @transform_3, window_bounds = array<i64: 1, 128>}, {pipeline_mode = #tpu.pipeline_mode<synchronous>, transform_indices = @transform_4, window_bounds = array<i64: 128, 128>}, {pipeline_mode = #tpu.pipeline_mode<synchronous>, transform_indices = @transform_5, window_bounds = array<i64: 1, 128>}, {transform_indices = @transform_6, window_bounds = array<i64: 632, 128>}]} {
    %get3A = arith.constant 0 : index
    %get3A_0 = arith.constant 0 : index
    %get3A_1 = arith.constant 0 : index
    %get3A_2 = vector.load %arg1[%get3A, %get3A_0, %get3A_1] : memref<2x632x128xf32, #tpu.memory_space<vmem>>, vector<1x632x128xf32>
    %get3A_3 = vector.shape_cast %get3A_2 : vector<1x632x128xf32> to vector<632x128xf32>
    %get3A_4 = arith.constant 1 : index
    %get3A_5 = arith.constant 0 : index
    %get3A_6 = arith.constant 0 : index
    %get3A_7 = vector.load %arg1[%get3A_4, %get3A_5, %get3A_6] : memref<2x632x128xf32, #tpu.memory_space<vmem>>, vector<1x632x128xf32>
    %get3A_8 = vector.shape_cast %get3A_7 : vector<1x632x128xf32> to vector<632x128xf32>
    %add3A = arith.addf %get3A_3, %get3A_8 : vector<632x128xf32>
    %get3A_9 = arith.constant 0 : index
    %get3A_10 = arith.constant 0 : index
    %get3A_11 = vector.load %arg2[%get3A_9, %get3A_10] : memref<632x128xf32, #tpu.memory_space<vmem>>, vector<632x128xf32>
    %add3A_12 = arith.addf %add3A, %get3A_11 : vector<632x128xf32>
    %get3A_13 = arith.constant 0 : index
    %get3A_14 = arith.constant 0 : index
    %get3A_15 = vector.load %arg3[%get3A_13, %get3A_14] : memref<128x128xf32, #tpu.memory_space<vmem>>, vector<128x128xf32>
    %dot_general3A = arith.constant dense<0.000000e+00> : vector<632x128xf32>
    %dot_general3A_16 = tpu.matmul %add3A_12, %get3A_15, %dot_general3A {dimension_numbers = #tpu.dot_dimension_numbers<[1], [0], [0], [1], [0, 0, 1, 1], [], []>, transpose_lhs_hint = false} : vector<632x128xf32>, vector<128x128xf32>, vector<632x128xf32> -> vector<632x128xf32>
    %get3A_17 = arith.constant 0 : index
    %get3A_18 = arith.constant 0 : index
    %get3A_19 = vector.load %arg4[%get3A_17, %get3A_18] : memref<1x128xf32, #tpu.memory_space<vmem>>, vector<1x128xf32>
    %add3A_20 = vector.broadcast %get3A_19 : vector<1x128xf32> to vector<632x128xf32>
    %add3A_21 = arith.addf %dot_general3A_16, %add3A_20 : vector<632x128xf32>
    %max3A = arith.constant 0.000000e+00 : f32
    %max3A_22 = vector.broadcast %max3A : f32 to vector<632x128xf32>
    %max3A_23 = arith.maximumf %add3A_21, %max3A_22 : vector<632x128xf32>
    %get3A_24 = arith.constant 0 : index
    %get3A_25 = arith.constant 0 : index
    %get3A_26 = vector.load %arg5[%get3A_24, %get3A_25] : memref<128x128xf32, #tpu.memory_space<vmem>>, vector<128x128xf32>
    %dot_general3A_27 = arith.constant dense<0.000000e+00> : vector<632x128xf32>
    %dot_general3A_28 = tpu.matmul %max3A_23, %get3A_26, %dot_general3A_27 {dimension_numbers = #tpu.dot_dimension_numbers<[1], [0], [0], [1], [0, 0, 1, 1], [], []>, transpose_lhs_hint = false} : vector<632x128xf32>, vector<128x128xf32>, vector<632x128xf32> -> vector<632x128xf32>
    %get3A_29 = arith.constant 0 : index
    %get3A_30 = arith.constant 0 : index
    %get3A_31 = vector.load %arg6[%get3A_29, %get3A_30] : memref<1x128xf32, #tpu.memory_space<vmem>>, vector<1x128xf32>
    %add3A_32 = vector.broadcast %get3A_31 : vector<1x128xf32> to vector<632x128xf32>
    %add3A_33 = arith.addf %dot_general3A_28, %add3A_32 : vector<632x128xf32>
    %max3A_34 = arith.constant 0.000000e+00 : f32
    %max3A_35 = vector.broadcast %max3A_34 : f32 to vector<632x128xf32>
    %max3A_36 = arith.maximumf %add3A_33, %max3A_35 : vector<632x128xf32>
    %swap3A = arith.constant 0 : index
    %swap3A_37 = arith.constant 0 : index
    %swap3A_38 = vector.load %arg7[%swap3A, %swap3A_37] : memref<632x128xf32, #tpu.memory_space<vmem>>, vector<632x128xf32>
    tpu.vector_store %arg7[%swap3A, %swap3A_37], %max3A_36 {strides = array<i32>} : memref<632x128xf32, #tpu.memory_space<vmem>>, vector<632x128xf32>,
    return
  }
  func.func @transform_0(%arg0: i32) -> (i32, i32, i32) {
    %c0_i32 = arith.constant 0 : i32
    %c0_i32_0 = arith.constant 0 : i32
    %c0_i32_1 = arith.constant 0 : i32
    return %c0_i32, %arg0, %c0_i32_0 : i32, i32, i32
  }
  func.func @transform_1(%arg0: i32) -> (i32, i32) {
    %c0_i32 = arith.constant 0 : i32
    %c0_i32_0 = arith.constant 0 : i32
    return %arg0, %c0_i32 : i32, i32
  }
  func.func @transform_2(%arg0: i32) -> (i32, i32) {
    %c0_i32 = arith.constant 0 : i32
    %c0_i32_0 = arith.constant 0 : i32
    %c0_i32_1 = arith.constant 0 : i32
    return %c0_i32, %c0_i32_0 : i32, i32
  }
  func.func @transform_3(%arg0: i32) -> (i32, i32) {
    %c0_i32 = arith.constant 0 : i32
    %c0_i32_0 = arith.constant 0 : i32
    %c0_i32_1 = arith.constant 0 : i32
    return %c0_i32, %c0_i32_0 : i32, i32
  }
  func.func @transform_4(%arg0: i32) -> (i32, i32) {
    %c0_i32 = arith.constant 0 : i32
    %c0_i32_0 = arith.constant 0 : i32
    %c0_i32_1 = arith.constant 0 : i32
    return %c0_i32, %c0_i32_0 : i32, i32
  }
  func.func @transform_5(%arg0: i32) -> (i32, i32) {
    %c0_i32 = arith.constant 0 : i32
    %c0_i32_0 = arith.constant 0 : i32
    %c0_i32_1 = arith.constant 0 : i32
    return %c0_i32, %c0_i32_0 : i32, i32
  }
  func.func @transform_6(%arg0: i32) -> (i32, i32) {
    %c0_i32 = arith.constant 0 : i32
    %c0_i32_0 = arith.constant 0 : i32
    return %arg0, %c0_i32 : i32, i32
  }
}

module attributes {stable_mosaic.version = 14 : i64} {
  func.func @_pool_body(%arg0: memref<10112x128xf32, #tpu.memory_space<vmem>>, %arg1: memref<10112x128xf32, #tpu.memory_space<vmem>>, %arg2: memref<10112x128xf32, #tpu.memory_space<vmem>>, %arg3: memref<10112x1xi32, #tpu.memory_space<vmem>>, %arg4: memref<64x384xf32, #tpu.memory_space<vmem>>) attributes {dimension_semantics = [], scalar_prefetch = 0 : i64, scratch_operands = 0 : i64, tpu.core_type = #tpu.core_type<tc>} {
    %get3A = arith.constant 0 : index
    %get3A_0 = arith.constant 0 : index
    %get3A_1 = vector.load %arg3[%get3A, %get3A_0] : memref<10112x1xi32, #tpu.memory_space<vmem>>, vector<10112x1xi32>
    %iota3A = tpu.iota {dimensions = array<i32: 1>} : vector<10112x64xi32>
    %eq3A = vector.broadcast %get3A_1 : vector<10112x1xi32> to vector<10112x64xi32>
    %eq3A_2 = arith.cmpi eq, %eq3A, %iota3A : vector<10112x64xi32>
    %convert_element_type3A = arith.extui %eq3A_2 : vector<10112x64xi1> to vector<10112x64xi32>
    %convert_element_type3A_3 = arith.sitofp %convert_element_type3A : vector<10112x64xi32> to vector<10112x64xf32>
    %reduce_sum3A = arith.constant dense<0.000000e+00> : vector<64xf32>
    %reduce_sum3A_4 = vector.multi_reduction <add>, %convert_element_type3A_3, %reduce_sum3A [0] : vector<10112x64xf32> to vector<64xf32>
    %broadcast_in_dim3A = vector.shape_cast %reduce_sum3A_4 : vector<64xf32> to vector<1x64xf32>
    %max3A = arith.constant 1.000000e+00 : f32
    %max3A_5 = vector.broadcast %max3A : f32 to vector<1x64xf32>
    %max3A_6 = arith.maximumf %broadcast_in_dim3A, %max3A_5 : vector<1x64xf32>
    %get3A_7 = arith.constant 0 : index
    %get3A_8 = arith.constant 0 : index
    %get3A_9 = vector.load %arg0[%get3A_7, %get3A_8] : memref<10112x128xf32, #tpu.memory_space<vmem>>, vector<10112x128xf32>
    %dot_general3A = arith.constant dense<0.000000e+00> : vector<64x128xf32>
    %dot_general3A_10 = tpu.matmul %convert_element_type3A_3, %get3A_9, %dot_general3A {dimension_numbers = #tpu.dot_dimension_numbers<[0], [0], [1], [1], [0, 1, 1, 1], [], []>, transpose_lhs_hint = false} : vector<10112x64xf32>, vector<10112x128xf32>, vector<64x128xf32> -> vector<64x128xf32>
    %transpose3A = tpu.transpose %max3A_6, [1, 0] : vector<1x64xf32> -> vector<64x1xf32>
    %div3A = vector.broadcast %transpose3A : vector<64x1xf32> to vector<64x128xf32>
    %div3A_11 = arith.divf %dot_general3A_10, %div3A : vector<64x128xf32>
    %swap3A = arith.constant 0 : index
    %swap3A_12 = arith.constant 0 : index
    %swap3A_13 = vector.load %arg4[%swap3A, %swap3A_12] : memref<64x384xf32, #tpu.memory_space<vmem>>, vector<64x128xf32>
    tpu.vector_store %arg4[%swap3A, %swap3A_12], %div3A_11 {strides = array<i32>} : memref<64x384xf32, #tpu.memory_space<vmem>>, vector<64x128xf32>,
    %get3A_14 = arith.constant 0 : index
    %get3A_15 = arith.constant 0 : index
    %get3A_16 = vector.load %arg1[%get3A_14, %get3A_15] : memref<10112x128xf32, #tpu.memory_space<vmem>>, vector<10112x128xf32>
    %dot_general3A_17 = arith.constant dense<0.000000e+00> : vector<64x128xf32>
    %dot_general3A_18 = tpu.matmul %convert_element_type3A_3, %get3A_16, %dot_general3A_17 {dimension_numbers = #tpu.dot_dimension_numbers<[0], [0], [1], [1], [0, 1, 1, 1], [], []>, transpose_lhs_hint = false} : vector<10112x64xf32>, vector<10112x128xf32>, vector<64x128xf32> -> vector<64x128xf32>
    %transpose3A_19 = tpu.transpose %max3A_6, [1, 0] : vector<1x64xf32> -> vector<64x1xf32>
    %div3A_20 = vector.broadcast %transpose3A_19 : vector<64x1xf32> to vector<64x128xf32>
    %div3A_21 = arith.divf %dot_general3A_18, %div3A_20 : vector<64x128xf32>
    %swap3A_22 = arith.constant 0 : index
    %swap3A_23 = arith.constant 128 : index
    %swap3A_24 = vector.load %arg4[%swap3A_22, %swap3A_23] : memref<64x384xf32, #tpu.memory_space<vmem>>, vector<64x128xf32>
    tpu.vector_store %arg4[%swap3A_22, %swap3A_23], %div3A_21 {strides = array<i32>} : memref<64x384xf32, #tpu.memory_space<vmem>>, vector<64x128xf32>,
    %get3A_25 = arith.constant 0 : index
    %get3A_26 = arith.constant 0 : index
    %get3A_27 = vector.load %arg2[%get3A_25, %get3A_26] : memref<10112x128xf32, #tpu.memory_space<vmem>>, vector<10112x128xf32>
    %dot_general3A_28 = arith.constant dense<0.000000e+00> : vector<64x128xf32>
    %dot_general3A_29 = tpu.matmul %convert_element_type3A_3, %get3A_27, %dot_general3A_28 {dimension_numbers = #tpu.dot_dimension_numbers<[0], [0], [1], [1], [0, 1, 1, 1], [], []>, transpose_lhs_hint = false} : vector<10112x64xf32>, vector<10112x128xf32>, vector<64x128xf32> -> vector<64x128xf32>
    %transpose3A_30 = tpu.transpose %max3A_6, [1, 0] : vector<1x64xf32> -> vector<64x1xf32>
    %div3A_31 = vector.broadcast %transpose3A_30 : vector<64x1xf32> to vector<64x128xf32>
    %div3A_32 = arith.divf %dot_general3A_29, %div3A_31 : vector<64x128xf32>
    %swap3A_33 = arith.constant 0 : index
    %swap3A_34 = arith.constant 256 : index
    %swap3A_35 = vector.load %arg4[%swap3A_33, %swap3A_34] : memref<64x384xf32, #tpu.memory_space<vmem>>, vector<64x128xf32>
    tpu.vector_store %arg4[%swap3A_33, %swap3A_34], %div3A_32 {strides = array<i32>} : memref<64x384xf32, #tpu.memory_space<vmem>>, vector<64x128xf32>,
    return
  }
}

</mosaic_0001>

<sc_bundles>
// kernel: kernel.10.cloned.1.call-start
scs
__scs_entry_jumppad:
0x0: {  	(pc) =	sbr.rel $0x88, $3  }
0x1: {  	(tag) =	ssettag $0x0;
	lr =	simm.s32 $0x1  }
0x2: {  	[smem:$0x3F91] =	sst lr;
	_ =	strace $0xD0000000  }
0x3: {  	_ = 	snop  }
0x4: {  	_ = 	snop  }
0x5: {  	_ = 	snop  }
0x6: {  	_ = 	snop  }
0x7: {  	_ = 	snop  }
__scs_overlays_trampoline_lowered:
0x8: {  	[smem:$0x3FA0] =	sst s0  }
0x9: {  	[smem:$0x3FA1] =	sst s1  }
0xa: {  	[smem:$0x3FA2] =	sst s2  }
0xb: {  	[smem:$0x3FA3] =	sst s3  }
0xc: {  	[smem:$0x3FA4] =	sst s4  }
0xd: {  	[smem:$0x3FA5] =	sst s5  }
0xe: {  	[smem:$0x3FA6] =	sst s6  }
0xf: {  	[smem:$0x3FA7] =	sst s7  }
0x10: {  	[smem:$0x3FA8] =	sst s8  }
0x11: {  	[smem:$0x3FA9] =	sst s9;
	s0 =	simm.s32 @!p0 $0x0  }
0x12: {  	s1 =	sld [smem:$0x3F8F];
	s0 =	simm.s32 @p0 $0x1  }
0x13: {  	[smem:$0x3FAA] =	sst s0;
	s0 =	simm.s32 @!p1 $0x0  }
0x14: {  	s2 =	sld [smem:$0x3F8E];
	s0 =	simm.s32 @p1 $0x1  }
0x15: {  	[smem:$0x3FAB] =	sst s0;
	s0 =	simm.s32 @!p2 $0x0  }
0x16: {  	s3 =	sld [smem:$0x3FDB];
	s0 =	simm.s32 @p2 $0x1  }
0x17: {  	s4 =	simm.s32 $0x1BF5;
	[smem:$0x3FAD] =	sst s0  }
0x18: {  	s0 =	sld [smem:$0x3F90];
	_ =	swait.ge [sflag:s4], $0x0  }
0x19: {  	s7 =	sld [smem:$0x3F91]  }
0x1a: {  	s8 =	sadd.s32 $0xFFFFE003, lr  }
0x1b: {  	s9 =	sadd.s32 $0xFFFFFEF7, lr;
	s5 =	simm.s32 $0xFFFFFFFF;
	p2 =	slt.u32 s8, $0xFFFFF086  }
0x1c: {  	p1 =	slt.u32 s9, $0xF7A;
	s5 =	simm.s32 @!p2 $0x0  }
0x1d: {  	s5 =	simm.s32 @p1 $0x1;
	p0 =	seq.s32 s7, s2  }
0x1e: {  	s7 =	smul.u32 @!p0 $0xF7A, s2;
	p2 =	seq.s32 @!p0 s5, $0x0  }
0x1f: {  	s9 =	smul.u32 $0xF7A, s1;
	s8 =	simm.s32 @!p0 $0x1BF5;
	p2 =	por !p2, p0  }
0x20: {  	[sflag:s8] =	ssyncset.s32 @!p0 $0xFFFFF086;
	s6 =	sadd.s32 @!p0 s3, s7;
	s7 =	simm.s32 @!p0 $0x108  }
0x21: {  	s3 =	sadd.s32 s3, s9;
	s6 =	sadd.s32 @!p0 $0x88, s6;
	s7 =	simm.s32 @p2 $0x1082  }
0x22: {  	[simem:s7], [sflag:s8] =	dma.local @!p0 [hbm:s6], $0xF7A  }
0x23: {  	s9 =	sor.u32 $0xD0000000, s2;
	s6 =	simm.s32 $0x108;
	_ =	swait.ge @!p0 [sflag:s8], $0x0  }
0x24: {  	s3 =	sadd.s32 $0x88, s3;
	s6 =	simm.s32 @!p1 $0x1082;
	[sflag:s4] =	ssyncset.s32 $0xFFFFF086  }
0x25: {  	[simem:s6], [sflag:s4] =	dma.local [hbm:s3], $0xF7A  }
0x26: {  	[smem:$0x3F91] =	sst s1;
	(tag) =	ssettag s2;
	_ =	strace s9  }
0x27: {  	s1 =	sld [smem:$0x3FA1]  }
0x28: {  	s2 =	sld [smem:$0x3FA2]  }
0x29: {  	s4 =	sld [smem:$0x3FA4]  }
0x2a: {  	p0 =	seq.s32 s5, $0x0;
	s5 =	sld [smem:$0x3FA5]  }
0x2b: {  	s6 =	sld [smem:$0x3FA6]  }
0x2c: {  	s7 =	sld [smem:$0x3FA7]  }
0x2d: {  	s3 =	simm.s32 $0x108;
	s8 =	sld [smem:$0x3FA8]  }
0x2e: {  	s3 =	simm.s32 @!p0 $0x1082;
	s9 =	sld [smem:$0x3FA9]  }
0x2f: {  	lr =	sadd.s32 s0, s3;
	s0 =	sld [smem:$0x3FA0]  }
0x30: {  	s3 =	sld [smem:$0x3FA3]  }
0x31: {  	[smem:$0x3FAC] =	sst s10  }
0x32: {  	s10 =	sld [smem:$0x3FAA];
	_ =	sdelay $0x3  }
0x33: {  	p0 =	seq.s32 s10, $0x1;
	s10 =	sld [smem:$0x3FAC];
	_ =	sdelay $0x3  }
0x34: {  	[smem:$0x3FAC] =	sst s10  }
0x35: {  	s10 =	sld [smem:$0x3FAB];
	_ =	sdelay $0x3  }
0x36: {  	p1 =	seq.s32 s10, $0x1;
	s10 =	sld [smem:$0x3FAC];
	_ =	sdelay $0x3  }
0x37: {  	[smem:$0x3FAC] =	sst s10  }
0x38: {  	s10 =	sld [smem:$0x3FAD]  }
0x39: {  	_ = 	snop;
	(pc) =	sbr.ind lr, $3  }
0x3a: {  	_ = 	snop  }
0x3b: {  	_ = 	snop  }
0x3c: {  	p2 =	seq.s32 s10, $0x1;
	s10 =	sld [smem:$0x3FAC]  }
0x3d: {  	_ =	shalt  }
0x3e: {  	_ =	shalt  }
0x3f: {  	_ =	shalt  }
0x40: {  	_ =	shalt  }
0x41: {  	_ =	shalt  }
0x42: {  	_ =	shalt  }
0x43: {  	_ =	shalt  }
0x44: {  	_ =	shalt  }
0x45: {  	_ =	shalt  }
0x46: {  	_ =	shalt  }
0x47: {  	_ =	shalt  }
0x48: {  	_ =	shalt  }
0x49: {  	_ =	shalt  }
0x4a: {  	_ =	shalt  }
0x4b: {  	_ =	shalt  }
0x4c: {  	_ =	shalt  }
0x4d: {  	_ =	shalt  }
0x4e: {  	_ =	shalt  }
0x4f: {  	_ =	shalt  }
0x50: {  	_ =	shalt  }
0x51: {  	_ =	shalt  }
0x52: {  	_ =	shalt  }
0x53: {  	_ =	shalt  }
0x54: {  	_ =	shalt  }
0x55: {  	_ =	shalt  }
0x56: {  	_ =	shalt  }
0x57: {  	_ =	shalt  }
0x58: {  	_ =	shalt  }
0x59: {  	_ =	shalt  }
0x5a: {  	_ =	shalt  }
0x5b: {  	_ =	shalt  }
0x5c: {  	_ =	shalt  }
0x5d: {  	_ =	shalt  }
0x5e: {  	_ =	shalt  }
0x5f: {  	_ =	shalt  }
0x60: {  	_ =	shalt  }
0x61: {  	_ =	shalt  }
0x62: {  	_ =	shalt  }
0x63: {  	_ =	shalt  }
0x64: {  	_ =	shalt  }
0x65: {  	_ =	shalt  }
0x66: {  	_ =	shalt  }
0x67: {  	_ =	shalt  }
0x68: {  	_ =	shalt  }
0x69: {  	_ =	shalt  }
0x6a: {  	_ =	shalt  }
0x6b: {  	_ =	shalt  }
0x6c: {  	_ =	shalt  }
0x6d: {  	_ =	shalt  }
0x6e: {  	_ =	shalt  }
0x6f: {  	_ =	shalt  }
0x70: {  	_ =	shalt  }
0x71: {  	_ =	shalt  }
0x72: {  	_ =	shalt  }
0x73: {  	_ =	shalt  }
0x74: {  	_ =	shalt  }
0x75: {  	_ =	shalt  }
0x76: {  	_ =	shalt  }
0x77: {  	_ =	shalt  }
0x78: {  	_ =	shalt  }
0x79: {  	_ =	shalt  }
0x7a: {  	_ =	shalt  }
0x7b: {  	_ =	shalt  }
0x7c: {  	_ =	shalt  }
0x7d: {  	_ =	shalt  }
0x7e: {  	_ =	shalt  }
0x7f: {  	_ =	shalt  }
0x80: {  	_ =	shalt  }
0x81: {  	_ =	shalt  }
0x82: {  	_ =	shalt  }
0x83: {  	_ =	shalt  }
0x84: {  	_ =	shalt  }
0x85: {  	_ =	shalt  }
0x86: {  	_ =	shalt  }
0x87: {  	_ =	shalt  }
.Lfunc_end0:
.L_simem_size_0:
called_computation_lowered:
.L_overlay_start_0:
0x88: {  	s2 =	sld [smem:$0x3FD9]  }
0x89: {  	s3 =	sld [smem:$0x3FFE];
	_ =	sdelay $0x1  }
0x8a: {  	s1 =	srdreg.scid  }
0x8b: {  	s0 =	sand.u32 $0x1, s1  }
0x8c: {  	s14 =	sshll.u32 s0, $0xA;
	s2 =	sadd.s32 s3, s2  }
0x8d: {  	s2 =	sadd.s32 s2, s14  }
0x8e: {  	[smem:$0x3FB8] =	sst s2  }
0x8f: {  	_ = 	snop  }
0x90: {  	s2 =	sld [smem:$0x3FD0];
	_ =	sdelay $0x2  }
0x91: {  	s15 =	simm.s32 $0xA;
	s4 =	simm.s32 $0x10  }
0x92: {  	[smem:s4], [sflag:s15] =	dma.local [hbm:s2], $0x1  }
0x93: {  	_ =	swait.eq [sflag:s15], $0x1  }
0x94: {  	[sflag:s15] =	ssyncset.done $0x0  }
0x95: {  	[sflag:s15] =	ssyncadd.s32 $0xFFFFFFFF  }
0x96: {  	s16 =	sld [smem:$0x11];
	(tm) =	ssettm $0x1  }
0x97: {  	s17 =	sld [smem:$0x3FFB];
	_ =	sdelay $0x3  }
0x98: {  	_ =	strace s17  }
0x99: {  	s3 =	sld [smem:$0x3FFC];
	_ =	sdelay $0x3  }
0x9a: {  	_ =	strace s3  }
0x9b: {  	s3 =	sld [smem:$0x3FFD];
	_ =	sdelay $0x3  }
0x9c: {  	_ =	strace s3  }
0x9d: {  	_ =	strace $0x8FFFFFFF  }
0x9e: {  	s18 =	sld [smem:$0x3FDB];
	_ =	sdelay $0x1  }
0x9f: {  	s19 =	simm.s32 $_scs_section_size  }
0xa0: {  	s5 =	simm.s32 $_size__tile_overlayer_lowered;
	s6 =	simm.s32 $_tile_overlayer_lowered  }
0xa1: {  	s22 =	simm.s32 $0x1BFF;
	s21 =	sshll.u32 s6, $0x1;
	s3 =	sadd.s32 s19, s18  }
0xa2: {  	s7 =	simm.s32 $0x0;
	s20 =	sshll.u32 s5, $0x1;
	s5 =	sadd.s32 s21, s3  }
0xa3: {  	[timem:s7], [sflag:s22] =	dma.local [hbm:s5], s20  }
0xa4: {  	_ =	swait.ge [sflag:s22], s20  }
0xa5: {  	s4 =	ssub.s32 $0x0, s20;
	[sflag:s22] =	ssyncset.done $0x0  }
0xa6: {  	[sflag:s22] =	ssyncadd.s32 s4;
	_ =	sdelay $0x1  }
0xa7: {  	s23 =	simm.s32 $0x1B8B  }
0xa8: {  	_ =	swait.ge [sflag:s23], $0x1  }
0xa9: {  	[sflag:s23] =	ssyncset.done $0x0  }
0xaa: {  	s25 =	simm.s32 $0x1B8E;
	s24 =	sld [smem:$0x3FFE];
	[sflag:s23] =	ssyncadd.s32 $0xFFFFFFFF  }
0xab: {  	s26 =	simm.s32 $execute0_lowered;
	[smem:$0x3FD2] =	sst s25  }
0xac: {  	s5 =	sshll.u32 s26, $0x1;
	_ =	strace $0x80000046;
	[dreg:$0x1] =	wrdreg $0xFFFFFFFF  }
0xad: {  	s28 =	simm.s32 $_size_execute0_lowered;
	s3 =	sadd.s32 s3, s5;
	[dreg:$0x0] =	wrdreg $0x0  }
0xae: {  	s5 =	sshll.u32 s28, $0x1;
	[dreg:$0x2] =	wrdreg s3  }
0xaf: {  	[dreg:$0x3] =	wrdreg s5  }
0xb0: {  	[dreg:$0x4] =	wrdreg $0xC0  }
0xb1: {  	_ =	task [dreg:s7], $0x5FFFF  }
0xb2: {  	[dreg:$0x1] =	wrdreg $0xFFFFFFFF  }
0xb3: {  	[dreg:$0x0] =	wrdreg $0x60  }
0xb4: {  	[dreg:$0x2] =	wrdreg s24  }
0xb5: {  	[dreg:$0x3] =	wrdreg s16  }
0xb6: {  	[dreg:$0x4] =	wrdreg $0xA9800  }
0xb7: {  	[dreg:$0x5] =	wrdreg $0x9  }
0xb8: {  	_ =	task.clear_ibuf [dreg:s7], $0x6FFFF;
	_ =	strace $0x90000046  }
0xb9: {  	s29 =	simm.s32 $0x9;
	_ =	strace $0x80000048  }
0xba: {  	_ =	swait.ge [sflag:s29], $0x1  }
0xbb: {  	[sflag:s29] =	ssyncadd.s32 $0xFFFFFFFF  }
0xbc: {  	_ =	strace $0x90000048  }
0xbd: {  	_ =	sfence  }
0xbe: {  	s30 =	sld [smem:$0x0];
	_ =	sdelay $0x2  }
0xbf: {  	s31 =	sshll.u32 s1, $0xD;
	s1 =	sshrl.u32 s1, $0x2  }
0xc0: {  	s3 =	sand.u32 $0x4000, s31;
	s1 =	sadd.s32 s1, s30  }
0xc1: {  	s0 =	sor.u32 s3, s0;
	s1 =	sshll.u32 s1, $0x11  }
0xc2: {  	s0 =	sor.u32 s1, s0  }
0xc3: {  	s0 =	sadd.s32 $0x8F2B, s0  }
0xc4: {  	[sflag:s0] =	ssyncadd.remote.s32 $0x1  }
0xc5: {  	_ =	sfence.sel $0xFFFF  }
0xc6: {  	[dreg:$0x0] =	wrdreg $0xFFFFFFFF;
	(pc) =	sbr.abs _section_cstart, $3  }
0xc7: {  	[dreg:$0x1] =	wrdreg $0xFFFFFFFF  }
0xc8: {  	_ =	task.clear_ibuf [dreg:s7], $0x2FFFF;
	_ =	strace $0x9FFFFFFF  }
0xc9: {  	(tm) =	ssettm $0x7FFFFFFF  }
tec
execute0_lowered:
.L_overlay_start_1:
0x0: {  	(tag) =	ssettag $0x1  }
0x1: {  	s5 =	rddreg [dreg:$0x0]  }
0x2: {  	s0 =	srdreg.scid;
	s7 =	rddreg [dreg:$0x1]  }
0x3: {  	s2 =	rddreg [dreg:$0x2];
	s1 =	stileid.u32;
	s3 =	simm.s32 $0x0  }
0x4: {  	s13 =	simm.s32 $0x2800;
	s14 =	simm.s32 $0x6980;
	s17 =	simm.s32 $0x1  }
0x5: {  	s18 =	simm.s32 $0x2880;
	s19 =	simm.s32 $0x3;
	s20 =	simm.s32 $0x2  }
0x6: {  	s21 =	simm.s32 $0x2900;
	s6 =	sand.u32 $0x1, s0;
	s0 =	rddreg [dreg:$0x3]  }
0x7: {  	s22 =	simm.s32 $0x4;
	[smem:$0x7FF] =	sst s3;
	s10 =	smul.u32 $0x13C00, s1  }
0x8: {  	s12 =	smul.u32 $0x4F000, s1;
	s15 =	sshll.u32 s1, $0x6;
	s4 =	sshll.u32 s6, $0x4  }
0x9: {  	_ =	strace $0x80000047;
	s30 =	smul.u32 $0x13C000, s6;
	s6 =	ssub.s32 $0x2, s6  }
0xa: {  	s15 =	sor.u32 $0x1C05, s15;
	s23 =	sor.u32 s1, s4;
	s4 =	sadd.s32 $0xEC00, s5  }
0xb: {  	s11 =	sshrl.u32 s6, $0x1;
	s31 =	sshrl.u32 s12, $0x2;
	s12 =	simm.s32 $0x2980  }
0xc: {  	s8 =	smul.u32 $0x4E, s23;
	s9 =	smin.u32 s23, $0x4;
	s11 =	ssub.s32 s6, s11  }
0xd: {  	s16 =	sadd.s32 s31, s2;
	p0 =	slt.u32 s23, $0x4;
	p1 =	sgt.u32 s23, $0x3  }
.Ltmp0:
0xe: {  	s23 =	simm.s32 $0x0;
	s8 =	sadd.s32 s9, s8;
	(pc) =	sbr.rel .LBB2_1-.Ltmp0, $4  }
0xf: {  	s16 =	sshrl.u32 s16, $0x3;
	s9 =	sadd.s32 s10, s30;
	s8 =	sshll.u32 s8, $0x4  }
0x10: {  	s10 =	simm.s32 $0x80;
	s9 =	sshrl.u32 s9, $0x3;
	s8 =	sadd.s32 s8, s5  }
0x11: {  	s5 =	sadd.s32 $0x36400, s5;
	s7 =	sadd.s32 s7, s9;
	s9 =	simm.s32 $0x5  }
0x12: {  	s6 =	sadd.s32 $0x4E00, s8;
	s8 =	smax.u32 s11, $0x1;
	s11 =	simm.s32 $0x2780  }
.LBB2_4:
0x13: {  	s24 =	simm.s32 @!p1 $0x1  }
0x14: {  	_ =	swait.ge @!p1 [sflag:s24], $0x4000  }
0x15: {  	s25 =	simm.s32 @!p1 $0x2880;
	[sflag:s24] =	ssyncset.done @!p1 $0x0  }
0x16: {  	s26 =	simm.s32 @!p1 $0x2980;
	[sflag:s24] =	ssyncadd.s32 @!p1 $0xFFFFC000;
	s24 =	simm.s32 @!p1 $0x80  }
0x17: {  	[spmem:s2] =	stream.indirect.scatter.add.f32 @!p1 [tilespmem:s26], [sflag:$0x3], $0x80, s25, s24, $0xb8;
	[tilespmem:$0x1E580] =	vst v63  }
0x18: {  	s24 =	simm.s32 @!p1 $0x3  }
0x19: {  	_ =	swait.ge @!p1 [sflag:s24], $0x4000  }
0x1a: {  	s23 =	sadd.s32 $0x1, s23;
	[sflag:s24] =	ssyncset.done @!p1 $0x0  }
0x1b: {  	p2 =	sne.s32 s23, s8;
	[sflag:s24] =	ssyncadd.s32 @!p1 $0xFFFFC000  }
.Ltmp1:
0x1c: {  	[bflag:$0x0] =	sbarrier.arrive $0xFFFF;
	(pc) =	sbr.rel @!p2 .LBB2_5-.Ltmp1, $4  }
0x1d: {  	[hbm:s7], [sflag:s15] =	dma.local [spmem:s16], $0x2780  }
0x1e: {  	_ =	swait.ge [sflag:s9], $0x2780  }
0x1f: {  	[sflag:s9] =	ssyncset.done $0x0  }
0x20: {  	[sflag:s9] =	ssyncadd.s32 $0xFFFFD880  }
.LBB2_1:
0x21: {  	[tilespmem:s3], [sflag:$0x5] =	stream.linear.gather [hbm4b:s6+s3], $0x2780, $0x38;
	[tilespmem:$0x1E580] =	vst v63  }
0x22: {  	_ =	swait.ge [sflag:s9], $0x2780  }
0x23: {  	[sflag:s9] =	ssyncset.done $0x0  }
0x24: {  	[sflag:s9] =	ssyncadd.s32 $0xFFFFD880  }
0x25: {  	v0 =	vld [tilespmem:$0x0];
	_ =	sdelay $0x1  }
0x26: {  	v1 =	vld [tilespmem:$0x10];
	_ =	sdelay $0x1  }
0x27: {  	v2 =	vld [tilespmem:$0x20]  }
0x28: {  	v3 =	vand.u32 $0x3FFF, v0  }
0x29: {  	v22 =	vld [tilespmem:$0x30];
	v0 =	vshra.s32 v0, $0xE;
	[tilespmem:$0x2780] =	vst v3  }
0x2a: {  	v23 =	vand.u32 $0x3FFF, v1;
	[tilespmem:$0x2880] =	vst v0  }
0x2b: {  	v25 =	vld [tilespmem:$0x40];
	v24 =	vshra.s32 v1, $0xE;
	[tilespmem:$0x2790] =	vst v23  }
0x2c: {  	v26 =	vand.u32 $0x3FFF, v2;
	[tilespmem:$0x2890] =	vst v24  }
0x2d: {  	v28 =	vld [tilespmem:$0x50];
	v27 =	vshra.s32 v2, $0xE;
	[tilespmem:$0x27A0] =	vst v26  }
0x2e: {  	v29 =	vand.u32 $0x3FFF, v22;
	[tilespmem:$0x28A0] =	vst v27  }
0x2f: {  	v31 =	vld [tilespmem:$0x60];
	v30 =	vshra.s32 v22, $0xE;
	[tilespmem:$0x27B0] =	vst v29  }
0x30: {  	v32 =	vand.u32 $0x3FFF, v25;
	[tilespmem:$0x28B0] =	vst v30  }
0x31: {  	v34 =	vld [tilespmem:$0x70];
	v33 =	vshra.s32 v25, $0xE;
	[tilespmem:$0x27C0] =	vst v32  }
0x32: {  	v35 =	vand.u32 $0x3FFF, v28;
	[tilespmem:$0x28C0] =	vst v33  }
0x33: {  	v36 =	vshra.s32 v28, $0xE;
	[tilespmem:$0x27D0] =	vst v35  }
0x34: {  	v37 =	vand.u32 $0x3FFF, v31;
	[tilespmem:$0x28D0] =	vst v36  }
0x35: {  	v38 =	vshra.s32 v31, $0xE;
	[tilespmem:$0x27E0] =	vst v37  }
0x36: {  	v39 =	vand.u32 $0x3FFF, v34;
	[tilespmem:$0x28E0] =	vst v38  }
0x37: {  	v40 =	vshra.s32 v34, $0xE;
	[tilespmem:$0x27F0] =	vst v39  }
0x38: {  	[tilespmem:$0x28F0] =	vst v40  }
0x39: {  	[tilespmem:s12], [sflag:$0x1] =	stream.indirect.gather [hbm4b:s4+s10], $0x80, s11, s10, $0xb8;
	[tilespmem:$0x1E580] =	vst v63  }
0x3a: {  	v41 =	vld [tilespmem:$0x80];
	_ =	sdelay $0x1  }
0x3b: {  	v42 =	vld [tilespmem:$0x90];
	_ =	sdelay $0x1  }
0x3c: {  	v43 =	vld [tilespmem:$0xA0]  }
0x3d: {  	v44 =	vand.u32 $0x3FFF, v41  }
0x3e: {  	v45 =	vld [tilespmem:$0xB0];
	v0 =	vshra.s32 v41, $0xE;
	[tilespmem:$0x2800] =	vst v44  }
0x3f: {  	v46 =	vand.u32 $0x3FFF, v42;
	[tilespmem:$0x2900] =	vst v0  }
0x40: {  	v48 =	vld [tilespmem:$0xC0];
	v47 =	vshra.s32 v42, $0xE;
	[tilespmem:$0x2810] =	vst v46  }
0x41: {  	v49 =	vand.u32 $0x3FFF, v43;
	[tilespmem:$0x2910] =	vst v47  }
0x42: {  	v51 =	vld [tilespmem:$0xD0];
	v50 =	vshra.s32 v43, $0xE;
	[tilespmem:$0x2820] =	vst v49  }
0x43: {  	v52 =	vand.u32 $0x3FFF, v45;
	[tilespmem:$0x2920] =	vst v50  }
0x44: {  	v54 =	vld [tilespmem:$0xE0];
	v53 =	vshra.s32 v45, $0xE;
	[tilespmem:$0x2830] =	vst v52  }
0x45: {  	v55 =	vand.u32 $0x3FFF, v48;
	[tilespmem:$0x2930] =	vst v53  }
0x46: {  	v57 =	vld [tilespmem:$0xF0];
	v56 =	vshra.s32 v48, $0xE;
	[tilespmem:$0x2840] =	vst v55  }
0x47: {  	v58 =	vand.u32 $0x3FFF, v51;
	[tilespmem:$0x2940] =	vst v56  }
0x48: {  	v59 =	vshra.s32 v51, $0xE;
	[tilespmem:$0x2850] =	vst v58  }
0x49: {  	v60 =	vand.u32 $0x3FFF, v54;
	[tilespmem:$0x2950] =	vst v59  }
0x4a: {  	v61 =	vshra.s32 v54, $0xE;
	[tilespmem:$0x2860] =	vst v60  }
0x4b: {  	v62 =	vand.u32 $0x3FFF, v57;
	[tilespmem:$0x2960] =	vst v61  }
0x4c: {  	v63 =	vshra.s32 v57, $0xE;
	[tilespmem:$0x2870] =	vst v62  }
0x4d: {  	[tilespmem:$0x2970] =	vst v63  }
0x4e: {  	[tilespmem:s14], [sflag:$0x2] =	stream.indirect.gather [hbm4b:s4+s10], $0x80, s13, s10, $0xb8;
	[tilespmem:$0x1E580] =	vst v63  }
0x4f: {  	[spmem:s16], [sflag:s15] =	dma.local [hbm:s5], $0x2780  }
0x50: {  	_ =	swait.ge [sflag:s9], $0x2780  }
0x51: {  	[sflag:s9] =	ssyncset.done $0x0  }
0x52: {  	[sflag:s9] =	ssyncadd.s32 $0xFFFFD880  }
0x53: {  	s24 =	simm.s32 $0x0;
	[bflag:$0x0] =	sbarrier.arrive $0xFFFF  }
.LBB2_2:
0x54: {  	_ =	swait.ge [sflag:s17], $0x4000  }
0x55: {  	[sflag:s17] =	ssyncset.done $0x0  }
0x56: {  	[sflag:s17] =	ssyncadd.s32 $0xFFFFC000  }
0x57: {  	[spmem:s2] =	stream.indirect.scatter.add.f32 [tilespmem:s12], [sflag:$0x3], $0x80, s18, s10, $0xb8;
	[tilespmem:$0x1E580] =	vst v63  }
0x58: {  	_ =	swait.ge [sflag:s19], $0x4000  }
0x59: {  	p2 =	seq.s32 @!p0 s24, $0x9800;
	[sflag:s19] =	ssyncset.done $0x0  }
0x5a: {  	s25 =	sshra.s32 s24, $0x2;
	p2 =	por p0, !p2;
	[sflag:s19] =	ssyncadd.s32 $0xFFFFC000  }
0x5b: {  	v0 =	vld @p2 [tilespmem:s25+$0x100];
	_ =	sdelay $0x4  }
0x5c: {  	v1 =	vand.u32 @p2 $0x3FFF, v0  }
0x5d: {  	v0 =	vshra.s32 @p2 v0, $0xE;
	[tilespmem:$0x2780] =	vst @p2 v1  }
0x5e: {  	[tilespmem:$0x2880] =	vst @p2 v0  }
0x5f: {  	v0 =	vld @p2 [tilespmem:s25+$0x110];
	_ =	sdelay $0x4  }
0x60: {  	v1 =	vand.u32 @p2 $0x3FFF, v0  }
0x61: {  	v0 =	vshra.s32 @p2 v0, $0xE;
	[tilespmem:$0x2790] =	vst @p2 v1  }
0x62: {  	[tilespmem:$0x2890] =	vst @p2 v0  }
0x63: {  	v0 =	vld @p2 [tilespmem:s25+$0x120];
	_ =	sdelay $0x4  }
0x64: {  	v1 =	vand.u32 @p2 $0x3FFF, v0  }
0x65: {  	v0 =	vshra.s32 @p2 v0, $0xE;
	[tilespmem:$0x27A0] =	vst @p2 v1  }
0x66: {  	[tilespmem:$0x28A0] =	vst @p2 v0  }
0x67: {  	v0 =	vld @p2 [tilespmem:s25+$0x130];
	_ =	sdelay $0x4  }
0x68: {  	v1 =	vand.u32 @p2 $0x3FFF, v0  }
0x69: {  	v0 =	vshra.s32 @p2 v0, $0xE;
	[tilespmem:$0x27B0] =	vst @p2 v1  }
0x6a: {  	[tilespmem:$0x28B0] =	vst @p2 v0  }
0x6b: {  	v0 =	vld @p2 [tilespmem:s25+$0x140];
	_ =	sdelay $0x4  }
0x6c: {  	v1 =	vand.u32 @p2 $0x3FFF, v0  }
0x6d: {  	v0 =	vshra.s32 @p2 v0, $0xE;
	[tilespmem:$0x27C0] =	vst @p2 v1  }
0x6e: {  	[tilespmem:$0x28C0] =	vst @p2 v0  }
0x6f: {  	v0 =	vld @p2 [tilespmem:s25+$0x150];
	_ =	sdelay $0x4  }
0x70: {  	v1 =	vand.u32 @p2 $0x3FFF, v0  }
0x71: {  	v0 =	vshra.s32 @p2 v0, $0xE;
	[tilespmem:$0x27D0] =	vst @p2 v1  }
0x72: {  	[tilespmem:$0x28D0] =	vst @p2 v0  }
0x73: {  	v0 =	vld @p2 [tilespmem:s25+$0x160];
	_ =	sdelay $0x4  }
0x74: {  	v1 =	vand.u32 @p2 $0x3FFF, v0  }
0x75: {  	v0 =	vshra.s32 @p2 v0, $0xE;
	[tilespmem:$0x27E0] =	vst @p2 v1  }
0x76: {  	[tilespmem:$0x28E0] =	vst @p2 v0  }
0x77: {  	v0 =	vld @p2 [tilespmem:s25+$0x170];
	_ =	sdelay $0x4  }
0x78: {  	v1 =	vand.u32 @p2 $0x3FFF, v0  }
0x79: {  	v0 =	vshra.s32 @p2 v0, $0xE;
	[tilespmem:$0x27F0] =	vst @p2 v1  }
0x7a: {  	[tilespmem:$0x28F0] =	vst @p2 v0  }
0x7b: {  	[tilespmem:s12], [sflag:$0x1] =	stream.indirect.gather @p2 [hbm4b:s4+s10], $0x80, s11, s10, $0xb8;
	[tilespmem:$0x1E580] =	vst v63  }
0x7c: {  	_ =	swait.ge [sflag:s20], $0x4000  }
0x7d: {  	p2 =	seq.s32 s24, $0x9800;
	[sflag:s20] =	ssyncset.done $0x0  }
.Ltmp2:
0x7e: {  	[sflag:s20] =	ssyncadd.s32 $0xFFFFC000;
	(pc) =	sbr.rel @p2 .LBB2_4-.Ltmp2, $4  }
0x7f: {  	[spmem:s2] =	stream.indirect.scatter.add.f32 [tilespmem:s14], [sflag:$0x4], $0x80, s21, s10, $0xb8;
	[tilespmem:$0x1E580] =	vst v63  }
0x80: {  	_ =	swait.ge [sflag:s22], $0x4000  }
0x81: {  	[sflag:s22] =	ssyncset.done $0x0  }
0x82: {  	[sflag:s22] =	ssyncadd.s32 $0xFFFFC000  }
0x83: {  	v0 =	vld [tilespmem:s25+$0x180];
	_ =	sdelay $0x4  }
0x84: {  	v1 =	vand.u32 $0x3FFF, v0  }
0x85: {  	v0 =	vshra.s32 v0, $0xE;
	[tilespmem:$0x2800] =	vst v1  }
0x86: {  	[tilespmem:$0x2900] =	vst v0  }
0x87: {  	v0 =	vld [tilespmem:s25+$0x190];
	_ =	sdelay $0x4  }
0x88: {  	v57 =	vand.u32 $0x3FFF, v0  }
0x89: {  	v0 =	vshra.s32 v0, $0xE;
	[tilespmem:$0x2810] =	vst v57  }
0x8a: {  	[tilespmem:$0x2910] =	vst v0  }
0x8b: {  	v0 =	vld [tilespmem:s25+$0x1A0];
	_ =	sdelay $0x4  }
0x8c: {  	v58 =	vand.u32 $0x3FFF, v0  }
0x8d: {  	v0 =	vshra.s32 v0, $0xE;
	[tilespmem:$0x2820] =	vst v58  }
0x8e: {  	[tilespmem:$0x2920] =	vst v0  }
0x8f: {  	v0 =	vld [tilespmem:s25+$0x1B0];
	_ =	sdelay $0x4  }
0x90: {  	v59 =	vand.u32 $0x3FFF, v0  }
0x91: {  	v0 =	vshra.s32 v0, $0xE;
	[tilespmem:$0x2830] =	vst v59  }
0x92: {  	[tilespmem:$0x2930] =	vst v0  }
0x93: {  	v0 =	vld [tilespmem:s25+$0x1C0];
	_ =	sdelay $0x4  }
0x94: {  	v60 =	vand.u32 $0x3FFF, v0  }
0x95: {  	v0 =	vshra.s32 v0, $0xE;
	[tilespmem:$0x2840] =	vst v60  }
0x96: {  	[tilespmem:$0x2940] =	vst v0  }
0x97: {  	v0 =	vld [tilespmem:s25+$0x1D0];
	_ =	sdelay $0x4  }
0x98: {  	v61 =	vand.u32 $0x3FFF, v0  }
0x99: {  	v0 =	vshra.s32 v0, $0xE;
	[tilespmem:$0x2850] =	vst v61  }
0x9a: {  	[tilespmem:$0x2950] =	vst v0  }
0x9b: {  	v0 =	vld [tilespmem:s25+$0x1E0];
	_ =	sdelay $0x4  }
0x9c: {  	v62 =	vand.u32 $0x3FFF, v0  }
0x9d: {  	v0 =	vshra.s32 v0, $0xE;
	[tilespmem:$0x2860] =	vst v62  }
0x9e: {  	[tilespmem:$0x2960] =	vst v0  }
0x9f: {  	v0 =	vld [tilespmem:s25+$0x1F0];
	_ =	sdelay $0x3  }
.Ltmp3:
0xa0: {  	_ = 	snop;
	(pc) =	sbr.rel .LBB2_2-.Ltmp3, $4  }
0xa1: {  	v63 =	vand.u32 $0x3FFF, v0  }
0xa2: {  	v0 =	vshra.s32 v0, $0xE;
	[tilespmem:$0x2870] =	vst v63  }
0xa3: {  	s24 =	sadd.s32 $0x400, s24;
	[tilespmem:$0x2970] =	vst v0  }
0xa4: {  	[tilespmem:s14], [sflag:$0x2] =	stream.indirect.gather [hbm4b:s4+s10], $0x80, s13, s10, $0xb8;
	[tilespmem:$0x1E580] =	vst v63  }
.LBB2_5:
0xa5: {  	_ =	sfence.sel $0x180000  }
0xa6: {  	[bflag:$0x0] =	sbarrier.arrive $0xFFFF  }
0xa7: {  	p0 =	sne.s32 s1, $0x0;
	_ =	strace $0x90000047  }
0xa8: {  	s0 =	sadd.s32 @!p0 $0x100000, s0;
	[bflag:$0x2] =	sbarrier.arrive $0xFFFF  }
0xa9: {  	[sflag:s0] =	ssyncadd.tile.s32 @!p0 $0x1;
	_ =	shalt  }
.Lfunc_end2:
_tile_overlayer_lowered:
.L_overlay_start_2:
0xaa: {  	(tag) =	ssettag $0x2  }
0xab: {  	s0 =	rddreg [dreg:$0x0];
	s2 =	stileid.u32  }
0xac: {  	s1 =	rddreg [dreg:$0x1];
	p0 =	sne.s32 s2, $0x0  }
0xad: {  	s3 =	rddreg [dreg:$0x2];
	[bflag:$0x3] =	sbarrier.arrive $0xFFFF;
	s2 =	simm.s32 @!p0 $0x1C05  }
0xae: {  	[timem:s3], [sflag:s2] =	dma.local @!p0 [hbm:s0], s1  }
0xaf: {  	s0 =	simm.s32 @!p0 $0x5  }
0xb0: {  	_ =	swait.ge @!p0 [sflag:s0], s1  }
0xb1: {  	s1 =	ssub.s32 @!p0 $0x0, s1;
	[sflag:s0] =	ssyncset.done @!p0 $0x0  }
0xb2: {  	[sflag:s0] =	ssyncadd.s32 @!p0 s1  }
0xb3: {  	[bflag:$0x3] =	sbarrier.arrive $0xFFFF  }
0xb4: {  	_ =	shalt  }

// kernel: kernel.13.cloned.1.call-start
scs
__scs_entry_jumppad:
0x0: {  	(pc) =	sbr.rel $0x88, $3  }
0x1: {  	(tag) =	ssettag $0x0;
	lr =	simm.s32 $0x1  }
0x2: {  	[smem:$0x3F91] =	sst lr;
	_ =	strace $0xD0000000  }
0x3: {  	_ = 	snop  }
0x4: {  	_ = 	snop  }
0x5: {  	_ = 	snop  }
0x6: {  	_ = 	snop  }
0x7: {  	_ = 	snop  }
__scs_overlays_trampoline_lowered:
0x8: {  	[smem:$0x3FA0] =	sst s0  }
0x9: {  	[smem:$0x3FA1] =	sst s1  }
0xa: {  	[smem:$0x3FA2] =	sst s2  }
0xb: {  	[smem:$0x3FA3] =	sst s3  }
0xc: {  	[smem:$0x3FA4] =	sst s4  }
0xd: {  	[smem:$0x3FA5] =	sst s5  }
0xe: {  	[smem:$0x3FA6] =	sst s6  }
0xf: {  	[smem:$0x3FA7] =	sst s7  }
0x10: {  	[smem:$0x3FA8] =	sst s8  }
0x11: {  	[smem:$0x3FA9] =	sst s9;
	s0 =	simm.s32 @!p0 $0x0  }
0x12: {  	s1 =	sld [smem:$0x3F8F];
	s0 =	simm.s32 @p0 $0x1  }
0x13: {  	[smem:$0x3FAA] =	sst s0;
	s0 =	simm.s32 @!p1 $0x0  }
0x14: {  	s2 =	sld [smem:$0x3F8E];
	s0 =	simm.s32 @p1 $0x1  }
0x15: {  	[smem:$0x3FAB] =	sst s0;
	s0 =	simm.s32 @!p2 $0x0  }
0x16: {  	s3 =	sld [smem:$0x3FDB];
	s0 =	simm.s32 @p2 $0x1  }
0x17: {  	s4 =	simm.s32 $0x1BF5;
	[smem:$0x3FAD] =	sst s0  }
0x18: {  	s0 =	sld [smem:$0x3F90];
	_ =	swait.ge [sflag:s4], $0x0  }
0x19: {  	s7 =	sld [smem:$0x3F91]  }
0x1a: {  	s8 =	sadd.s32 $0xFFFFE003, lr  }
0x1b: {  	s9 =	sadd.s32 $0xFFFFFEF7, lr;
	s5 =	simm.s32 $0xFFFFFFFF;
	p2 =	slt.u32 s8, $0xFFFFF086  }
0x1c: {  	p1 =	slt.u32 s9, $0xF7A;
	s5 =	simm.s32 @!p2 $0x0  }
0x1d: {  	s5 =	simm.s32 @p1 $0x1;
	p0 =	seq.s32 s7, s2  }
0x1e: {  	s7 =	smul.u32 @!p0 $0xF7A, s2;
	p2 =	seq.s32 @!p0 s5, $0x0  }
0x1f: {  	s9 =	smul.u32 $0xF7A, s1;
	s8 =	simm.s32 @!p0 $0x1BF5;
	p2 =	por !p2, p0  }
0x20: {  	[sflag:s8] =	ssyncset.s32 @!p0 $0xFFFFF086;
	s6 =	sadd.s32 @!p0 s3, s7;
	s7 =	simm.s32 @!p0 $0x108  }
0x21: {  	s3 =	sadd.s32 s3, s9;
	s6 =	sadd.s32 @!p0 $0x88, s6;
	s7 =	simm.s32 @p2 $0x1082  }
0x22: {  	[simem:s7], [sflag:s8] =	dma.local @!p0 [hbm:s6], $0xF7A  }
0x23: {  	s9 =	sor.u32 $0xD0000000, s2;
	s6 =	simm.s32 $0x108;
	_ =	swait.ge @!p0 [sflag:s8], $0x0  }
0x24: {  	s3 =	sadd.s32 $0x88, s3;
	s6 =	simm.s32 @!p1 $0x1082;
	[sflag:s4] =	ssyncset.s32 $0xFFFFF086  }
0x25: {  	[simem:s6], [sflag:s4] =	dma.local [hbm:s3], $0xF7A  }
0x26: {  	[smem:$0x3F91] =	sst s1;
	(tag) =	ssettag s2;
	_ =	strace s9  }
0x27: {  	s1 =	sld [smem:$0x3FA1]  }
0x28: {  	s2 =	sld [smem:$0x3FA2]  }
0x29: {  	s4 =	sld [smem:$0x3FA4]  }
0x2a: {  	p0 =	seq.s32 s5, $0x0;
	s5 =	sld [smem:$0x3FA5]  }
0x2b: {  	s6 =	sld [smem:$0x3FA6]  }
0x2c: {  	s7 =	sld [smem:$0x3FA7]  }
0x2d: {  	s3 =	simm.s32 $0x108;
	s8 =	sld [smem:$0x3FA8]  }
0x2e: {  	s3 =	simm.s32 @!p0 $0x1082;
	s9 =	sld [smem:$0x3FA9]  }
0x2f: {  	lr =	sadd.s32 s0, s3;
	s0 =	sld [smem:$0x3FA0]  }
0x30: {  	s3 =	sld [smem:$0x3FA3]  }
0x31: {  	[smem:$0x3FAC] =	sst s10  }
0x32: {  	s10 =	sld [smem:$0x3FAA];
	_ =	sdelay $0x3  }
0x33: {  	p0 =	seq.s32 s10, $0x1;
	s10 =	sld [smem:$0x3FAC];
	_ =	sdelay $0x3  }
0x34: {  	[smem:$0x3FAC] =	sst s10  }
0x35: {  	s10 =	sld [smem:$0x3FAB];
	_ =	sdelay $0x3  }
0x36: {  	p1 =	seq.s32 s10, $0x1;
	s10 =	sld [smem:$0x3FAC];
	_ =	sdelay $0x3  }
0x37: {  	[smem:$0x3FAC] =	sst s10  }
0x38: {  	s10 =	sld [smem:$0x3FAD]  }
0x39: {  	_ = 	snop;
	(pc) =	sbr.ind lr, $3  }
0x3a: {  	_ = 	snop  }
0x3b: {  	_ = 	snop  }
0x3c: {  	p2 =	seq.s32 s10, $0x1;
	s10 =	sld [smem:$0x3FAC]  }
0x3d: {  	_ =	shalt  }
0x3e: {  	_ =	shalt  }
0x3f: {  	_ =	shalt  }
0x40: {  	_ =	shalt  }
0x41: {  	_ =	shalt  }
0x42: {  	_ =	shalt  }
0x43: {  	_ =	shalt  }
0x44: {  	_ =	shalt  }
0x45: {  	_ =	shalt  }
0x46: {  	_ =	shalt  }
0x47: {  	_ =	shalt  }
0x48: {  	_ =	shalt  }
0x49: {  	_ =	shalt  }
0x4a: {  	_ =	shalt  }
0x4b: {  	_ =	shalt  }
0x4c: {  	_ =	shalt  }
0x4d: {  	_ =	shalt  }
0x4e: {  	_ =	shalt  }
0x4f: {  	_ =	shalt  }
0x50: {  	_ =	shalt  }
0x51: {  	_ =	shalt  }
0x52: {  	_ =	shalt  }
0x53: {  	_ =	shalt  }
0x54: {  	_ =	shalt  }
0x55: {  	_ =	shalt  }
0x56: {  	_ =	shalt  }
0x57: {  	_ =	shalt  }
0x58: {  	_ =	shalt  }
0x59: {  	_ =	shalt  }
0x5a: {  	_ =	shalt  }
0x5b: {  	_ =	shalt  }
0x5c: {  	_ =	shalt  }
0x5d: {  	_ =	shalt  }
0x5e: {  	_ =	shalt  }
0x5f: {  	_ =	shalt  }
0x60: {  	_ =	shalt  }
0x61: {  	_ =	shalt  }
0x62: {  	_ =	shalt  }
0x63: {  	_ =	shalt  }
0x64: {  	_ =	shalt  }
0x65: {  	_ =	shalt  }
0x66: {  	_ =	shalt  }
0x67: {  	_ =	shalt  }
0x68: {  	_ =	shalt  }
0x69: {  	_ =	shalt  }
0x6a: {  	_ =	shalt  }
0x6b: {  	_ =	shalt  }
0x6c: {  	_ =	shalt  }
0x6d: {  	_ =	shalt  }
0x6e: {  	_ =	shalt  }
0x6f: {  	_ =	shalt  }
0x70: {  	_ =	shalt  }
0x71: {  	_ =	shalt  }
0x72: {  	_ =	shalt  }
0x73: {  	_ =	shalt  }
0x74: {  	_ =	shalt  }
0x75: {  	_ =	shalt  }
0x76: {  	_ =	shalt  }
0x77: {  	_ =	shalt  }
0x78: {  	_ =	shalt  }
0x79: {  	_ =	shalt  }
0x7a: {  	_ =	shalt  }
0x7b: {  	_ =	shalt  }
0x7c: {  	_ =	shalt  }
0x7d: {  	_ =	shalt  }
0x7e: {  	_ =	shalt  }
0x7f: {  	_ =	shalt  }
0x80: {  	_ =	shalt  }
0x81: {  	_ =	shalt  }
0x82: {  	_ =	shalt  }
0x83: {  	_ =	shalt  }
0x84: {  	_ =	shalt  }
0x85: {  	_ =	shalt  }
0x86: {  	_ =	shalt  }
0x87: {  	_ =	shalt  }
.Lfunc_end0:
.L_simem_size_0:
called_computation.1_lowered:
.L_overlay_start_0:
0x88: {  	s2 =	sld [smem:$0x3FD9]  }
0x89: {  	s3 =	sld [smem:$0x3FFE];
	_ =	sdelay $0x1  }
0x8a: {  	s1 =	srdreg.scid  }
0x8b: {  	s0 =	sand.u32 $0x1, s1  }
0x8c: {  	s14 =	sshll.u32 s0, $0xA;
	s2 =	sadd.s32 s3, s2  }
0x8d: {  	s2 =	sadd.s32 s2, s14  }
0x8e: {  	[smem:$0x3FB8] =	sst s2  }
0x8f: {  	_ = 	snop  }
0x90: {  	s2 =	sld [smem:$0x3FD0];
	_ =	sdelay $0x2  }
0x91: {  	s15 =	simm.s32 $0xA;
	s4 =	simm.s32 $0x10  }
0x92: {  	[smem:s4], [sflag:s15] =	dma.local [hbm:s2], $0x1  }
0x93: {  	_ =	swait.eq [sflag:s15], $0x1  }
0x94: {  	[sflag:s15] =	ssyncset.done $0x0  }
0x95: {  	[sflag:s15] =	ssyncadd.s32 $0xFFFFFFFF  }
0x96: {  	s16 =	sld [smem:$0x11];
	(tm) =	ssettm $0x1  }
0x97: {  	s17 =	sld [smem:$0x3FFB];
	_ =	sdelay $0x3  }
0x98: {  	_ =	strace s17  }
0x99: {  	s3 =	sld [smem:$0x3FFC];
	_ =	sdelay $0x3  }
0x9a: {  	_ =	strace s3  }
0x9b: {  	s3 =	sld [smem:$0x3FFD];
	_ =	sdelay $0x3  }
0x9c: {  	_ =	strace s3  }
0x9d: {  	_ =	strace $0x8FFFFFFF  }
0x9e: {  	s18 =	sld [smem:$0x3FDB];
	_ =	sdelay $0x1  }
0x9f: {  	s19 =	simm.s32 $_scs_section_size  }
0xa0: {  	s5 =	simm.s32 $_size__tile_overlayer_lowered;
	s6 =	simm.s32 $_tile_overlayer_lowered  }
0xa1: {  	s22 =	simm.s32 $0x1BFF;
	s21 =	sshll.u32 s6, $0x1;
	s3 =	sadd.s32 s19, s18  }
0xa2: {  	s7 =	simm.s32 $0x0;
	s20 =	sshll.u32 s5, $0x1;
	s5 =	sadd.s32 s21, s3  }
0xa3: {  	[timem:s7], [sflag:s22] =	dma.local [hbm:s5], s20  }
0xa4: {  	_ =	swait.ge [sflag:s22], s20  }
0xa5: {  	s4 =	ssub.s32 $0x0, s20;
	[sflag:s22] =	ssyncset.done $0x0  }
0xa6: {  	[sflag:s22] =	ssyncadd.s32 s4;
	_ =	sdelay $0x1  }
0xa7: {  	s23 =	simm.s32 $0x1B8B  }
0xa8: {  	_ =	swait.ge [sflag:s23], $0x1  }
0xa9: {  	[sflag:s23] =	ssyncset.done $0x0  }
0xaa: {  	s25 =	simm.s32 $0x1B8E;
	s24 =	sld [smem:$0x3FFE];
	[sflag:s23] =	ssyncadd.s32 $0xFFFFFFFF  }
0xab: {  	s26 =	simm.s32 $execute0_lowered;
	[smem:$0x3FD2] =	sst s25  }
0xac: {  	s5 =	sshll.u32 s26, $0x1;
	_ =	strace $0x80000049;
	[dreg:$0x1] =	wrdreg $0xFFFFFFFF  }
0xad: {  	s28 =	simm.s32 $_size_execute0_lowered;
	s3 =	sadd.s32 s3, s5;
	[dreg:$0x0] =	wrdreg $0x0  }
0xae: {  	s5 =	sshll.u32 s28, $0x1;
	[dreg:$0x2] =	wrdreg s3  }
0xaf: {  	[dreg:$0x3] =	wrdreg s5  }
0xb0: {  	[dreg:$0x4] =	wrdreg $0xC0  }
0xb1: {  	_ =	task [dreg:s7], $0x5FFFF  }
0xb2: {  	[dreg:$0x1] =	wrdreg $0xFFFFFFFF  }
0xb3: {  	[dreg:$0x0] =	wrdreg $0x60  }
0xb4: {  	[dreg:$0x2] =	wrdreg s24  }
0xb5: {  	[dreg:$0x3] =	wrdreg s16  }
0xb6: {  	[dreg:$0x4] =	wrdreg $0xA9800  }
0xb7: {  	[dreg:$0x5] =	wrdreg $0x9  }
0xb8: {  	_ =	task.clear_ibuf [dreg:s7], $0x6FFFF;
	_ =	strace $0x90000049  }
0xb9: {  	s29 =	simm.s32 $0x9;
	_ =	strace $0x8000004B  }
0xba: {  	_ =	swait.ge [sflag:s29], $0x1  }
0xbb: {  	[sflag:s29] =	ssyncadd.s32 $0xFFFFFFFF  }
0xbc: {  	_ =	strace $0x9000004B  }
0xbd: {  	_ =	sfence  }
0xbe: {  	s30 =	sld [smem:$0x0];
	_ =	sdelay $0x2  }
0xbf: {  	s31 =	sshll.u32 s1, $0xD;
	s1 =	sshrl.u32 s1, $0x2  }
0xc0: {  	s3 =	sand.u32 $0x4000, s31;
	s1 =	sadd.s32 s1, s30  }
0xc1: {  	s0 =	sor.u32 s3, s0;
	s1 =	sshll.u32 s1, $0x11  }
0xc2: {  	s0 =	sor.u32 s1, s0  }
0xc3: {  	s0 =	sadd.s32 $0x8F2B, s0  }
0xc4: {  	[sflag:s0] =	ssyncadd.remote.s32 $0x1  }
0xc5: {  	_ =	sfence.sel $0xFFFF  }
0xc6: {  	[dreg:$0x0] =	wrdreg $0xFFFFFFFF;
	(pc) =	sbr.abs _section_cstart, $3  }
0xc7: {  	[dreg:$0x1] =	wrdreg $0xFFFFFFFF  }
0xc8: {  	_ =	task.clear_ibuf [dreg:s7], $0x2FFFF;
	_ =	strace $0x9FFFFFFF  }
0xc9: {  	(tm) =	ssettm $0x7FFFFFFF  }
tec
execute0_lowered:
.L_overlay_start_1:
0x0: {  	(tag) =	ssettag $0x1  }
0x1: {  	s5 =	rddreg [dreg:$0x0]  }
0x2: {  	s0 =	srdreg.scid;
	s7 =	rddreg [dreg:$0x1]  }
0x3: {  	s2 =	rddreg [dreg:$0x2];
	s1 =	stileid.u32;
	s3 =	simm.s32 $0x0  }
0x4: {  	s13 =	simm.s32 $0x2800;
	s14 =	simm.s32 $0x6980;
	s17 =	simm.s32 $0x1  }
0x5: {  	s18 =	simm.s32 $0x2880;
	s19 =	simm.s32 $0x3;
	s20 =	simm.s32 $0x2  }
0x6: {  	s21 =	simm.s32 $0x2900;
	s6 =	sand.u32 $0x1, s0;
	s0 =	rddreg [dreg:$0x3]  }
0x7: {  	s22 =	simm.s32 $0x4;
	[smem:$0x7FF] =	sst s3;
	s10 =	smul.u32 $0x13C00, s1  }
0x8: {  	s12 =	smul.u32 $0x4F000, s1;
	s15 =	sshll.u32 s1, $0x6;
	s4 =	sshll.u32 s6, $0x4  }
0x9: {  	_ =	strace $0x8000004A;
	s30 =	smul.u32 $0x13C000, s6;
	s6 =	ssub.s32 $0x2, s6  }
0xa: {  	s15 =	sor.u32 $0x1C05, s15;
	s23 =	sor.u32 s1, s4;
	s4 =	sadd.s32 $0xEC00, s5  }
0xb: {  	s11 =	sshrl.u32 s6, $0x1;
	s31 =	sshrl.u32 s12, $0x2;
	s12 =	simm.s32 $0x2980  }
0xc: {  	s8 =	smul.u32 $0x4E, s23;
	s9 =	smin.u32 s23, $0x4;
	s11 =	ssub.s32 s6, s11  }
0xd: {  	s16 =	sadd.s32 s31, s2;
	p0 =	slt.u32 s23, $0x4;
	p1 =	sgt.u32 s23, $0x3  }
.Ltmp0:
0xe: {  	s23 =	simm.s32 $0x0;
	s8 =	sadd.s32 s9, s8;
	(pc) =	sbr.rel .LBB2_1-.Ltmp0, $4  }
0xf: {  	s16 =	sshrl.u32 s16, $0x3;
	s9 =	sadd.s32 s10, s30;
	s8 =	sshll.u32 s8, $0x4  }
0x10: {  	s10 =	simm.s32 $0x80;
	s9 =	sshrl.u32 s9, $0x3;
	s8 =	sadd.s32 s8, s5  }
0x11: {  	s5 =	sadd.s32 $0x36400, s5;
	s7 =	sadd.s32 s7, s9;
	s9 =	simm.s32 $0x5  }
0x12: {  	s6 =	sadd.s32 $0x4E00, s8;
	s8 =	smax.u32 s11, $0x1;
	s11 =	simm.s32 $0x2780  }
.LBB2_4:
0x13: {  	s24 =	simm.s32 @!p1 $0x1  }
0x14: {  	_ =	swait.ge @!p1 [sflag:s24], $0x4000  }
0x15: {  	s25 =	simm.s32 @!p1 $0x2880;
	[sflag:s24] =	ssyncset.done @!p1 $0x0  }
0x16: {  	s26 =	simm.s32 @!p1 $0x2980;
	[sflag:s24] =	ssyncadd.s32 @!p1 $0xFFFFC000;
	s24 =	simm.s32 @!p1 $0x80  }
0x17: {  	[spmem:s2] =	stream.indirect.scatter.add.f32 @!p1 [tilespmem:s26], [sflag:$0x3], $0x80, s25, s24, $0xb8;
	[tilespmem:$0x1E580] =	vst v63  }
0x18: {  	s24 =	simm.s32 @!p1 $0x3  }
0x19: {  	_ =	swait.ge @!p1 [sflag:s24], $0x4000  }
0x1a: {  	s23 =	sadd.s32 $0x1, s23;
	[sflag:s24] =	ssyncset.done @!p1 $0x0  }
0x1b: {  	p2 =	sne.s32 s23, s8;
	[sflag:s24] =	ssyncadd.s32 @!p1 $0xFFFFC000  }
.Ltmp1:
0x1c: {  	[bflag:$0x0] =	sbarrier.arrive $0xFFFF;
	(pc) =	sbr.rel @!p2 .LBB2_5-.Ltmp1, $4  }
0x1d: {  	[hbm:s7], [sflag:s15] =	dma.local [spmem:s16], $0x2780  }
0x1e: {  	_ =	swait.ge [sflag:s9], $0x2780  }
0x1f: {  	[sflag:s9] =	ssyncset.done $0x0  }
0x20: {  	[sflag:s9] =	ssyncadd.s32 $0xFFFFD880  }
.LBB2_1:
0x21: {  	[tilespmem:s3], [sflag:$0x5] =	stream.linear.gather [hbm4b:s6+s3], $0x2780, $0x38;
	[tilespmem:$0x1E580] =	vst v63  }
0x22: {  	_ =	swait.ge [sflag:s9], $0x2780  }
0x23: {  	[sflag:s9] =	ssyncset.done $0x0  }
0x24: {  	[sflag:s9] =	ssyncadd.s32 $0xFFFFD880  }
0x25: {  	v0 =	vld [tilespmem:$0x0];
	_ =	sdelay $0x1  }
0x26: {  	v1 =	vld [tilespmem:$0x10];
	_ =	sdelay $0x1  }
0x27: {  	v2 =	vld [tilespmem:$0x20]  }
0x28: {  	v3 =	vand.u32 $0x3FFF, v0  }
0x29: {  	v22 =	vld [tilespmem:$0x30];
	v0 =	vshra.s32 v0, $0xE;
	[tilespmem:$0x2780] =	vst v3  }
0x2a: {  	v23 =	vand.u32 $0x3FFF, v1;
	[tilespmem:$0x2880] =	vst v0  }
0x2b: {  	v25 =	vld [tilespmem:$0x40];
	v24 =	vshra.s32 v1, $0xE;
	[tilespmem:$0x2790] =	vst v23  }
0x2c: {  	v26 =	vand.u32 $0x3FFF, v2;
	[tilespmem:$0x2890] =	vst v24  }
0x2d: {  	v28 =	vld [tilespmem:$0x50];
	v27 =	vshra.s32 v2, $0xE;
	[tilespmem:$0x27A0] =	vst v26  }
0x2e: {  	v29 =	vand.u32 $0x3FFF, v22;
	[tilespmem:$0x28A0] =	vst v27  }
0x2f: {  	v31 =	vld [tilespmem:$0x60];
	v30 =	vshra.s32 v22, $0xE;
	[tilespmem:$0x27B0] =	vst v29  }
0x30: {  	v32 =	vand.u32 $0x3FFF, v25;
	[tilespmem:$0x28B0] =	vst v30  }
0x31: {  	v34 =	vld [tilespmem:$0x70];
	v33 =	vshra.s32 v25, $0xE;
	[tilespmem:$0x27C0] =	vst v32  }
0x32: {  	v35 =	vand.u32 $0x3FFF, v28;
	[tilespmem:$0x28C0] =	vst v33  }
0x33: {  	v36 =	vshra.s32 v28, $0xE;
	[tilespmem:$0x27D0] =	vst v35  }
0x34: {  	v37 =	vand.u32 $0x3FFF, v31;
	[tilespmem:$0x28D0] =	vst v36  }
0x35: {  	v38 =	vshra.s32 v31, $0xE;
	[tilespmem:$0x27E0] =	vst v37  }
0x36: {  	v39 =	vand.u32 $0x3FFF, v34;
	[tilespmem:$0x28E0] =	vst v38  }
0x37: {  	v40 =	vshra.s32 v34, $0xE;
	[tilespmem:$0x27F0] =	vst v39  }
0x38: {  	[tilespmem:$0x28F0] =	vst v40  }
0x39: {  	[tilespmem:s12], [sflag:$0x1] =	stream.indirect.gather [hbm4b:s4+s10], $0x80, s11, s10, $0xb8;
	[tilespmem:$0x1E580] =	vst v63  }
0x3a: {  	v41 =	vld [tilespmem:$0x80];
	_ =	sdelay $0x1  }
0x3b: {  	v42 =	vld [tilespmem:$0x90];
	_ =	sdelay $0x1  }
0x3c: {  	v43 =	vld [tilespmem:$0xA0]  }
0x3d: {  	v44 =	vand.u32 $0x3FFF, v41  }
0x3e: {  	v45 =	vld [tilespmem:$0xB0];
	v0 =	vshra.s32 v41, $0xE;
	[tilespmem:$0x2800] =	vst v44  }
0x3f: {  	v46 =	vand.u32 $0x3FFF, v42;
	[tilespmem:$0x2900] =	vst v0  }
0x40: {  	v48 =	vld [tilespmem:$0xC0];
	v47 =	vshra.s32 v42, $0xE;
	[tilespmem:$0x2810] =	vst v46  }
0x41: {  	v49 =	vand.u32 $0x3FFF, v43;
	[tilespmem:$0x2910] =	vst v47  }
0x42: {  	v51 =	vld [tilespmem:$0xD0];
	v50 =	vshra.s32 v43, $0xE;
	[tilespmem:$0x2820] =	vst v49  }
0x43: {  	v52 =	vand.u32 $0x3FFF, v45;
	[tilespmem:$0x2920] =	vst v50  }
0x44: {  	v54 =	vld [tilespmem:$0xE0];
	v53 =	vshra.s32 v45, $0xE;
	[tilespmem:$0x2830] =	vst v52  }
0x45: {  	v55 =	vand.u32 $0x3FFF, v48;
	[tilespmem:$0x2930] =	vst v53  }
0x46: {  	v57 =	vld [tilespmem:$0xF0];
	v56 =	vshra.s32 v48, $0xE;
	[tilespmem:$0x2840] =	vst v55  }
0x47: {  	v58 =	vand.u32 $0x3FFF, v51;
	[tilespmem:$0x2940] =	vst v56  }
0x48: {  	v59 =	vshra.s32 v51, $0xE;
	[tilespmem:$0x2850] =	vst v58  }
0x49: {  	v60 =	vand.u32 $0x3FFF, v54;
	[tilespmem:$0x2950] =	vst v59  }
0x4a: {  	v61 =	vshra.s32 v54, $0xE;
	[tilespmem:$0x2860] =	vst v60  }
0x4b: {  	v62 =	vand.u32 $0x3FFF, v57;
	[tilespmem:$0x2960] =	vst v61  }
0x4c: {  	v63 =	vshra.s32 v57, $0xE;
	[tilespmem:$0x2870] =	vst v62  }
0x4d: {  	[tilespmem:$0x2970] =	vst v63  }
0x4e: {  	[tilespmem:s14], [sflag:$0x2] =	stream.indirect.gather [hbm4b:s4+s10], $0x80, s13, s10, $0xb8;
	[tilespmem:$0x1E580] =	vst v63  }
0x4f: {  	[spmem:s16], [sflag:s15] =	dma.local [hbm:s5], $0x2780  }
0x50: {  	_ =	swait.ge [sflag:s9], $0x2780  }
0x51: {  	[sflag:s9] =	ssyncset.done $0x0  }
0x52: {  	[sflag:s9] =	ssyncadd.s32 $0xFFFFD880  }
0x53: {  	s24 =	simm.s32 $0x0;
	[bflag:$0x0] =	sbarrier.arrive $0xFFFF  }
.LBB2_2:
0x54: {  	_ =	swait.ge [sflag:s17], $0x4000  }
0x55: {  	[sflag:s17] =	ssyncset.done $0x0  }
0x56: {  	[sflag:s17] =	ssyncadd.s32 $0xFFFFC000  }
0x57: {  	[spmem:s2] =	stream.indirect.scatter.add.f32 [tilespmem:s12], [sflag:$0x3], $0x80, s18, s10, $0xb8;
	[tilespmem:$0x1E580] =	vst v63  }
0x58: {  	_ =	swait.ge [sflag:s19], $0x4000  }
0x59: {  	p2 =	seq.s32 @!p0 s24, $0x9800;
	[sflag:s19] =	ssyncset.done $0x0  }
0x5a: {  	s25 =	sshra.s32 s24, $0x2;
	p2 =	por p0, !p2;
	[sflag:s19] =	ssyncadd.s32 $0xFFFFC000  }
0x5b: {  	v0 =	vld @p2 [tilespmem:s25+$0x100];
	_ =	sdelay $0x4  }
0x5c: {  	v1 =	vand.u32 @p2 $0x3FFF, v0  }
0x5d: {  	v0 =	vshra.s32 @p2 v0, $0xE;
	[tilespmem:$0x2780] =	vst @p2 v1  }
0x5e: {  	[tilespmem:$0x2880] =	vst @p2 v0  }
0x5f: {  	v0 =	vld @p2 [tilespmem:s25+$0x110];
	_ =	sdelay $0x4  }
0x60: {  	v1 =	vand.u32 @p2 $0x3FFF, v0  }
0x61: {  	v0 =	vshra.s32 @p2 v0, $0xE;
	[tilespmem:$0x2790] =	vst @p2 v1  }
0x62: {  	[tilespmem:$0x2890] =	vst @p2 v0  }
0x63: {  	v0 =	vld @p2 [tilespmem:s25+$0x120];
	_ =	sdelay $0x4  }
0x64: {  	v1 =	vand.u32 @p2 $0x3FFF, v0  }
0x65: {  	v0 =	vshra.s32 @p2 v0, $0xE;
	[tilespmem:$0x27A0] =	vst @p2 v1  }
0x66: {  	[tilespmem:$0x28A0] =	vst @p2 v0  }
0x67: {  	v0 =	vld @p2 [tilespmem:s25+$0x130];
	_ =	sdelay $0x4  }
0x68: {  	v1 =	vand.u32 @p2 $0x3FFF, v0  }
0x69: {  	v0 =	vshra.s32 @p2 v0, $0xE;
	[tilespmem:$0x27B0] =	vst @p2 v1  }
0x6a: {  	[tilespmem:$0x28B0] =	vst @p2 v0  }
0x6b: {  	v0 =	vld @p2 [tilespmem:s25+$0x140];
	_ =	sdelay $0x4  }
0x6c: {  	v1 =	vand.u32 @p2 $0x3FFF, v0  }
0x6d: {  	v0 =	vshra.s32 @p2 v0, $0xE;
	[tilespmem:$0x27C0] =	vst @p2 v1  }
0x6e: {  	[tilespmem:$0x28C0] =	vst @p2 v0  }
0x6f: {  	v0 =	vld @p2 [tilespmem:s25+$0x150];
	_ =	sdelay $0x4  }
0x70: {  	v1 =	vand.u32 @p2 $0x3FFF, v0  }
0x71: {  	v0 =	vshra.s32 @p2 v0, $0xE;
	[tilespmem:$0x27D0] =	vst @p2 v1  }
0x72: {  	[tilespmem:$0x28D0] =	vst @p2 v0  }
0x73: {  	v0 =	vld @p2 [tilespmem:s25+$0x160];
	_ =	sdelay $0x4  }
0x74: {  	v1 =	vand.u32 @p2 $0x3FFF, v0  }
0x75: {  	v0 =	vshra.s32 @p2 v0, $0xE;
	[tilespmem:$0x27E0] =	vst @p2 v1  }
0x76: {  	[tilespmem:$0x28E0] =	vst @p2 v0  }
0x77: {  	v0 =	vld @p2 [tilespmem:s25+$0x170];
	_ =	sdelay $0x4  }
0x78: {  	v1 =	vand.u32 @p2 $0x3FFF, v0  }
0x79: {  	v0 =	vshra.s32 @p2 v0, $0xE;
	[tilespmem:$0x27F0] =	vst @p2 v1  }
0x7a: {  	[tilespmem:$0x28F0] =	vst @p2 v0  }
0x7b: {  	[tilespmem:s12], [sflag:$0x1] =	stream.indirect.gather @p2 [hbm4b:s4+s10], $0x80, s11, s10, $0xb8;
	[tilespmem:$0x1E580] =	vst v63  }
0x7c: {  	_ =	swait.ge [sflag:s20], $0x4000  }
0x7d: {  	p2 =	seq.s32 s24, $0x9800;
	[sflag:s20] =	ssyncset.done $0x0  }
.Ltmp2:
0x7e: {  	[sflag:s20] =	ssyncadd.s32 $0xFFFFC000;
	(pc) =	sbr.rel @p2 .LBB2_4-.Ltmp2, $4  }
0x7f: {  	[spmem:s2] =	stream.indirect.scatter.add.f32 [tilespmem:s14], [sflag:$0x4], $0x80, s21, s10, $0xb8;
	[tilespmem:$0x1E580] =	vst v63  }
0x80: {  	_ =	swait.ge [sflag:s22], $0x4000  }
0x81: {  	[sflag:s22] =	ssyncset.done $0x0  }
0x82: {  	[sflag:s22] =	ssyncadd.s32 $0xFFFFC000  }
0x83: {  	v0 =	vld [tilespmem:s25+$0x180];
	_ =	sdelay $0x4  }
0x84: {  	v1 =	vand.u32 $0x3FFF, v0  }
0x85: {  	v0 =	vshra.s32 v0, $0xE;
	[tilespmem:$0x2800] =	vst v1  }
0x86: {  	[tilespmem:$0x2900] =	vst v0  }
0x87: {  	v0 =	vld [tilespmem:s25+$0x190];
	_ =	sdelay $0x4  }
0x88: {  	v57 =	vand.u32 $0x3FFF, v0  }
0x89: {  	v0 =	vshra.s32 v0, $0xE;
	[tilespmem:$0x2810] =	vst v57  }
0x8a: {  	[tilespmem:$0x2910] =	vst v0  }
0x8b: {  	v0 =	vld [tilespmem:s25+$0x1A0];
	_ =	sdelay $0x4  }
0x8c: {  	v58 =	vand.u32 $0x3FFF, v0  }
0x8d: {  	v0 =	vshra.s32 v0, $0xE;
	[tilespmem:$0x2820] =	vst v58  }
0x8e: {  	[tilespmem:$0x2920] =	vst v0  }
0x8f: {  	v0 =	vld [tilespmem:s25+$0x1B0];
	_ =	sdelay $0x4  }
0x90: {  	v59 =	vand.u32 $0x3FFF, v0  }
0x91: {  	v0 =	vshra.s32 v0, $0xE;
	[tilespmem:$0x2830] =	vst v59  }
0x92: {  	[tilespmem:$0x2930] =	vst v0  }
0x93: {  	v0 =	vld [tilespmem:s25+$0x1C0];
	_ =	sdelay $0x4  }
0x94: {  	v60 =	vand.u32 $0x3FFF, v0  }
0x95: {  	v0 =	vshra.s32 v0, $0xE;
	[tilespmem:$0x2840] =	vst v60  }
0x96: {  	[tilespmem:$0x2940] =	vst v0  }
0x97: {  	v0 =	vld [tilespmem:s25+$0x1D0];
	_ =	sdelay $0x4  }
0x98: {  	v61 =	vand.u32 $0x3FFF, v0  }
0x99: {  	v0 =	vshra.s32 v0, $0xE;
	[tilespmem:$0x2850] =	vst v61  }
0x9a: {  	[tilespmem:$0x2950] =	vst v0  }
0x9b: {  	v0 =	vld [tilespmem:s25+$0x1E0];
	_ =	sdelay $0x4  }
0x9c: {  	v62 =	vand.u32 $0x3FFF, v0  }
0x9d: {  	v0 =	vshra.s32 v0, $0xE;
	[tilespmem:$0x2860] =	vst v62  }
0x9e: {  	[tilespmem:$0x2960] =	vst v0  }
0x9f: {  	v0 =	vld [tilespmem:s25+$0x1F0];
	_ =	sdelay $0x3  }
.Ltmp3:
0xa0: {  	_ = 	snop;
	(pc) =	sbr.rel .LBB2_2-.Ltmp3, $4  }
0xa1: {  	v63 =	vand.u32 $0x3FFF, v0  }
0xa2: {  	v0 =	vshra.s32 v0, $0xE;
	[tilespmem:$0x2870] =	vst v63  }
0xa3: {  	s24 =	sadd.s32 $0x400, s24;
	[tilespmem:$0x2970] =	vst v0  }
0xa4: {  	[tilespmem:s14], [sflag:$0x2] =	stream.indirect.gather [hbm4b:s4+s10], $0x80, s13, s10, $0xb8;
	[tilespmem:$0x1E580] =	vst v63  }
.LBB2_5:
0xa5: {  	_ =	sfence.sel $0x180000  }
0xa6: {  	[bflag:$0x0] =	sbarrier.arrive $0xFFFF  }
0xa7: {  	p0 =	sne.s32 s1, $0x0;
	_ =	strace $0x9000004A  }
0xa8: {  	s0 =	sadd.s32 @!p0 $0x100000, s0;
	[bflag:$0x2] =	sbarrier.arrive $0xFFFF  }
0xa9: {  	[sflag:s0] =	ssyncadd.tile.s32 @!p0 $0x1;
	_ =	shalt  }
.Lfunc_end2:
_tile_overlayer_lowered:
.L_overlay_start_2:
0xaa: {  	(tag) =	ssettag $0x2  }
0xab: {  	s0 =	rddreg [dreg:$0x0];
	s2 =	stileid.u32  }
0xac: {  	s1 =	rddreg [dreg:$0x1];
	p0 =	sne.s32 s2, $0x0  }
0xad: {  	s3 =	rddreg [dreg:$0x2];
	[bflag:$0x3] =	sbarrier.arrive $0xFFFF;
	s2 =	simm.s32 @!p0 $0x1C05  }
0xae: {  	[timem:s3], [sflag:s2] =	dma.local @!p0 [hbm:s0], s1  }
0xaf: {  	s0 =	simm.s32 @!p0 $0x5  }
0xb0: {  	_ =	swait.ge @!p0 [sflag:s0], s1  }
0xb1: {  	s1 =	ssub.s32 @!p0 $0x0, s1;
	[sflag:s0] =	ssyncset.done @!p0 $0x0  }
0xb2: {  	[sflag:s0] =	ssyncadd.s32 @!p0 s1  }
0xb3: {  	[bflag:$0x3] =	sbarrier.arrive $0xFFFF  }
0xb4: {  	_ =	shalt  }

// kernel: kernel.16.cloned.1.call-start
scs
__scs_entry_jumppad:
0x0: {  	(pc) =	sbr.rel $0x88, $3  }
0x1: {  	(tag) =	ssettag $0x0;
	lr =	simm.s32 $0x1  }
0x2: {  	[smem:$0x3F91] =	sst lr;
	_ =	strace $0xD0000000  }
0x3: {  	_ = 	snop  }
0x4: {  	_ = 	snop  }
0x5: {  	_ = 	snop  }
0x6: {  	_ = 	snop  }
0x7: {  	_ = 	snop  }
__scs_overlays_trampoline_lowered:
0x8: {  	[smem:$0x3FA0] =	sst s0  }
0x9: {  	[smem:$0x3FA1] =	sst s1  }
0xa: {  	[smem:$0x3FA2] =	sst s2  }
0xb: {  	[smem:$0x3FA3] =	sst s3  }
0xc: {  	[smem:$0x3FA4] =	sst s4  }
0xd: {  	[smem:$0x3FA5] =	sst s5  }
0xe: {  	[smem:$0x3FA6] =	sst s6  }
0xf: {  	[smem:$0x3FA7] =	sst s7  }
0x10: {  	[smem:$0x3FA8] =	sst s8  }
0x11: {  	[smem:$0x3FA9] =	sst s9;
	s0 =	simm.s32 @!p0 $0x0  }
0x12: {  	s1 =	sld [smem:$0x3F8F];
	s0 =	simm.s32 @p0 $0x1  }
0x13: {  	[smem:$0x3FAA] =	sst s0;
	s0 =	simm.s32 @!p1 $0x0  }
0x14: {  	s2 =	sld [smem:$0x3F8E];
	s0 =	simm.s32 @p1 $0x1  }
0x15: {  	[smem:$0x3FAB] =	sst s0;
	s0 =	simm.s32 @!p2 $0x0  }
0x16: {  	s3 =	sld [smem:$0x3FDB];
	s0 =	simm.s32 @p2 $0x1  }
0x17: {  	s4 =	simm.s32 $0x1BF5;
	[smem:$0x3FAD] =	sst s0  }
0x18: {  	s0 =	sld [smem:$0x3F90];
	_ =	swait.ge [sflag:s4], $0x0  }
0x19: {  	s7 =	sld [smem:$0x3F91]  }
0x1a: {  	s8 =	sadd.s32 $0xFFFFE003, lr  }
0x1b: {  	s9 =	sadd.s32 $0xFFFFFEF7, lr;
	s5 =	simm.s32 $0xFFFFFFFF;
	p2 =	slt.u32 s8, $0xFFFFF086  }
0x1c: {  	p1 =	slt.u32 s9, $0xF7A;
	s5 =	simm.s32 @!p2 $0x0  }
0x1d: {  	s5 =	simm.s32 @p1 $0x1;
	p0 =	seq.s32 s7, s2  }
0x1e: {  	s7 =	smul.u32 @!p0 $0xF7A, s2;
	p2 =	seq.s32 @!p0 s5, $0x0  }
0x1f: {  	s9 =	smul.u32 $0xF7A, s1;
	s8 =	simm.s32 @!p0 $0x1BF5;
	p2 =	por !p2, p0  }
0x20: {  	[sflag:s8] =	ssyncset.s32 @!p0 $0xFFFFF086;
	s6 =	sadd.s32 @!p0 s3, s7;
	s7 =	simm.s32 @!p0 $0x108  }
0x21: {  	s3 =	sadd.s32 s3, s9;
	s6 =	sadd.s32 @!p0 $0x88, s6;
	s7 =	simm.s32 @p2 $0x1082  }
0x22: {  	[simem:s7], [sflag:s8] =	dma.local @!p0 [hbm:s6], $0xF7A  }
0x23: {  	s9 =	sor.u32 $0xD0000000, s2;
	s6 =	simm.s32 $0x108;
	_ =	swait.ge @!p0 [sflag:s8], $0x0  }
0x24: {  	s3 =	sadd.s32 $0x88, s3;
	s6 =	simm.s32 @!p1 $0x1082;
	[sflag:s4] =	ssyncset.s32 $0xFFFFF086  }
0x25: {  	[simem:s6], [sflag:s4] =	dma.local [hbm:s3], $0xF7A  }
0x26: {  	[smem:$0x3F91] =	sst s1;
	(tag) =	ssettag s2;
	_ =	strace s9  }
0x27: {  	s1 =	sld [smem:$0x3FA1]  }
0x28: {  	s2 =	sld [smem:$0x3FA2]  }
0x29: {  	s4 =	sld [smem:$0x3FA4]  }
0x2a: {  	p0 =	seq.s32 s5, $0x0;
	s5 =	sld [smem:$0x3FA5]  }
0x2b: {  	s6 =	sld [smem:$0x3FA6]  }
0x2c: {  	s7 =	sld [smem:$0x3FA7]  }
0x2d: {  	s3 =	simm.s32 $0x108;
	s8 =	sld [smem:$0x3FA8]  }
0x2e: {  	s3 =	simm.s32 @!p0 $0x1082;
	s9 =	sld [smem:$0x3FA9]  }
0x2f: {  	lr =	sadd.s32 s0, s3;
	s0 =	sld [smem:$0x3FA0]  }
0x30: {  	s3 =	sld [smem:$0x3FA3]  }
0x31: {  	[smem:$0x3FAC] =	sst s10  }
0x32: {  	s10 =	sld [smem:$0x3FAA];
	_ =	sdelay $0x3  }
0x33: {  	p0 =	seq.s32 s10, $0x1;
	s10 =	sld [smem:$0x3FAC];
	_ =	sdelay $0x3  }
0x34: {  	[smem:$0x3FAC] =	sst s10  }
0x35: {  	s10 =	sld [smem:$0x3FAB];
	_ =	sdelay $0x3  }
0x36: {  	p1 =	seq.s32 s10, $0x1;
	s10 =	sld [smem:$0x3FAC];
	_ =	sdelay $0x3  }
0x37: {  	[smem:$0x3FAC] =	sst s10  }
0x38: {  	s10 =	sld [smem:$0x3FAD]  }
0x39: {  	_ = 	snop;
	(pc) =	sbr.ind lr, $3  }
0x3a: {  	_ = 	snop  }
0x3b: {  	_ = 	snop  }
0x3c: {  	p2 =	seq.s32 s10, $0x1;
	s10 =	sld [smem:$0x3FAC]  }
0x3d: {  	_ =	shalt  }
0x3e: {  	_ =	shalt  }
0x3f: {  	_ =	shalt  }
0x40: {  	_ =	shalt  }
0x41: {  	_ =	shalt  }
0x42: {  	_ =	shalt  }
0x43: {  	_ =	shalt  }
0x44: {  	_ =	shalt  }
0x45: {  	_ =	shalt  }
0x46: {  	_ =	shalt  }
0x47: {  	_ =	shalt  }
0x48: {  	_ =	shalt  }
0x49: {  	_ =	shalt  }
0x4a: {  	_ =	shalt  }
0x4b: {  	_ =	shalt  }
0x4c: {  	_ =	shalt  }
0x4d: {  	_ =	shalt  }
0x4e: {  	_ =	shalt  }
0x4f: {  	_ =	shalt  }
0x50: {  	_ =	shalt  }
0x51: {  	_ =	shalt  }
0x52: {  	_ =	shalt  }
0x53: {  	_ =	shalt  }
0x54: {  	_ =	shalt  }
0x55: {  	_ =	shalt  }
0x56: {  	_ =	shalt  }
0x57: {  	_ =	shalt  }
0x58: {  	_ =	shalt  }
0x59: {  	_ =	shalt  }
0x5a: {  	_ =	shalt  }
0x5b: {  	_ =	shalt  }
0x5c: {  	_ =	shalt  }
0x5d: {  	_ =	shalt  }
0x5e: {  	_ =	shalt  }
0x5f: {  	_ =	shalt  }
0x60: {  	_ =	shalt  }
0x61: {  	_ =	shalt  }
0x62: {  	_ =	shalt  }
0x63: {  	_ =	shalt  }
0x64: {  	_ =	shalt  }
0x65: {  	_ =	shalt  }
0x66: {  	_ =	shalt  }
0x67: {  	_ =	shalt  }
0x68: {  	_ =	shalt  }
0x69: {  	_ =	shalt  }
0x6a: {  	_ =	shalt  }
0x6b: {  	_ =	shalt  }
0x6c: {  	_ =	shalt  }
0x6d: {  	_ =	shalt  }
0x6e: {  	_ =	shalt  }
0x6f: {  	_ =	shalt  }
0x70: {  	_ =	shalt  }
0x71: {  	_ =	shalt  }
0x72: {  	_ =	shalt  }
0x73: {  	_ =	shalt  }
0x74: {  	_ =	shalt  }
0x75: {  	_ =	shalt  }
0x76: {  	_ =	shalt  }
0x77: {  	_ =	shalt  }
0x78: {  	_ =	shalt  }
0x79: {  	_ =	shalt  }
0x7a: {  	_ =	shalt  }
0x7b: {  	_ =	shalt  }
0x7c: {  	_ =	shalt  }
0x7d: {  	_ =	shalt  }
0x7e: {  	_ =	shalt  }
0x7f: {  	_ =	shalt  }
0x80: {  	_ =	shalt  }
0x81: {  	_ =	shalt  }
0x82: {  	_ =	shalt  }
0x83: {  	_ =	shalt  }
0x84: {  	_ =	shalt  }
0x85: {  	_ =	shalt  }
0x86: {  	_ =	shalt  }
0x87: {  	_ =	shalt  }
.Lfunc_end0:
.L_simem_size_0:
called_computation.2_lowered:
.L_overlay_start_0:
0x88: {  	s2 =	sld [smem:$0x3FD9]  }
0x89: {  	s3 =	sld [smem:$0x3FFE];
	_ =	sdelay $0x1  }
0x8a: {  	s1 =	srdreg.scid  }
0x8b: {  	s0 =	sand.u32 $0x1, s1  }
0x8c: {  	s14 =	sshll.u32 s0, $0xA;
	s2 =	sadd.s32 s3, s2  }
0x8d: {  	s2 =	sadd.s32 s2, s14  }
0x8e: {  	[smem:$0x3FB8] =	sst s2  }
0x8f: {  	_ = 	snop  }
0x90: {  	s2 =	sld [smem:$0x3FD0];
	_ =	sdelay $0x2  }
0x91: {  	s15 =	simm.s32 $0xA;
	s4 =	simm.s32 $0x10  }
0x92: {  	[smem:s4], [sflag:s15] =	dma.local [hbm:s2], $0x1  }
0x93: {  	_ =	swait.eq [sflag:s15], $0x1  }
0x94: {  	[sflag:s15] =	ssyncset.done $0x0  }
0x95: {  	[sflag:s15] =	ssyncadd.s32 $0xFFFFFFFF  }
0x96: {  	s16 =	sld [smem:$0x11];
	(tm) =	ssettm $0x1  }
0x97: {  	s17 =	sld [smem:$0x3FFB];
	_ =	sdelay $0x3  }
0x98: {  	_ =	strace s17  }
0x99: {  	s3 =	sld [smem:$0x3FFC];
	_ =	sdelay $0x3  }
0x9a: {  	_ =	strace s3  }
0x9b: {  	s3 =	sld [smem:$0x3FFD];
	_ =	sdelay $0x3  }
0x9c: {  	_ =	strace s3  }
0x9d: {  	_ =	strace $0x8FFFFFFF  }
0x9e: {  	s18 =	sld [smem:$0x3FDB];
	_ =	sdelay $0x1  }
0x9f: {  	s19 =	simm.s32 $_scs_section_size  }
0xa0: {  	s5 =	simm.s32 $_size__tile_overlayer_lowered;
	s6 =	simm.s32 $_tile_overlayer_lowered  }
0xa1: {  	s22 =	simm.s32 $0x1BFF;
	s21 =	sshll.u32 s6, $0x1;
	s3 =	sadd.s32 s19, s18  }
0xa2: {  	s7 =	simm.s32 $0x0;
	s20 =	sshll.u32 s5, $0x1;
	s5 =	sadd.s32 s21, s3  }
0xa3: {  	[timem:s7], [sflag:s22] =	dma.local [hbm:s5], s20  }
0xa4: {  	_ =	swait.ge [sflag:s22], s20  }
0xa5: {  	s4 =	ssub.s32 $0x0, s20;
	[sflag:s22] =	ssyncset.done $0x0  }
0xa6: {  	[sflag:s22] =	ssyncadd.s32 s4;
	_ =	sdelay $0x1  }
0xa7: {  	s23 =	simm.s32 $0x1B8B  }
0xa8: {  	_ =	swait.ge [sflag:s23], $0x1  }
0xa9: {  	[sflag:s23] =	ssyncset.done $0x0  }
0xaa: {  	s25 =	simm.s32 $0x1B8E;
	s24 =	sld [smem:$0x3FFE];
	[sflag:s23] =	ssyncadd.s32 $0xFFFFFFFF  }
0xab: {  	s26 =	simm.s32 $execute0_lowered;
	[smem:$0x3FD2] =	sst s25  }
0xac: {  	s5 =	sshll.u32 s26, $0x1;
	_ =	strace $0x8000004C;
	[dreg:$0x1] =	wrdreg $0xFFFFFFFF  }
0xad: {  	s28 =	simm.s32 $_size_execute0_lowered;
	s3 =	sadd.s32 s3, s5;
	[dreg:$0x0] =	wrdreg $0x0  }
0xae: {  	s5 =	sshll.u32 s28, $0x1;
	[dreg:$0x2] =	wrdreg s3  }
0xaf: {  	[dreg:$0x3] =	wrdreg s5  }
0xb0: {  	[dreg:$0x4] =	wrdreg $0xC0  }
0xb1: {  	_ =	task [dreg:s7], $0x5FFFF  }
0xb2: {  	[dreg:$0x1] =	wrdreg $0xFFFFFFFF  }
0xb3: {  	[dreg:$0x0] =	wrdreg $0x60  }
0xb4: {  	[dreg:$0x2] =	wrdreg s24  }
0xb5: {  	[dreg:$0x3] =	wrdreg s16  }
0xb6: {  	[dreg:$0x4] =	wrdreg $0xA9800  }
0xb7: {  	[dreg:$0x5] =	wrdreg $0x9  }
0xb8: {  	_ =	task.clear_ibuf [dreg:s7], $0x6FFFF;
	_ =	strace $0x9000004C  }
0xb9: {  	s29 =	simm.s32 $0x9;
	_ =	strace $0x8000004E  }
0xba: {  	_ =	swait.ge [sflag:s29], $0x1  }
0xbb: {  	[sflag:s29] =	ssyncadd.s32 $0xFFFFFFFF  }
0xbc: {  	_ =	strace $0x9000004E  }
0xbd: {  	_ =	sfence  }
0xbe: {  	s30 =	sld [smem:$0x0];
	_ =	sdelay $0x2  }
0xbf: {  	s31 =	sshll.u32 s1, $0xD;
	s1 =	sshrl.u32 s1, $0x2  }
0xc0: {  	s3 =	sand.u32 $0x4000, s31;
	s1 =	sadd.s32 s1, s30  }
0xc1: {  	s0 =	sor.u32 s3, s0;
	s1 =	sshll.u32 s1, $0x11  }
0xc2: {  	s0 =	sor.u32 s1, s0  }
0xc3: {  	s0 =	sadd.s32 $0x8F2B, s0  }
0xc4: {  	[sflag:s0] =	ssyncadd.remote.s32 $0x1  }
0xc5: {  	_ =	sfence.sel $0xFFFF  }
0xc6: {  	[dreg:$0x0] =	wrdreg $0xFFFFFFFF;
	(pc) =	sbr.abs _section_cstart, $3  }
0xc7: {  	[dreg:$0x1] =	wrdreg $0xFFFFFFFF  }
0xc8: {  	_ =	task.clear_ibuf [dreg:s7], $0x2FFFF;
	_ =	strace $0x9FFFFFFF  }
0xc9: {  	(tm) =	ssettm $0x7FFFFFFF  }
tec
execute0_lowered:
.L_overlay_start_1:
0x0: {  	(tag) =	ssettag $0x1  }
0x1: {  	s5 =	rddreg [dreg:$0x0]  }
0x2: {  	s0 =	srdreg.scid;
	s7 =	rddreg [dreg:$0x1]  }
0x3: {  	s2 =	rddreg [dreg:$0x2];
	s1 =	stileid.u32;
	s3 =	simm.s32 $0x0  }
0x4: {  	s13 =	simm.s32 $0x2800;
	s14 =	simm.s32 $0x6980;
	s17 =	simm.s32 $0x1  }
0x5: {  	s18 =	simm.s32 $0x2880;
	s19 =	simm.s32 $0x3;
	s20 =	simm.s32 $0x2  }
0x6: {  	s21 =	simm.s32 $0x2900;
	s6 =	sand.u32 $0x1, s0;
	s0 =	rddreg [dreg:$0x3]  }
0x7: {  	s22 =	simm.s32 $0x4;
	[smem:$0x7FF] =	sst s3;
	s10 =	smul.u32 $0x13C00, s1  }
0x8: {  	s12 =	smul.u32 $0x4F000, s1;
	s15 =	sshll.u32 s1, $0x6;
	s4 =	sshll.u32 s6, $0x4  }
0x9: {  	_ =	strace $0x8000004D;
	s30 =	smul.u32 $0x13C000, s6;
	s6 =	ssub.s32 $0x2, s6  }
0xa: {  	s15 =	sor.u32 $0x1C05, s15;
	s23 =	sor.u32 s1, s4;
	s4 =	sadd.s32 $0xEC00, s5  }
0xb: {  	s11 =	sshrl.u32 s6, $0x1;
	s31 =	sshrl.u32 s12, $0x2;
	s12 =	simm.s32 $0x2980  }
0xc: {  	s8 =	smul.u32 $0x4E, s23;
	s9 =	smin.u32 s23, $0x4;
	s11 =	ssub.s32 s6, s11  }
0xd: {  	s16 =	sadd.s32 s31, s2;
	p0 =	slt.u32 s23, $0x4;
	p1 =	sgt.u32 s23, $0x3  }
.Ltmp0:
0xe: {  	s23 =	simm.s32 $0x0;
	s8 =	sadd.s32 s9, s8;
	(pc) =	sbr.rel .LBB2_1-.Ltmp0, $4  }
0xf: {  	s16 =	sshrl.u32 s16, $0x3;
	s9 =	sadd.s32 s10, s30;
	s8 =	sshll.u32 s8, $0x4  }
0x10: {  	s10 =	simm.s32 $0x80;
	s9 =	sshrl.u32 s9, $0x3;
	s8 =	sadd.s32 s8, s5  }
0x11: {  	s5 =	sadd.s32 $0x36400, s5;
	s7 =	sadd.s32 s7, s9;
	s9 =	simm.s32 $0x5  }
0x12: {  	s6 =	sadd.s32 $0x4E00, s8;
	s8 =	smax.u32 s11, $0x1;
	s11 =	simm.s32 $0x2780  }
.LBB2_4:
0x13: {  	s24 =	simm.s32 @!p1 $0x1  }
0x14: {  	_ =	swait.ge @!p1 [sflag:s24], $0x4000  }
0x15: {  	s25 =	simm.s32 @!p1 $0x2880;
	[sflag:s24] =	ssyncset.done @!p1 $0x0  }
0x16: {  	s26 =	simm.s32 @!p1 $0x2980;
	[sflag:s24] =	ssyncadd.s32 @!p1 $0xFFFFC000;
	s24 =	simm.s32 @!p1 $0x80  }
0x17: {  	[spmem:s2] =	stream.indirect.scatter.add.f32 @!p1 [tilespmem:s26], [sflag:$0x3], $0x80, s25, s24, $0xb8;
	[tilespmem:$0x1E580] =	vst v63  }
0x18: {  	s24 =	simm.s32 @!p1 $0x3  }
0x19: {  	_ =	swait.ge @!p1 [sflag:s24], $0x4000  }
0x1a: {  	s23 =	sadd.s32 $0x1, s23;
	[sflag:s24] =	ssyncset.done @!p1 $0x0  }
0x1b: {  	p2 =	sne.s32 s23, s8;
	[sflag:s24] =	ssyncadd.s32 @!p1 $0xFFFFC000  }
.Ltmp1:
0x1c: {  	[bflag:$0x0] =	sbarrier.arrive $0xFFFF;
	(pc) =	sbr.rel @!p2 .LBB2_5-.Ltmp1, $4  }
0x1d: {  	[hbm:s7], [sflag:s15] =	dma.local [spmem:s16], $0x2780  }
0x1e: {  	_ =	swait.ge [sflag:s9], $0x2780  }
0x1f: {  	[sflag:s9] =	ssyncset.done $0x0  }
0x20: {  	[sflag:s9] =	ssyncadd.s32 $0xFFFFD880  }
.LBB2_1:
0x21: {  	[tilespmem:s3], [sflag:$0x5] =	stream.linear.gather [hbm4b:s6+s3], $0x2780, $0x38;
	[tilespmem:$0x1E580] =	vst v63  }
0x22: {  	_ =	swait.ge [sflag:s9], $0x2780  }
0x23: {  	[sflag:s9] =	ssyncset.done $0x0  }
0x24: {  	[sflag:s9] =	ssyncadd.s32 $0xFFFFD880  }
0x25: {  	v0 =	vld [tilespmem:$0x0];
	_ =	sdelay $0x1  }
0x26: {  	v1 =	vld [tilespmem:$0x10];
	_ =	sdelay $0x1  }
0x27: {  	v2 =	vld [tilespmem:$0x20]  }
0x28: {  	v3 =	vand.u32 $0x3FFF, v0  }
0x29: {  	v22 =	vld [tilespmem:$0x30];
	v0 =	vshra.s32 v0, $0xE;
	[tilespmem:$0x2780] =	vst v3  }
0x2a: {  	v23 =	vand.u32 $0x3FFF, v1;
	[tilespmem:$0x2880] =	vst v0  }
0x2b: {  	v25 =	vld [tilespmem:$0x40];
	v24 =	vshra.s32 v1, $0xE;
	[tilespmem:$0x2790] =	vst v23  }
0x2c: {  	v26 =	vand.u32 $0x3FFF, v2;
	[tilespmem:$0x2890] =	vst v24  }
0x2d: {  	v28 =	vld [tilespmem:$0x50];
	v27 =	vshra.s32 v2, $0xE;
	[tilespmem:$0x27A0] =	vst v26  }
0x2e: {  	v29 =	vand.u32 $0x3FFF, v22;
	[tilespmem:$0x28A0] =	vst v27  }
0x2f: {  	v31 =	vld [tilespmem:$0x60];
	v30 =	vshra.s32 v22, $0xE;
	[tilespmem:$0x27B0] =	vst v29  }
0x30: {  	v32 =	vand.u32 $0x3FFF, v25;
	[tilespmem:$0x28B0] =	vst v30  }
0x31: {  	v34 =	vld [tilespmem:$0x70];
	v33 =	vshra.s32 v25, $0xE;
	[tilespmem:$0x27C0] =	vst v32  }
0x32: {  	v35 =	vand.u32 $0x3FFF, v28;
	[tilespmem:$0x28C0] =	vst v33  }
0x33: {  	v36 =	vshra.s32 v28, $0xE;
	[tilespmem:$0x27D0] =	vst v35  }
0x34: {  	v37 =	vand.u32 $0x3FFF, v31;
	[tilespmem:$0x28D0] =	vst v36  }
0x35: {  	v38 =	vshra.s32 v31, $0xE;
	[tilespmem:$0x27E0] =	vst v37  }
0x36: {  	v39 =	vand.u32 $0x3FFF, v34;
	[tilespmem:$0x28E0] =	vst v38  }
0x37: {  	v40 =	vshra.s32 v34, $0xE;
	[tilespmem:$0x27F0] =	vst v39  }
0x38: {  	[tilespmem:$0x28F0] =	vst v40  }
0x39: {  	[tilespmem:s12], [sflag:$0x1] =	stream.indirect.gather [hbm4b:s4+s10], $0x80, s11, s10, $0xb8;
	[tilespmem:$0x1E580] =	vst v63  }
0x3a: {  	v41 =	vld [tilespmem:$0x80];
	_ =	sdelay $0x1  }
0x3b: {  	v42 =	vld [tilespmem:$0x90];
	_ =	sdelay $0x1  }
0x3c: {  	v43 =	vld [tilespmem:$0xA0]  }
0x3d: {  	v44 =	vand.u32 $0x3FFF, v41  }
0x3e: {  	v45 =	vld [tilespmem:$0xB0];
	v0 =	vshra.s32 v41, $0xE;
	[tilespmem:$0x2800] =	vst v44  }
0x3f: {  	v46 =	vand.u32 $0x3FFF, v42;
	[tilespmem:$0x2900] =	vst v0  }
0x40: {  	v48 =	vld [tilespmem:$0xC0];
	v47 =	vshra.s32 v42, $0xE;
	[tilespmem:$0x2810] =	vst v46  }
0x41: {  	v49 =	vand.u32 $0x3FFF, v43;
	[tilespmem:$0x2910] =	vst v47  }
0x42: {  	v51 =	vld [tilespmem:$0xD0];
	v50 =	vshra.s32 v43, $0xE;
	[tilespmem:$0x2820] =	vst v49  }
0x43: {  	v52 =	vand.u32 $0x3FFF, v45;
	[tilespmem:$0x2920] =	vst v50  }
0x44: {  	v54 =	vld [tilespmem:$0xE0];
	v53 =	vshra.s32 v45, $0xE;
	[tilespmem:$0x2830] =	vst v52  }
0x45: {  	v55 =	vand.u32 $0x3FFF, v48;
	[tilespmem:$0x2930] =	vst v53  }
0x46: {  	v57 =	vld [tilespmem:$0xF0];
	v56 =	vshra.s32 v48, $0xE;
	[tilespmem:$0x2840] =	vst v55  }
0x47: {  	v58 =	vand.u32 $0x3FFF, v51;
	[tilespmem:$0x2940] =	vst v56  }
0x48: {  	v59 =	vshra.s32 v51, $0xE;
	[tilespmem:$0x2850] =	vst v58  }
0x49: {  	v60 =	vand.u32 $0x3FFF, v54;
	[tilespmem:$0x2950] =	vst v59  }
0x4a: {  	v61 =	vshra.s32 v54, $0xE;
	[tilespmem:$0x2860] =	vst v60  }
0x4b: {  	v62 =	vand.u32 $0x3FFF, v57;
	[tilespmem:$0x2960] =	vst v61  }
0x4c: {  	v63 =	vshra.s32 v57, $0xE;
	[tilespmem:$0x2870] =	vst v62  }
0x4d: {  	[tilespmem:$0x2970] =	vst v63  }
0x4e: {  	[tilespmem:s14], [sflag:$0x2] =	stream.indirect.gather [hbm4b:s4+s10], $0x80, s13, s10, $0xb8;
	[tilespmem:$0x1E580] =	vst v63  }
0x4f: {  	[spmem:s16], [sflag:s15] =	dma.local [hbm:s5], $0x2780  }
0x50: {  	_ =	swait.ge [sflag:s9], $0x2780  }
0x51: {  	[sflag:s9] =	ssyncset.done $0x0  }
0x52: {  	[sflag:s9] =	ssyncadd.s32 $0xFFFFD880  }
0x53: {  	s24 =	simm.s32 $0x0;
	[bflag:$0x0] =	sbarrier.arrive $0xFFFF  }
.LBB2_2:
0x54: {  	_ =	swait.ge [sflag:s17], $0x4000  }
0x55: {  	[sflag:s17] =	ssyncset.done $0x0  }
0x56: {  	[sflag:s17] =	ssyncadd.s32 $0xFFFFC000  }
0x57: {  	[spmem:s2] =	stream.indirect.scatter.add.f32 [tilespmem:s12], [sflag:$0x3], $0x80, s18, s10, $0xb8;
	[tilespmem:$0x1E580] =	vst v63  }
0x58: {  	_ =	swait.ge [sflag:s19], $0x4000  }
0x59: {  	p2 =	seq.s32 @!p0 s24, $0x9800;
	[sflag:s19] =	ssyncset.done $0x0  }
0x5a: {  	s25 =	sshra.s32 s24, $0x2;
	p2 =	por p0, !p2;
	[sflag:s19] =	ssyncadd.s32 $0xFFFFC000  }
0x5b: {  	v0 =	vld @p2 [tilespmem:s25+$0x100];
	_ =	sdelay $0x4  }
0x5c: {  	v1 =	vand.u32 @p2 $0x3FFF, v0  }
0x5d: {  	v0 =	vshra.s32 @p2 v0, $0xE;
	[tilespmem:$0x2780] =	vst @p2 v1  }
0x5e: {  	[tilespmem:$0x2880] =	vst @p2 v0  }
0x5f: {  	v0 =	vld @p2 [tilespmem:s25+$0x110];
	_ =	sdelay $0x4  }
0x60: {  	v1 =	vand.u32 @p2 $0x3FFF, v0  }
0x61: {  	v0 =	vshra.s32 @p2 v0, $0xE;
	[tilespmem:$0x2790] =	vst @p2 v1  }
0x62: {  	[tilespmem:$0x2890] =	vst @p2 v0  }
0x63: {  	v0 =	vld @p2 [tilespmem:s25+$0x120];
	_ =	sdelay $0x4  }
0x64: {  	v1 =	vand.u32 @p2 $0x3FFF, v0  }
0x65: {  	v0 =	vshra.s32 @p2 v0, $0xE;
	[tilespmem:$0x27A0] =	vst @p2 v1  }
0x66: {  	[tilespmem:$0x28A0] =	vst @p2 v0  }
0x67: {  	v0 =	vld @p2 [tilespmem:s25+$0x130];
	_ =	sdelay $0x4  }
0x68: {  	v1 =	vand.u32 @p2 $0x3FFF, v0  }
0x69: {  	v0 =	vshra.s32 @p2 v0, $0xE;
	[tilespmem:$0x27B0] =	vst @p2 v1  }
0x6a: {  	[tilespmem:$0x28B0] =	vst @p2 v0  }
0x6b: {  	v0 =	vld @p2 [tilespmem:s25+$0x140];
	_ =	sdelay $0x4  }
0x6c: {  	v1 =	vand.u32 @p2 $0x3FFF, v0  }
0x6d: {  	v0 =	vshra.s32 @p2 v0, $0xE;
	[tilespmem:$0x27C0] =	vst @p2 v1  }
0x6e: {  	[tilespmem:$0x28C0] =	vst @p2 v0  }
0x6f: {  	v0 =	vld @p2 [tilespmem:s25+$0x150];
	_ =	sdelay $0x4  }
0x70: {  	v1 =	vand.u32 @p2 $0x3FFF, v0  }
0x71: {  	v0 =	vshra.s32 @p2 v0, $0xE;
	[tilespmem:$0x27D0] =	vst @p2 v1  }
0x72: {  	[tilespmem:$0x28D0] =	vst @p2 v0  }
0x73: {  	v0 =	vld @p2 [tilespmem:s25+$0x160];
	_ =	sdelay $0x4  }
0x74: {  	v1 =	vand.u32 @p2 $0x3FFF, v0  }
0x75: {  	v0 =	vshra.s32 @p2 v0, $0xE;
	[tilespmem:$0x27E0] =	vst @p2 v1  }
0x76: {  	[tilespmem:$0x28E0] =	vst @p2 v0  }
0x77: {  	v0 =	vld @p2 [tilespmem:s25+$0x170];
	_ =	sdelay $0x4  }
0x78: {  	v1 =	vand.u32 @p2 $0x3FFF, v0  }
0x79: {  	v0 =	vshra.s32 @p2 v0, $0xE;
	[tilespmem:$0x27F0] =	vst @p2 v1  }
0x7a: {  	[tilespmem:$0x28F0] =	vst @p2 v0  }
0x7b: {  	[tilespmem:s12], [sflag:$0x1] =	stream.indirect.gather @p2 [hbm4b:s4+s10], $0x80, s11, s10, $0xb8;
	[tilespmem:$0x1E580] =	vst v63  }
0x7c: {  	_ =	swait.ge [sflag:s20], $0x4000  }
0x7d: {  	p2 =	seq.s32 s24, $0x9800;
	[sflag:s20] =	ssyncset.done $0x0  }
.Ltmp2:
0x7e: {  	[sflag:s20] =	ssyncadd.s32 $0xFFFFC000;
	(pc) =	sbr.rel @p2 .LBB2_4-.Ltmp2, $4  }
0x7f: {  	[spmem:s2] =	stream.indirect.scatter.add.f32 [tilespmem:s14], [sflag:$0x4], $0x80, s21, s10, $0xb8;
	[tilespmem:$0x1E580] =	vst v63  }
0x80: {  	_ =	swait.ge [sflag:s22], $0x4000  }
0x81: {  	[sflag:s22] =	ssyncset.done $0x0  }
0x82: {  	[sflag:s22] =	ssyncadd.s32 $0xFFFFC000  }
0x83: {  	v0 =	vld [tilespmem:s25+$0x180];
	_ =	sdelay $0x4  }
0x84: {  	v1 =	vand.u32 $0x3FFF, v0  }
0x85: {  	v0 =	vshra.s32 v0, $0xE;
	[tilespmem:$0x2800] =	vst v1  }
0x86: {  	[tilespmem:$0x2900] =	vst v0  }
0x87: {  	v0 =	vld [tilespmem:s25+$0x190];
	_ =	sdelay $0x4  }
0x88: {  	v57 =	vand.u32 $0x3FFF, v0  }
0x89: {  	v0 =	vshra.s32 v0, $0xE;
	[tilespmem:$0x2810] =	vst v57  }
0x8a: {  	[tilespmem:$0x2910] =	vst v0  }
0x8b: {  	v0 =	vld [tilespmem:s25+$0x1A0];
	_ =	sdelay $0x4  }
0x8c: {  	v58 =	vand.u32 $0x3FFF, v0  }
0x8d: {  	v0 =	vshra.s32 v0, $0xE;
	[tilespmem:$0x2820] =	vst v58  }
0x8e: {  	[tilespmem:$0x2920] =	vst v0  }
0x8f: {  	v0 =	vld [tilespmem:s25+$0x1B0];
	_ =	sdelay $0x4  }
0x90: {  	v59 =	vand.u32 $0x3FFF, v0  }
0x91: {  	v0 =	vshra.s32 v0, $0xE;
	[tilespmem:$0x2830] =	vst v59  }
0x92: {  	[tilespmem:$0x2930] =	vst v0  }
0x93: {  	v0 =	vld [tilespmem:s25+$0x1C0];
	_ =	sdelay $0x4  }
0x94: {  	v60 =	vand.u32 $0x3FFF, v0  }
0x95: {  	v0 =	vshra.s32 v0, $0xE;
	[tilespmem:$0x2840] =	vst v60  }
0x96: {  	[tilespmem:$0x2940] =	vst v0  }
0x97: {  	v0 =	vld [tilespmem:s25+$0x1D0];
	_ =	sdelay $0x4  }
0x98: {  	v61 =	vand.u32 $0x3FFF, v0  }
0x99: {  	v0 =	vshra.s32 v0, $0xE;
	[tilespmem:$0x2850] =	vst v61  }
0x9a: {  	[tilespmem:$0x2950] =	vst v0  }
0x9b: {  	v0 =	vld [tilespmem:s25+$0x1E0];
	_ =	sdelay $0x4  }
0x9c: {  	v62 =	vand.u32 $0x3FFF, v0  }
0x9d: {  	v0 =	vshra.s32 v0, $0xE;
	[tilespmem:$0x2860] =	vst v62  }
0x9e: {  	[tilespmem:$0x2960] =	vst v0  }
0x9f: {  	v0 =	vld [tilespmem:s25+$0x1F0];
	_ =	sdelay $0x3  }
.Ltmp3:
0xa0: {  	_ = 	snop;
	(pc) =	sbr.rel .LBB2_2-.Ltmp3, $4  }
0xa1: {  	v63 =	vand.u32 $0x3FFF, v0  }
0xa2: {  	v0 =	vshra.s32 v0, $0xE;
	[tilespmem:$0x2870] =	vst v63  }
0xa3: {  	s24 =	sadd.s32 $0x400, s24;
	[tilespmem:$0x2970] =	vst v0  }
0xa4: {  	[tilespmem:s14], [sflag:$0x2] =	stream.indirect.gather [hbm4b:s4+s10], $0x80, s13, s10, $0xb8;
	[tilespmem:$0x1E580] =	vst v63  }
.LBB2_5:
0xa5: {  	_ =	sfence.sel $0x180000  }
0xa6: {  	[bflag:$0x0] =	sbarrier.arrive $0xFFFF  }
0xa7: {  	p0 =	sne.s32 s1, $0x0;
	_ =	strace $0x9000004D  }
0xa8: {  	s0 =	sadd.s32 @!p0 $0x100000, s0;
	[bflag:$0x2] =	sbarrier.arrive $0xFFFF  }
0xa9: {  	[sflag:s0] =	ssyncadd.tile.s32 @!p0 $0x1;
	_ =	shalt  }
.Lfunc_end2:
_tile_overlayer_lowered:
.L_overlay_start_2:
0xaa: {  	(tag) =	ssettag $0x2  }
0xab: {  	s0 =	rddreg [dreg:$0x0];
	s2 =	stileid.u32  }
0xac: {  	s1 =	rddreg [dreg:$0x1];
	p0 =	sne.s32 s2, $0x0  }
0xad: {  	s3 =	rddreg [dreg:$0x2];
	[bflag:$0x3] =	sbarrier.arrive $0xFFFF;
	s2 =	simm.s32 @!p0 $0x1C05  }
0xae: {  	[timem:s3], [sflag:s2] =	dma.local @!p0 [hbm:s0], s1  }
0xaf: {  	s0 =	simm.s32 @!p0 $0x5  }
0xb0: {  	_ =	swait.ge @!p0 [sflag:s0], s1  }
0xb1: {  	s1 =	ssub.s32 @!p0 $0x0, s1;
	[sflag:s0] =	ssyncset.done @!p0 $0x0  }
0xb2: {  	[sflag:s0] =	ssyncadd.s32 @!p0 s1  }
0xb3: {  	[bflag:$0x3] =	sbarrier.arrive $0xFFFF  }
0xb4: {  	_ =	shalt  }

</sc_bundles>
